<compile_context>
chip_gen: v7x
topology: tpu7x:2x2x1
jax: 0.10.2.dev20260603
libtpu: 0.0.44.dev20260713+nightly
codegen_flags: <defaults>
</compile_context>

<pallas_src>
import functools

import jax
import jax.numpy as jnp
import numpy as np
from jax import lax
from jax.experimental import pallas as pl
from jax.experimental.pallas import tpu as pltpu
from jax.experimental.pallas import tpu_sc as plsc

SI = 128
VI = 32
K = 20
CUTOFF = 5.0

TDST_W = 256
TSRC_W = 256


def _silu(x):
    return x * jax.nn.sigmoid(x)


def _prep_body(s_ref, v_ref, pos_ref, wvec_t_ref, tdst_ref, tsrc_ref):
    s = s_ref[...]
    vflat = v_ref[...]
    pos = pos_ref[...]
    wv = wvec_t_ref[...]
    b = s.shape[0]
    vw = [jnp.dot(vflat[:, c * VI:(c + 1) * VI], wv,
                  preferred_element_type=jnp.float32) for c in range(3)]
    pad_d = jnp.zeros((b, TDST_W - SI - 3), jnp.float32)
    pad_s = jnp.zeros((b, TSRC_W - 2 * SI - 3 + VI), jnp.float32)
    tdst_ref[...] = jnp.concatenate([s, pos, pad_d], axis=1)
    tsrc_ref[...] = jnp.concatenate([s] + vw + [pos, pad_s], axis=1)


def _prep_call(s, vflat, pos, wvec_t, n):
    bn = 1000
    grid = (n // bn,)
    return pl.pallas_call(
        _prep_body,
        grid=grid,
        in_specs=[
            pl.BlockSpec((bn, SI), lambda i: (i, 0)),
            pl.BlockSpec((bn, 3 * VI), lambda i: (i, 0)),
            pl.BlockSpec((bn, 3), lambda i: (i, 0)),
            pl.BlockSpec((VI, VI), lambda i: (0, 0)),
        ],
        out_specs=[
            pl.BlockSpec((bn, TDST_W), lambda i: (i, 0)),
            pl.BlockSpec((bn, TSRC_W), lambda i: (i, 0)),
        ],
        out_shape=[
            jax.ShapeDtypeStruct((n, TDST_W), jnp.float32),
            jax.ShapeDtypeStruct((n, TSRC_W), jnp.float32),
        ],
    )(s, vflat, pos, wvec_t)


GCH = 80


def _gather_call(tdst, tsrc, src_idx, dst_idx, e):
    n_workers = 32
    per = e // n_workers
    assert per % GCH == 0
    niter = per // GCH
    npair = niter // 2
    tail = niter - 2 * npair
    mesh = plsc.VectorSubcoreMesh(core_axis_name="c", subcore_axis_name="s")

    @functools.partial(
        pl.kernel,
        mesh=mesh,
        out_type=[
            jax.ShapeDtypeStruct((e, TDST_W), jnp.float32),
            jax.ShapeDtypeStruct((e, TSRC_W), jnp.float32),
        ],
        scratch_types=[
            pltpu.VMEM((2, GCH), jnp.int32),
            pltpu.VMEM((2, GCH), jnp.int32),
            pltpu.VMEM((GCH, TDST_W), jnp.float32),
            pltpu.VMEM((GCH, TSRC_W), jnp.float32),
            pltpu.VMEM((GCH, TDST_W), jnp.float32),
            pltpu.VMEM((GCH, TSRC_W), jnp.float32),
            pltpu.SemaphoreType.DMA,
            pltpu.SemaphoreType.DMA,
            pltpu.SemaphoreType.DMA,
            pltpu.SemaphoreType.DMA,
        ],
    )
    def gather_k(tdst_hbm, tsrc_hbm, src_hbm, dst_hbm,
                 otd_hbm, ots_hbm,
                 dsti_v, srci_v, btd0, bts0, btd1, bts1,
                 gsem0, gsem1, wsem0, wsem1):
        wid = lax.axis_index("s") * 2 + lax.axis_index("c")
        tile_base = wid * per

        def wait_writes(btd, bts, wsem):
            pltpu.make_async_copy(btd, otd_hbm.at[pl.ds(tile_base, GCH)], wsem).wait()
            pltpu.make_async_copy(bts, ots_hbm.at[pl.ds(tile_base, GCH)], wsem).wait()

        def body(j, carry):
            a = tile_base + (2 * j) * GCH
            b = a + GCH

            @pl.when(j > 0)
            def _():
                wait_writes(btd0, bts0, wsem0)

            pltpu.sync_copy(dst_hbm.at[pl.ds(a, GCH)], dsti_v.at[0])
            pltpu.sync_copy(src_hbm.at[pl.ds(a, GCH)], srci_v.at[0])
            g1 = pltpu.async_copy(tdst_hbm.at[dsti_v.at[0]], btd0, gsem0)
            g2 = pltpu.async_copy(tsrc_hbm.at[srci_v.at[0]], bts0, gsem0)

            @pl.when(j > 0)
            def _():
                wait_writes(btd1, bts1, wsem1)

            pltpu.sync_copy(dst_hbm.at[pl.ds(b, GCH)], dsti_v.at[1])
            pltpu.sync_copy(src_hbm.at[pl.ds(b, GCH)], srci_v.at[1])
            g3 = pltpu.async_copy(tdst_hbm.at[dsti_v.at[1]], btd1, gsem1)
            g4 = pltpu.async_copy(tsrc_hbm.at[srci_v.at[1]], bts1, gsem1)

            g1.wait()
            g2.wait()
            pltpu.async_copy(btd0, otd_hbm.at[pl.ds(a, GCH)], wsem0)
            pltpu.async_copy(bts0, ots_hbm.at[pl.ds(a, GCH)], wsem0)
            g3.wait()
            g4.wait()
            pltpu.async_copy(btd1, otd_hbm.at[pl.ds(b, GCH)], wsem1)
            pltpu.async_copy(bts1, ots_hbm.at[pl.ds(b, GCH)], wsem1)
            return carry

        lax.fori_loop(0, npair, body, 0)
        wait_writes(btd0, bts0, wsem0)
        wait_writes(btd1, bts1, wsem1)
        if tail:
            t = tile_base + (2 * npair) * GCH
            pltpu.sync_copy(dst_hbm.at[pl.ds(t, GCH)], dsti_v.at[0])
            pltpu.sync_copy(src_hbm.at[pl.ds(t, GCH)], srci_v.at[0])
            g1 = pltpu.async_copy(tdst_hbm.at[dsti_v.at[0]], btd0, gsem0)
            g2 = pltpu.async_copy(tsrc_hbm.at[srci_v.at[0]], bts0, gsem0)
            g1.wait()
            g2.wait()
            pltpu.sync_copy(btd0, otd_hbm.at[pl.ds(t, GCH)])
            pltpu.sync_copy(bts0, ots_hbm.at[pl.ds(t, GCH)])

    return gather_k(tdst, tsrc, src_idx, dst_idx)


def _edge_body(tdst_ref, tsrc_ref, w1_t_ref, b1_ref, w2s_t_ref, b2s_ref,
               wg_t_ref, bg_ref, mre_ref, ms1_ref, ms2_ref, ms_ref, mvd_ref):
    tdst = tdst_ref[...]
    tsrc = tsrc_ref[...]
    s_j = tsrc[:, :SI]
    b = tdst.shape[0]

    s_i = tdst[:, :SI]
    pos_i = tdst[:, SI:SI + 3]
    pos_j = tsrc[:, SI + 3 * VI:SI + 3 * VI + 3]
    rel = pos_i - pos_j
    d2 = jnp.sum(rel * rel, axis=1, keepdims=True)
    d = jnp.sqrt(d2 + 1e-12)
    inv_d = 1.0 / d
    r_unit = rel * inv_d

    ks = lax.broadcasted_iota(jnp.int32, (1, K), 1).astype(jnp.float32) + 1.0
    t = (d * (1.0 / CUTOFF)) * ks
    r = jnp.round(t)
    w = t - r
    half_par = r * 0.5
    sign = 1.0 - 4.0 * (half_par - jnp.floor(half_par))
    y = np.pi * w
    y2 = y * y
    siny = y * (1.0 + y2 * (-1.0 / 6.0 + y2 * (1.0 / 120.0
                + y2 * (-1.0 / 5040.0 + y2 * (1.0 / 362880.0)))))
    de = sign * siny * inv_d * np.sqrt(2.0 / CUTOFF)
    rs = d * (1.0 / CUTOFF)
    rs2 = rs * rs
    rs3 = rs2 * rs
    rs6 = rs3 * rs3
    rs7 = rs6 * rs
    rs8 = rs7 * rs
    dc = (1.0 - 28.0 * rs6 + 48.0 * rs7 - 21.0 * rs8) * (rs < 1.0)
    de = de * dc

    w1 = w1_t_ref[...]
    hpre = (jnp.dot(s_i, w1[:SI], preferred_element_type=jnp.float32)
            + jnp.dot(s_j, w1[SI:2 * SI], preferred_element_type=jnp.float32)
            + jnp.dot(de, w1[2 * SI:], preferred_element_type=jnp.float32)
            + b1_ref[...])
    h = _silu(hpre)
    a_s = jnp.dot(h, w2s_t_ref[...], preferred_element_type=jnp.float32) + b2s_ref[...]
    ms_ref[...] = a_s * s_j

    wg = wg_t_ref[...]
    g0 = jnp.dot(h, wg[:SI], preferred_element_type=jnp.float32) + bg_ref[0:1]
    g1 = jnp.dot(h, wg[SI:2 * SI], preferred_element_type=jnp.float32) + bg_ref[1:2]
    g2 = jnp.dot(h, wg[2 * SI:], preferred_element_type=jnp.float32) + bg_ref[2:3]

    vje = tsrc[:, SI:2 * SI]
    lane = lax.broadcasted_iota(jnp.int32, (1, SI), 1)
    mask96 = (lane < 3 * VI).astype(jnp.float32)
    vjz = vje * mask96
    r64 = pltpu.roll(vjz, 64, axis=1)
    vj1p = jnp.where(lane < 64, pltpu.roll(vjz, 96, axis=1), r64)
    vj2p = jnp.where(lane < 32, r64, pltpu.roll(vjz, 32, axis=1))
    ones = jnp.ones((b, 1), jnp.float32)
    ru4 = jnp.concatenate([r_unit, ones], axis=1)
    hp = jax.lax.Precision.HIGHEST
    re = jnp.dot(ru4, mre_ref[...], preferred_element_type=jnp.float32,
                 precision=hp)
    res1 = jnp.dot(ru4, ms1_ref[...], preferred_element_type=jnp.float32,
                   precision=hp)
    res2 = jnp.dot(ru4, ms2_ref[...], preferred_element_type=jnp.float32,
                   precision=hp)
    cross = vj1p * res2 - vj2p * res1
    mvd_ref[...] = g0 * vjz + g1 * re + g2 * cross


def _edge_call(tdg, tsg, w1_t, b1, w2s_t, b2s, wg_t, bg, mre, ms1, ms2, e):
    be = 1280
    assert e % be == 0
    grid = (e // be,)
    return pl.pallas_call(
        _edge_body,
        grid=grid,
        in_specs=[
            pl.BlockSpec((be, TDST_W), lambda i: (i, 0)),
            pl.BlockSpec((be, TSRC_W), lambda i: (i, 0)),
            pl.BlockSpec((2 * SI + K, SI), lambda i: (0, 0)),
            pl.BlockSpec((1, SI), lambda i: (0, 0)),
            pl.BlockSpec((SI, SI), lambda i: (0, 0)),
            pl.BlockSpec((1, SI), lambda i: (0, 0)),
            pl.BlockSpec((3 * SI, SI), lambda i: (0, 0)),
            pl.BlockSpec((3, SI), lambda i: (0, 0)),
            pl.BlockSpec((4, SI), lambda i: (0, 0)),
            pl.BlockSpec((4, SI), lambda i: (0, 0)),
            pl.BlockSpec((4, SI), lambda i: (0, 0)),
        ],
        out_specs=[
            pl.BlockSpec((be, SI), lambda i: (i, 0)),
            pl.BlockSpec((be, SI), lambda i: (i, 0)),
        ],
        out_shape=[
            jax.ShapeDtypeStruct((e, SI), jnp.float32),
            jax.ShapeDtypeStruct((e, SI), jnp.float32),
        ],
    )(tdg, tsg, w1_t, b1, w2s_t, b2s, wg_t, bg, mre, ms1, ms2)


SCH = 80


def _scatter_call(ms, mvd, dst_idx, zeros_n, n, e):
    n_tiles = 16
    per = e // n_tiles
    assert per % (2 * SCH) == 0
    npair = per // (2 * SCH)
    rows_per = (n // n_tiles) & ~7
    tail_base = n_tiles * rows_per
    tail = n - tail_base
    mesh = plsc.VectorSubcoreMesh(core_axis_name="c", subcore_axis_name="s")

    @functools.partial(
        pl.kernel,
        mesh=mesh,
        out_type=[
            jax.ShapeDtypeStruct((n, SI), jnp.float32),
            jax.ShapeDtypeStruct((n, SI), jnp.float32),
        ],
        scratch_types=[
            pltpu.VMEM((2, SCH), jnp.int32),
            pltpu.VMEM((SCH, SI), jnp.float32),
            pltpu.VMEM((SCH, SI), jnp.float32),
            pltpu.VMEM_SHARED((n, SI), jnp.float32),
            pltpu.SemaphoreType.DMA,
            pltpu.SemaphoreType.DMA,
            pltpu.SemaphoreType.DMA,
            pltpu.SemaphoreType.DMA,
        ],
    )
    def scatter_k(ms_hbm, mvd_hbm, dst_hbm, zeros_hbm, oms_hbm, omvd_hbm,
                  idx_v, row0, row1, acc_sh, rsem0, rsem1, ssem0, ssem1):
        cid = lax.axis_index("c")
        sid = lax.axis_index("s")
        pltpu.sync_copy(zeros_hbm.at[pl.ds(sid * rows_per, rows_per)],
                        acc_sh.at[pl.ds(sid * rows_per, rows_per)])

        @pl.when(sid == 0)
        def _():
            pltpu.sync_copy(zeros_hbm.at[pl.ds(tail_base, tail)],
                            acc_sh.at[pl.ds(tail_base, tail)])

        plsc.subcore_barrier()

        def run(src_hbm):
            def body(j, carry):
                a = sid * per + (2 * j) * SCH
                b = a + SCH

                @pl.when(j > 0)
                def _():
                    pltpu.make_async_copy(
                        row0, acc_sh.at[idx_v.at[0]], ssem0).wait()

                pltpu.sync_copy(dst_hbm.at[pl.ds(a, SCH)], idx_v.at[0])
                r0 = pltpu.async_copy(src_hbm.at[pl.ds(a, SCH)], row0, rsem0)

                @pl.when(j > 0)
                def _():
                    pltpu.make_async_copy(
                        row1, acc_sh.at[idx_v.at[1]], ssem1).wait()

                pltpu.sync_copy(dst_hbm.at[pl.ds(b, SCH)], idx_v.at[1])
                r1 = pltpu.async_copy(src_hbm.at[pl.ds(b, SCH)], row1, rsem1)

                r0.wait()
                pltpu.async_copy(row0, acc_sh.at[idx_v.at[0]], ssem0, add=True)
                r1.wait()
                pltpu.async_copy(row1, acc_sh.at[idx_v.at[1]], ssem1, add=True)
                return carry

            lax.fori_loop(0, npair, body, 0)
            pltpu.make_async_copy(row0, acc_sh.at[idx_v.at[0]], ssem0).wait()
            pltpu.make_async_copy(row1, acc_sh.at[idx_v.at[1]], ssem1).wait()

        @pl.when(cid == 0)
        def _():
            run(ms_hbm)

        @pl.when(cid == 1)
        def _():
            run(mvd_hbm)

        plsc.subcore_barrier()

        @pl.when(cid == 0)
        def _():
            pltpu.sync_copy(acc_sh.at[pl.ds(sid * rows_per, rows_per)],
                            oms_hbm.at[pl.ds(sid * rows_per, rows_per)])

            @pl.when(sid == 0)
            def _():
                pltpu.sync_copy(acc_sh.at[pl.ds(tail_base, tail)],
                                oms_hbm.at[pl.ds(tail_base, tail)])

        @pl.when(cid == 1)
        def _():
            pltpu.sync_copy(acc_sh.at[pl.ds(sid * rows_per, rows_per)],
                            omvd_hbm.at[pl.ds(sid * rows_per, rows_per)])

            @pl.when(sid == 0)
            def _():
                pltpu.sync_copy(acc_sh.at[pl.ds(tail_base, tail)],
                                omvd_hbm.at[pl.ds(tail_base, tail)])

    return scatter_k(ms, mvd, dst_idx, zeros_n)


def _node_body(msagg_ref, mvd_ref, s_ref, v_ref, wv0_t_ref, ws1_t_ref,
               bs1_ref, ws2_t_ref, bs2_ref, wv1_t_ref, sout_ref, vout_ref):
    ms_agg = msagg_ref[...]
    mvd = mvd_ref[...]
    s = s_ref[...]
    vflat = v_ref[...]

    deg = mvd[:, 3 * VI:3 * VI + 1]
    inv_deg = 1.0 / jnp.maximum(deg, 1.0)
    wv0 = wv0_t_ref[...]
    vv = [jnp.dot(mvd[:, c * VI:(c + 1) * VI] * inv_deg, wv0,
                  preferred_element_type=jnp.float32) for c in range(3)]
    vn2 = sum(vv[c][:, :VI] * vv[c][:, :VI] for c in range(3))
    vnorm = jnp.sqrt(jnp.maximum(vn2, 1e-6))
    scat = jnp.concatenate([ms_agg, vnorm], axis=1)
    hh = _silu(jnp.dot(scat, ws1_t_ref[...], preferred_element_type=jnp.float32)
               + bs1_ref[...])
    o = jnp.dot(hh, ws2_t_ref[...], preferred_element_type=jnp.float32) + bs2_ref[...]
    gate = o[:, :VI]
    s_upd = o[:, VI:]
    wv1 = wv1_t_ref[...]
    vupd = [jnp.dot(gate * vv[c][:, VI:], wv1,
                    preferred_element_type=jnp.float32) for c in range(3)]
    sout_ref[...] = s + s_upd
    vout_ref[...] = vflat + jnp.concatenate(vupd, axis=1)


def _node_call(ms_agg, mvd_agg, s, vflat, wv0_t, ws1_t, bs1, ws2_t, bs2,
               wv1_t, n):
    bn = 1000
    grid = (n // bn,)
    return pl.pallas_call(
        _node_body,
        grid=grid,
        in_specs=[
            pl.BlockSpec((bn, SI), lambda i: (i, 0)),
            pl.BlockSpec((bn, SI), lambda i: (i, 0)),
            pl.BlockSpec((bn, SI), lambda i: (i, 0)),
            pl.BlockSpec((bn, 3 * VI), lambda i: (i, 0)),
            pl.BlockSpec((VI, 2 * VI), lambda i: (0, 0)),
            pl.BlockSpec((VI + SI, SI), lambda i: (0, 0)),
            pl.BlockSpec((1, SI), lambda i: (0, 0)),
            pl.BlockSpec((SI, VI + SI), lambda i: (0, 0)),
            pl.BlockSpec((1, VI + SI), lambda i: (0, 0)),
            pl.BlockSpec((VI, VI), lambda i: (0, 0)),
        ],
        out_specs=[
            pl.BlockSpec((bn, SI), lambda i: (i, 0)),
            pl.BlockSpec((bn, 3 * VI), lambda i: (i, 0)),
        ],
        out_shape=[
            jax.ShapeDtypeStruct((n, SI), jnp.float32),
            jax.ShapeDtypeStruct((n, 3 * VI), jnp.float32),
        ],
    )(ms_agg, mvd_agg, s, vflat, wv0_t, ws1_t, bs1, ws2_t, bs2, wv1_t)


def kernel(s, v, pos, edge_index, W_edge1, b_edge1, W_edge2, b_edge2,
           W_vec, W_v0, W_s1, b_s1, W_s2, b_s2, W_v1):
    n = s.shape[0]
    e = edge_index.shape[1]
    vflat = v.reshape(n, 3 * VI)
    src = edge_index[0]
    dst = edge_index[1]

    tdst, tsrc = _prep_call(s, vflat, pos, W_vec.T, n)

    tdg, tsg = _gather_call(tdst, tsrc, src, dst, e)

    w2t = W_edge2.T
    w2s_t = w2t[:, :SI]
    b2s = b_edge2[None, :SI]
    zpad = jnp.zeros((SI, SI - 3 * VI), jnp.float32)
    reps = [jnp.concatenate(
        [w2t[:, SI + k * VI:SI + (k + 1) * VI]] * 3 + [zpad], axis=1)
        for k in range(3)]
    wg_t = jnp.concatenate(reps, axis=0)
    tail0 = jnp.zeros((SI - 3 * VI,), jnp.float32)
    tail1 = tail0.at[0].set(1.0)
    bg = jnp.stack([
        jnp.concatenate([b_edge2[SI + k * VI:SI + (k + 1) * VI]] * 3
                        + [tail1 if k == 1 else tail0])
        for k in range(3)])
    mre_np = np.zeros((4, SI), np.float32)
    ms1_np = np.zeros((4, SI), np.float32)
    ms2_np = np.zeros((4, SI), np.float32)
    for c in range(3):
        mre_np[c, c * VI:(c + 1) * VI] = 1.0
        ms1_np[(c + 1) % 3, c * VI:(c + 1) * VI] = 1.0
        ms2_np[(c + 2) % 3, c * VI:(c + 1) * VI] = 1.0
    mre_np[3, 3 * VI] = 1.0
    mre = jnp.asarray(mre_np)
    ms1 = jnp.asarray(ms1_np)
    ms2 = jnp.asarray(ms2_np)

    ms, mvd = _edge_call(tdg, tsg, W_edge1.T, b_edge1[None, :],
                         w2s_t, b2s, wg_t, bg, mre, ms1, ms2, e)

    zeros_n = jnp.zeros((n, SI), jnp.float32)
    ms_agg, mvd_agg = _scatter_call(ms, mvd, dst, zeros_n, n, e)

    s_out, v_out = _node_call(ms_agg, mvd_agg, s, vflat, W_v0.T, W_s1.T,
                              b_s1[None, :], W_s2.T, b_s2[None, :], W_v1.T, n)
    return (s_out, v_out.reshape(n, 3, VI))

# --- scband reference (transcript-rebuilt; emitter-appended) ---
"""Pipeline reference for scband-res-eqgatmodel-61383672594540 (READ-ONLY COPY).

The authoritative reference and input builder live on the scoring server;
editing this copy changes nothing except your own understanding.
"""

import jax, jax.numpy as jnp
import numpy as np

N = 10000
E = 320000
SI = 128
VI = 32
K = 20
CUTOFF = 5.0


def setup_inputs(seed: int = 0) -> dict:
    key = jax.random.key(seed)
    ks = jax.random.split(key, 16)
    s = jax.random.normal(ks[0], (N, SI), dtype=jnp.float32)
    v = jax.random.normal(ks[1], (N, 3, VI), dtype=jnp.float32)
    pos = jax.random.normal(ks[2], (N, 3), dtype=jnp.float32)
    edge_index = jax.random.randint(ks[3], (2, E), 0, N)
    sc = 0.05
    W_edge1 = jax.random.normal(ks[4], (SI, 2 * SI + K), dtype=jnp.float32) * sc
    b_edge1 = jnp.zeros((SI,), dtype=jnp.float32)
    W_edge2 = jax.random.normal(ks[5], (3 * VI + SI, SI), dtype=jnp.float32) * sc
    b_edge2 = jnp.zeros((3 * VI + SI,), dtype=jnp.float32)
    W_vec = jax.random.normal(ks[6], (VI, VI), dtype=jnp.float32) * sc
    W_v0 = jax.random.normal(ks[7], (2 * VI, VI), dtype=jnp.float32) * sc
    W_s1 = jax.random.normal(ks[8], (SI, VI + SI), dtype=jnp.float32) * sc
    b_s1 = jnp.zeros((SI,), dtype=jnp.float32)
    W_s2 = jax.random.normal(ks[9], (VI + SI, SI), dtype=jnp.float32) * sc
    b_s2 = jnp.zeros((VI + SI,), dtype=jnp.float32)
    W_v1 = jax.random.normal(ks[10], (VI, VI), dtype=jnp.float32) * sc
    return {"s": s, "v": v, "pos": pos, "edge_index": edge_index,
            "W_edge1": W_edge1, "b_edge1": b_edge1, "W_edge2": W_edge2, "b_edge2": b_edge2,
            "W_vec": W_vec, "W_v0": W_v0, "W_s1": W_s1, "b_s1": b_s1,
            "W_s2": W_s2, "b_s2": b_s2, "W_v1": W_v1}


def reference(s, v, pos, edge_index, W_edge1, b_edge1, W_edge2, b_edge2,
              W_vec, W_v0, W_s1, b_s1, W_s2, b_s2, W_v1):
    src = edge_index[0]
    dst = edge_index[1]
    rel = pos[dst] - pos[src]
    d = jnp.sqrt(jnp.sum(rel * rel, axis=-1) + 1e-12)
    r_unit = rel / d[:, None]
    # Bessel radial basis (DimeNet)
    freq = jnp.pi * jnp.arange(1, K + 1, dtype=jnp.float32)
    ax = (d[:, None] / CUTOFF) * freq
    de = jnp.sin(ax) / d[:, None] * np.sqrt(2.0 / CUTOFF)
    # polynomial cutoff p=6
    p = 6.0
    rs = d / CUTOFF
    dc = (1.0 - (p + 1.0) * (p + 2.0) / 2.0 * rs ** p
          + p * (p + 2.0) * rs ** (p + 1.0)
          - p * (p + 1.0) / 2.0 * rs ** (p + 2.0)) * (rs < 1.0)
    de = dc[:, None] * de
    # edge network on gathered node scalars + radial features
    s_i = s[dst]
    s_j = s[src]
    a_in = jnp.concatenate([s_i, s_j, de], axis=-1)
    h = jax.nn.silu(a_in @ W_edge1.T + b_edge1)
    a = h @ W_edge2.T + b_edge2
    a_s = a[:, :SI]
    w0 = a[:, SI:SI + VI]
    w1 = a[:, SI + VI:SI + 2 * VI]
    w2 = a[:, SI + 2 * VI:]
    # scalar messages
    ms = a_s * s_j
    # vector messages (has_v_in: vector_net on gathered vectors, v_mul=3)
    vj = v[src] @ W_vec.T
    rb = jnp.broadcast_to(r_unit[:, :, None], vj.shape)
    mv = (w0[:, None, :] * vj
          + w1[:, None, :] * r_unit[:, :, None]
          + w2[:, None, :] * jnp.cross(vj, rb, axis=1))
    # aggregate: scalar sum, vector mean
    ms_agg = jax.ops.segment_sum(ms, dst, num_segments=N)
    mv_sum = jax.ops.segment_sum(mv, dst, num_segments=N)
    deg = jax.ops.segment_sum(jnp.ones_like(d), dst, num_segments=N)
    mv_agg = mv_sum / jnp.maximum(deg, 1.0)[:, None, None]
    # GatedEquivBlock update (use_mlp=True)
    vv = mv_agg @ W_v0.T
    vnorm = vv[..., :VI]
    vdir = vv[..., VI:]
    vnorm = jnp.sqrt(jnp.clip(jnp.sum(vnorm * vnorm, axis=1), 1e-6, None))
    scat = jnp.concatenate([ms_agg, vnorm], axis=-1)
    hh = jax.nn.silu(scat @ W_s1.T + b_s1)
    o = hh @ W_s2.T + b_s2
    gate = o[:, :VI]
    s_upd = o[:, VI:]
    v_upd = (gate[:, None, :] * vdir) @ W_v1.T
    # residual (RES_)
    return (s + s_upd, v + v_upd)

if __name__ == "__main__":
    import jax
    _d = setup_inputs()
    print(jax.jit(kernel)(*tuple(_d.values())))

</pallas_src>

<mosaic_0001>
#map = affine_map<(d0, d1) -> (0, 0)>
#map1 = affine_map<(d0, d1) -> (0)>
module attributes {stable_mosaic.version = 14 : i64} {
  func.func @gather_k(%arg0: i32, %arg1: i32, %arg2: memref<10000x256xf32, #tpu.memory_space<hbm>>, %arg3: memref<10000x256xf32, #tpu.memory_space<hbm>>, %arg4: memref<320000xi32, #tpu.memory_space<hbm>>, %arg5: memref<320000xi32, #tpu.memory_space<hbm>>, %arg6: memref<320000x256xf32, #tpu.memory_space<hbm>>, %arg7: memref<320000x256xf32, #tpu.memory_space<hbm>>, %arg8: memref<2x80xi32, #tpu.memory_space<vmem>>, %arg9: memref<2x80xi32, #tpu.memory_space<vmem>>, %arg10: memref<80x256xf32, #tpu.memory_space<vmem>>, %arg11: memref<80x256xf32, #tpu.memory_space<vmem>>, %arg12: memref<80x256xf32, #tpu.memory_space<vmem>>, %arg13: memref<80x256xf32, #tpu.memory_space<vmem>>, %arg14: memref<!tpu.dma_semaphore, #tpu.memory_space<semaphore_mem>>, %arg15: memref<!tpu.dma_semaphore, #tpu.memory_space<semaphore_mem>>, %arg16: memref<!tpu.dma_semaphore, #tpu.memory_space<semaphore_mem>>, %arg17: memref<!tpu.dma_semaphore, #tpu.memory_space<semaphore_mem>>) attributes {dimension_semantics = [#tpu.dimension_semantics<core_parallel>, #tpu.dimension_semantics<subcore_parallel>], iteration_bounds = array<i64: 2, 16>, scalar_prefetch = 0 : i64, scratch_operands = 10 : i64, tpu.core_type = #tpu.core_type<sc_vector_subcore>, window_params = [{transform_indices = #map}, {transform_indices = #map}, {transform_indices = #map1}, {transform_indices = #map1}, {transform_indices = #map}, {transform_indices = #map}]} {
    %mul3A = arith.constant 2 : i32
    %mul3A_0 = arith.muli %arg1, %mul3A : i32
    %add3A = arith.addi %mul3A_0, %arg0 : i32
    %mul3A_1 = arith.constant 10000 : i32
    %mul3A_2 = arith.muli %add3A, %mul3A_1 : i32
    %scan3A = arith.constant 0 : i32
    %scan3A_3 = arith.constant 0 : i32
    %scan3A_4 = arith.constant 62 : i32
    %scan3A_5 = arith.addi %scan3A_3, %scan3A_4 : i32
    %scan3A_6 = arith.constant 1 : i32
    scf.for %scan3A_53 = %scan3A_3 to %scan3A_5 step %scan3A_6  : i32 {
      %mul3A_54 = arith.constant 2 : i32
      %mul3A_55 = arith.muli %mul3A_54, %scan3A_53 : i32
      %mul3A_56 = arith.constant 80 : i32
      %mul3A_57 = arith.muli %mul3A_55, %mul3A_56 : i32
      %add3A_58 = arith.addi %mul3A_2, %mul3A_57 : i32
      %add3A_59 = arith.constant 80 : i32
      %add3A_60 = arith.addi %add3A_58, %add3A_59 : i32
      %gt3A = arith.constant 0 : i32
      %gt3A_61 = arith.cmpi sgt, %scan3A_53, %gt3A : i32
      %convert_element_type3A = arith.extui %gt3A_61 : i1 to i32
      %cond3A = arith.constant 0 : i32
      %cond3A_62 = arith.cmpi ne, %convert_element_type3A, %cond3A : i32
      scf.if %cond3A_62 {
        %dma_wait3A_144 = arith.constant 0 : i32
        %dma_wait3A_145 = tpu.memref_slice %arg6[%mul3A_2, %dma_wait3A_144] : memref<320000x256xf32, #tpu.memory_space<hbm>> -> memref<80x256xf32, #tpu.memory_space<hbm>>
        %dma_wait3A_146 = arith.constant 0 : i32
        %dma_wait3A_147 = tpu.memref_slice %arg6[%mul3A_2, %dma_wait3A_146] : memref<320000x256xf32, #tpu.memory_space<hbm>> -> memref<80x256xf32, #tpu.memory_space<hbm>>
        tpu.wait_dma2 semaphore(%arg16 : memref<!tpu.dma_semaphore, #tpu.memory_space<semaphore_mem>>) src(%arg10 : memref<80x256xf32, #tpu.memory_space<vmem>>) dst(%dma_wait3A_147 : memref<80x256xf32, #tpu.memory_space<hbm>>)
        %dma_wait3A_148 = arith.constant 0 : i32
        %dma_wait3A_149 = tpu.memref_slice %arg7[%mul3A_2, %dma_wait3A_148] : memref<320000x256xf32, #tpu.memory_space<hbm>> -> memref<80x256xf32, #tpu.memory_space<hbm>>
        %dma_wait3A_150 = arith.constant 0 : i32
        %dma_wait3A_151 = tpu.memref_slice %arg7[%mul3A_2, %dma_wait3A_150] : memref<320000x256xf32, #tpu.memory_space<hbm>> -> memref<80x256xf32, #tpu.memory_space<hbm>>
        tpu.wait_dma2 semaphore(%arg16 : memref<!tpu.dma_semaphore, #tpu.memory_space<semaphore_mem>>) src(%arg11 : memref<80x256xf32, #tpu.memory_space<vmem>>) dst(%dma_wait3A_151 : memref<80x256xf32, #tpu.memory_space<hbm>>)
      } else {
      }
      %run_scoped3A_63 = arith.constant 0 : i32
      "tpu.region"() ({
        %run_scoped3A_144 = tpu.sem_alloc : memref<!tpu.dma_semaphore, #tpu.memory_space<semaphore_mem>>
        %dma_start3A_145 = arith.constant 0 : i32
        %dma_start3A_146 = tpu.memref_slice %arg8[%run_scoped3A_63, %dma_start3A_145] : memref<2x80xi32, #tpu.memory_space<vmem>> -> memref<1x80xi32, #tpu.memory_space<vmem>>
        %dma_start3A_147 = tpu.memref_squeeze %dma_start3A_146 : memref<1x80xi32, #tpu.memory_space<vmem>> -> memref<80xi32, #tpu.memory_space<vmem>>
        %dma_start3A_148 = tpu.memref_slice %arg5[%add3A_58] : memref<320000xi32, #tpu.memory_space<hbm>> -> memref<80xi32, #tpu.memory_space<hbm>>
        %dma_start3A_149 = arith.constant 0 : i32
        %dma_start3A_150 = tpu.memref_slice %arg8[%run_scoped3A_63, %dma_start3A_149] : memref<2x80xi32, #tpu.memory_space<vmem>> -> memref<1x80xi32, #tpu.memory_space<vmem>>
        %dma_start3A_151 = tpu.memref_squeeze %dma_start3A_150 : memref<1x80xi32, #tpu.memory_space<vmem>> -> memref<80xi32, #tpu.memory_space<vmem>>
        %dma_start3A_152 = tpu.memref_slice %arg5[%add3A_58] : memref<320000xi32, #tpu.memory_space<hbm>> -> memref<80xi32, #tpu.memory_space<hbm>>
        tpu.enqueue_dma source(%dma_start3A_152 : memref<80xi32, #tpu.memory_space<hbm>>) target(%dma_start3A_151 : memref<80xi32, #tpu.memory_space<vmem>>) target_semaphore(%run_scoped3A_144 : memref<!tpu.dma_semaphore, #tpu.memory_space<semaphore_mem>>)
        %dma_wait3A_153 = arith.constant 0 : i32
        %dma_wait3A_154 = tpu.memref_slice %arg8[%run_scoped3A_63, %dma_wait3A_153] : memref<2x80xi32, #tpu.memory_space<vmem>> -> memref<1x80xi32, #tpu.memory_space<vmem>>
        %dma_wait3A_155 = tpu.memref_squeeze %dma_wait3A_154 : memref<1x80xi32, #tpu.memory_space<vmem>> -> memref<80xi32, #tpu.memory_space<vmem>>
        %dma_wait3A_156 = tpu.memref_slice %arg5[%add3A_58] : memref<320000xi32, #tpu.memory_space<hbm>> -> memref<80xi32, #tpu.memory_space<hbm>>
        %dma_wait3A_157 = arith.constant 0 : i32
        %dma_wait3A_158 = tpu.memref_slice %arg8[%run_scoped3A_63, %dma_wait3A_157] : memref<2x80xi32, #tpu.memory_space<vmem>> -> memref<1x80xi32, #tpu.memory_space<vmem>>
        %dma_wait3A_159 = tpu.memref_squeeze %dma_wait3A_158 : memref<1x80xi32, #tpu.memory_space<vmem>> -> memref<80xi32, #tpu.memory_space<vmem>>
        %dma_wait3A_160 = tpu.memref_slice %arg5[%add3A_58] : memref<320000xi32, #tpu.memory_space<hbm>> -> memref<80xi32, #tpu.memory_space<hbm>>
        tpu.wait_dma2 semaphore(%run_scoped3A_144 : memref<!tpu.dma_semaphore, #tpu.memory_space<semaphore_mem>>) src(%dma_wait3A_160 : memref<80xi32, #tpu.memory_space<hbm>>) dst(%dma_wait3A_159 : memref<80xi32, #tpu.memory_space<vmem>>)
        tpu.yield
      }) : () -> ()
      %run_scoped3A_64 = arith.constant 0 : i32
      "tpu.region"() ({
        %run_scoped3A_144 = tpu.sem_alloc : memref<!tpu.dma_semaphore, #tpu.memory_space<semaphore_mem>>
        %dma_start3A_145 = arith.constant 0 : i32
        %dma_start3A_146 = tpu.memref_slice %arg9[%run_scoped3A_64, %dma_start3A_145] : memref<2x80xi32, #tpu.memory_space<vmem>> -> memref<1x80xi32, #tpu.memory_space<vmem>>
        %dma_start3A_147 = tpu.memref_squeeze %dma_start3A_146 : memref<1x80xi32, #tpu.memory_space<vmem>> -> memref<80xi32, #tpu.memory_space<vmem>>
        %dma_start3A_148 = tpu.memref_slice %arg4[%add3A_58] : memref<320000xi32, #tpu.memory_space<hbm>> -> memref<80xi32, #tpu.memory_space<hbm>>
        %dma_start3A_149 = arith.constant 0 : i32
        %dma_start3A_150 = tpu.memref_slice %arg9[%run_scoped3A_64, %dma_start3A_149] : memref<2x80xi32, #tpu.memory_space<vmem>> -> memref<1x80xi32, #tpu.memory_space<vmem>>
        %dma_start3A_151 = tpu.memref_squeeze %dma_start3A_150 : memref<1x80xi32, #tpu.memory_space<vmem>> -> memref<80xi32, #tpu.memory_space<vmem>>
        %dma_start3A_152 = tpu.memref_slice %arg4[%add3A_58] : memref<320000xi32, #tpu.memory_space<hbm>> -> memref<80xi32, #tpu.memory_space<hbm>>
        tpu.enqueue_dma source(%dma_start3A_152 : memref<80xi32, #tpu.memory_space<hbm>>) target(%dma_start3A_151 : memref<80xi32, #tpu.memory_space<vmem>>) target_semaphore(%run_scoped3A_144 : memref<!tpu.dma_semaphore, #tpu.memory_space<semaphore_mem>>)
        %dma_wait3A_153 = arith.constant 0 : i32
        %dma_wait3A_154 = tpu.memref_slice %arg9[%run_scoped3A_64, %dma_wait3A_153] : memref<2x80xi32, #tpu.memory_space<vmem>> -> memref<1x80xi32, #tpu.memory_space<vmem>>
        %dma_wait3A_155 = tpu.memref_squeeze %dma_wait3A_154 : memref<1x80xi32, #tpu.memory_space<vmem>> -> memref<80xi32, #tpu.memory_space<vmem>>
        %dma_wait3A_156 = tpu.memref_slice %arg4[%add3A_58] : memref<320000xi32, #tpu.memory_space<hbm>> -> memref<80xi32, #tpu.memory_space<hbm>>
        %dma_wait3A_157 = arith.constant 0 : i32
        %dma_wait3A_158 = tpu.memref_slice %arg9[%run_scoped3A_64, %dma_wait3A_157] : memref<2x80xi32, #tpu.memory_space<vmem>> -> memref<1x80xi32, #tpu.memory_space<vmem>>
        %dma_wait3A_159 = tpu.memref_squeeze %dma_wait3A_158 : memref<1x80xi32, #tpu.memory_space<vmem>> -> memref<80xi32, #tpu.memory_space<vmem>>
        %dma_wait3A_160 = tpu.memref_slice %arg4[%add3A_58] : memref<320000xi32, #tpu.memory_space<hbm>> -> memref<80xi32, #tpu.memory_space<hbm>>
        tpu.wait_dma2 semaphore(%run_scoped3A_144 : memref<!tpu.dma_semaphore, #tpu.memory_space<semaphore_mem>>) src(%dma_wait3A_160 : memref<80xi32, #tpu.memory_space<hbm>>) dst(%dma_wait3A_159 : memref<80xi32, #tpu.memory_space<vmem>>)
        tpu.yield
      }) : () -> ()
      %dma_start3A_65 = arith.constant 0 : i32
      %dma_start3A_66 = arith.constant 0 : i32
      %dma_start3A_67 = tpu.memref_slice %arg8[%dma_start3A_65, %dma_start3A_66] : memref<2x80xi32, #tpu.memory_space<vmem>> -> memref<1x80xi32, #tpu.memory_space<vmem>>
      %dma_start3A_68 = tpu.memref_squeeze %dma_start3A_67 : memref<1x80xi32, #tpu.memory_space<vmem>> -> memref<80xi32, #tpu.memory_space<vmem>>
      %dma_start3A_69 = arith.constant 0 : i32
      %dma_start3A_70 = arith.constant 0 : i32
      %dma_start3A_71 = tpu.memref_slice %arg2[%dma_start3A_69, %dma_start3A_70] : memref<10000x256xf32, #tpu.memory_space<hbm>> -> memref<10000x256xf32, #tpu.memory_space<hbm>>
      tpu.enqueue_indirect_dma source(%dma_start3A_71 : memref<10000x256xf32, #tpu.memory_space<hbm>>) target(%arg10 : memref<80x256xf32, #tpu.memory_space<vmem>>) offsets(%dma_start3A_68 : memref<80xi32, #tpu.memory_space<vmem>>) semaphore(%arg14 : memref<!tpu.dma_semaphore, #tpu.memory_space<semaphore_mem>>)
      %dma_start3A_72 = arith.constant 0 : i32
      %dma_start3A_73 = arith.constant 0 : i32
      %dma_start3A_74 = tpu.memref_slice %arg9[%dma_start3A_72, %dma_start3A_73] : memref<2x80xi32, #tpu.memory_space<vmem>> -> memref<1x80xi32, #tpu.memory_space<vmem>>
      %dma_start3A_75 = tpu.memref_squeeze %dma_start3A_74 : memref<1x80xi32, #tpu.memory_space<vmem>> -> memref<80xi32, #tpu.memory_space<vmem>>
      %dma_start3A_76 = arith.constant 0 : i32
      %dma_start3A_77 = arith.constant 0 : i32
      %dma_start3A_78 = tpu.memref_slice %arg3[%dma_start3A_76, %dma_start3A_77] : memref<10000x256xf32, #tpu.memory_space<hbm>> -> memref<10000x256xf32, #tpu.memory_space<hbm>>
      tpu.enqueue_indirect_dma source(%dma_start3A_78 : memref<10000x256xf32, #tpu.memory_space<hbm>>) target(%arg11 : memref<80x256xf32, #tpu.memory_space<vmem>>) offsets(%dma_start3A_75 : memref<80xi32, #tpu.memory_space<vmem>>) semaphore(%arg14 : memref<!tpu.dma_semaphore, #tpu.memory_space<semaphore_mem>>)
      %gt3A_79 = arith.constant 0 : i32
      %gt3A_80 = arith.cmpi sgt, %scan3A_53, %gt3A_79 : i32
      %convert_element_type3A_81 = arith.extui %gt3A_80 : i1 to i32
      %cond3A_82 = arith.constant 0 : i32
      %cond3A_83 = arith.cmpi ne, %convert_element_type3A_81, %cond3A_82 : i32
      scf.if %cond3A_83 {
        %dma_wait3A_144 = arith.constant 0 : i32
        %dma_wait3A_145 = tpu.memref_slice %arg6[%mul3A_2, %dma_wait3A_144] : memref<320000x256xf32, #tpu.memory_space<hbm>> -> memref<80x256xf32, #tpu.memory_space<hbm>>
        %dma_wait3A_146 = arith.constant 0 : i32
        %dma_wait3A_147 = tpu.memref_slice %arg6[%mul3A_2, %dma_wait3A_146] : memref<320000x256xf32, #tpu.memory_space<hbm>> -> memref<80x256xf32, #tpu.memory_space<hbm>>
        tpu.wait_dma2 semaphore(%arg17 : memref<!tpu.dma_semaphore, #tpu.memory_space<semaphore_mem>>) src(%arg12 : memref<80x256xf32, #tpu.memory_space<vmem>>) dst(%dma_wait3A_147 : memref<80x256xf32, #tpu.memory_space<hbm>>)
        %dma_wait3A_148 = arith.constant 0 : i32
        %dma_wait3A_149 = tpu.memref_slice %arg7[%mul3A_2, %dma_wait3A_148] : memref<320000x256xf32, #tpu.memory_space<hbm>> -> memref<80x256xf32, #tpu.memory_space<hbm>>
        %dma_wait3A_150 = arith.constant 0 : i32
        %dma_wait3A_151 = tpu.memref_slice %arg7[%mul3A_2, %dma_wait3A_150] : memref<320000x256xf32, #tpu.memory_space<hbm>> -> memref<80x256xf32, #tpu.memory_space<hbm>>
        tpu.wait_dma2 semaphore(%arg17 : memref<!tpu.dma_semaphore, #tpu.memory_space<semaphore_mem>>) src(%arg13 : memref<80x256xf32, #tpu.memory_space<vmem>>) dst(%dma_wait3A_151 : memref<80x256xf32, #tpu.memory_space<hbm>>)
      } else {
      }
      %run_scoped3A_84 = arith.constant 1 : i32
      "tpu.region"() ({
        %run_scoped3A_144 = tpu.sem_alloc : memref<!tpu.dma_semaphore, #tpu.memory_space<semaphore_mem>>
        %dma_start3A_145 = arith.constant 0 : i32
        %dma_start3A_146 = tpu.memref_slice %arg8[%run_scoped3A_84, %dma_start3A_145] : memref<2x80xi32, #tpu.memory_space<vmem>> -> memref<1x80xi32, #tpu.memory_space<vmem>>
        %dma_start3A_147 = tpu.memref_squeeze %dma_start3A_146 : memref<1x80xi32, #tpu.memory_space<vmem>> -> memref<80xi32, #tpu.memory_space<vmem>>
        %dma_start3A_148 = tpu.memref_slice %arg5[%add3A_60] : memref<320000xi32, #tpu.memory_space<hbm>> -> memref<80xi32, #tpu.memory_space<hbm>>
        %dma_start3A_149 = arith.constant 0 : i32
        %dma_start3A_150 = tpu.memref_slice %arg8[%run_scoped3A_84, %dma_start3A_149] : memref<2x80xi32, #tpu.memory_space<vmem>> -> memref<1x80xi32, #tpu.memory_space<vmem>>
        %dma_start3A_151 = tpu.memref_squeeze %dma_start3A_150 : memref<1x80xi32, #tpu.memory_space<vmem>> -> memref<80xi32, #tpu.memory_space<vmem>>
        %dma_start3A_152 = tpu.memref_slice %arg5[%add3A_60] : memref<320000xi32, #tpu.memory_space<hbm>> -> memref<80xi32, #tpu.memory_space<hbm>>
        tpu.enqueue_dma source(%dma_start3A_152 : memref<80xi32, #tpu.memory_space<hbm>>) target(%dma_start3A_151 : memref<80xi32, #tpu.memory_space<vmem>>) target_semaphore(%run_scoped3A_144 : memref<!tpu.dma_semaphore, #tpu.memory_space<semaphore_mem>>)
        %dma_wait3A_153 = arith.constant 0 : i32
        %dma_wait3A_154 = tpu.memref_slice %arg8[%run_scoped3A_84, %dma_wait3A_153] : memref<2x80xi32, #tpu.memory_space<vmem>> -> memref<1x80xi32, #tpu.memory_space<vmem>>
        %dma_wait3A_155 = tpu.memref_squeeze %dma_wait3A_154 : memref<1x80xi32, #tpu.memory_space<vmem>> -> memref<80xi32, #tpu.memory_space<vmem>>
        %dma_wait3A_156 = tpu.memref_slice %arg5[%add3A_60] : memref<320000xi32, #tpu.memory_space<hbm>> -> memref<80xi32, #tpu.memory_space<hbm>>
        %dma_wait3A_157 = arith.constant 0 : i32
        %dma_wait3A_158 = tpu.memref_slice %arg8[%run_scoped3A_84, %dma_wait3A_157] : memref<2x80xi32, #tpu.memory_space<vmem>> -> memref<1x80xi32, #tpu.memory_space<vmem>>
        %dma_wait3A_159 = tpu.memref_squeeze %dma_wait3A_158 : memref<1x80xi32, #tpu.memory_space<vmem>> -> memref<80xi32, #tpu.memory_space<vmem>>
        %dma_wait3A_160 = tpu.memref_slice %arg5[%add3A_60] : memref<320000xi32, #tpu.memory_space<hbm>> -> memref<80xi32, #tpu.memory_space<hbm>>
        tpu.wait_dma2 semaphore(%run_scoped3A_144 : memref<!tpu.dma_semaphore, #tpu.memory_space<semaphore_mem>>) src(%dma_wait3A_160 : memref<80xi32, #tpu.memory_space<hbm>>) dst(%dma_wait3A_159 : memref<80xi32, #tpu.memory_space<vmem>>)
        tpu.yield
      }) : () -> ()
      %run_scoped3A_85 = arith.constant 1 : i32
      "tpu.region"() ({
        %run_scoped3A_144 = tpu.sem_alloc : memref<!tpu.dma_semaphore, #tpu.memory_space<semaphore_mem>>
        %dma_start3A_145 = arith.constant 0 : i32
        %dma_start3A_146 = tpu.memref_slice %arg9[%run_scoped3A_85, %dma_start3A_145] : memref<2x80xi32, #tpu.memory_space<vmem>> -> memref<1x80xi32, #tpu.memory_space<vmem>>
        %dma_start3A_147 = tpu.memref_squeeze %dma_start3A_146 : memref<1x80xi32, #tpu.memory_space<vmem>> -> memref<80xi32, #tpu.memory_space<vmem>>
        %dma_start3A_148 = tpu.memref_slice %arg4[%add3A_60] : memref<320000xi32, #tpu.memory_space<hbm>> -> memref<80xi32, #tpu.memory_space<hbm>>
        %dma_start3A_149 = arith.constant 0 : i32
        %dma_start3A_150 = tpu.memref_slice %arg9[%run_scoped3A_85, %dma_start3A_149] : memref<2x80xi32, #tpu.memory_space<vmem>> -> memref<1x80xi32, #tpu.memory_space<vmem>>
        %dma_start3A_151 = tpu.memref_squeeze %dma_start3A_150 : memref<1x80xi32, #tpu.memory_space<vmem>> -> memref<80xi32, #tpu.memory_space<vmem>>
        %dma_start3A_152 = tpu.memref_slice %arg4[%add3A_60] : memref<320000xi32, #tpu.memory_space<hbm>> -> memref<80xi32, #tpu.memory_space<hbm>>
        tpu.enqueue_dma source(%dma_start3A_152 : memref<80xi32, #tpu.memory_space<hbm>>) target(%dma_start3A_151 : memref<80xi32, #tpu.memory_space<vmem>>) target_semaphore(%run_scoped3A_144 : memref<!tpu.dma_semaphore, #tpu.memory_space<semaphore_mem>>)
        %dma_wait3A_153 = arith.constant 0 : i32
        %dma_wait3A_154 = tpu.memref_slice %arg9[%run_scoped3A_85, %dma_wait3A_153] : memref<2x80xi32, #tpu.memory_space<vmem>> -> memref<1x80xi32, #tpu.memory_space<vmem>>
        %dma_wait3A_155 = tpu.memref_squeeze %dma_wait3A_154 : memref<1x80xi32, #tpu.memory_space<vmem>> -> memref<80xi32, #tpu.memory_space<vmem>>
        %dma_wait3A_156 = tpu.memref_slice %arg4[%add3A_60] : memref<320000xi32, #tpu.memory_space<hbm>> -> memref<80xi32, #tpu.memory_space<hbm>>
        %dma_wait3A_157 = arith.constant 0 : i32
        %dma_wait3A_158 = tpu.memref_slice %arg9[%run_scoped3A_85, %dma_wait3A_157] : memref<2x80xi32, #tpu.memory_space<vmem>> -> memref<1x80xi32, #tpu.memory_space<vmem>>
        %dma_wait3A_159 = tpu.memref_squeeze %dma_wait3A_158 : memref<1x80xi32, #tpu.memory_space<vmem>> -> memref<80xi32, #tpu.memory_space<vmem>>
        %dma_wait3A_160 = tpu.memref_slice %arg4[%add3A_60] : memref<320000xi32, #tpu.memory_space<hbm>> -> memref<80xi32, #tpu.memory_space<hbm>>
        tpu.wait_dma2 semaphore(%run_scoped3A_144 : memref<!tpu.dma_semaphore, #tpu.memory_space<semaphore_mem>>) src(%dma_wait3A_160 : memref<80xi32, #tpu.memory_space<hbm>>) dst(%dma_wait3A_159 : memref<80xi32, #tpu.memory_space<vmem>>)
        tpu.yield
      }) : () -> ()
      %dma_start3A_86 = arith.constant 1 : i32
      %dma_start3A_87 = arith.constant 0 : i32
      %dma_start3A_88 = tpu.memref_slice %arg8[%dma_start3A_86, %dma_start3A_87] : memref<2x80xi32, #tpu.memory_space<vmem>> -> memref<1x80xi32, #tpu.memory_space<vmem>>
      %dma_start3A_89 = tpu.memref_squeeze %dma_start3A_88 : memref<1x80xi32, #tpu.memory_space<vmem>> -> memref<80xi32, #tpu.memory_space<vmem>>
      %dma_start3A_90 = arith.constant 0 : i32
      %dma_start3A_91 = arith.constant 0 : i32
      %dma_start3A_92 = tpu.memref_slice %arg2[%dma_start3A_90, %dma_start3A_91] : memref<10000x256xf32, #tpu.memory_space<hbm>> -> memref<10000x256xf32, #tpu.memory_space<hbm>>
      tpu.enqueue_indirect_dma source(%dma_start3A_92 : memref<10000x256xf32, #tpu.memory_space<hbm>>) target(%arg12 : memref<80x256xf32, #tpu.memory_space<vmem>>) offsets(%dma_start3A_89 : memref<80xi32, #tpu.memory_space<vmem>>) semaphore(%arg15 : memref<!tpu.dma_semaphore, #tpu.memory_space<semaphore_mem>>)
      %dma_start3A_93 = arith.constant 1 : i32
      %dma_start3A_94 = arith.constant 0 : i32
      %dma_start3A_95 = tpu.memref_slice %arg9[%dma_start3A_93, %dma_start3A_94] : memref<2x80xi32, #tpu.memory_space<vmem>> -> memref<1x80xi32, #tpu.memory_space<vmem>>
      %dma_start3A_96 = tpu.memref_squeeze %dma_start3A_95 : memref<1x80xi32, #tpu.memory_space<vmem>> -> memref<80xi32, #tpu.memory_space<vmem>>
      %dma_start3A_97 = arith.constant 0 : i32
      %dma_start3A_98 = arith.constant 0 : i32
      %dma_start3A_99 = tpu.memref_slice %arg3[%dma_start3A_97, %dma_start3A_98] : memref<10000x256xf32, #tpu.memory_space<hbm>> -> memref<10000x256xf32, #tpu.memory_space<hbm>>
      tpu.enqueue_indirect_dma source(%dma_start3A_99 : memref<10000x256xf32, #tpu.memory_space<hbm>>) target(%arg13 : memref<80x256xf32, #tpu.memory_space<vmem>>) offsets(%dma_start3A_96 : memref<80xi32, #tpu.memory_space<vmem>>) semaphore(%arg15 : memref<!tpu.dma_semaphore, #tpu.memory_space<semaphore_mem>>)
      %dma_wait3A_100 = arith.constant 0 : i32
      %dma_wait3A_101 = arith.constant 0 : i32
      %dma_wait3A_102 = tpu.memref_slice %arg8[%dma_wait3A_100, %dma_wait3A_101] : memref<2x80xi32, #tpu.memory_space<vmem>> -> memref<1x80xi32, #tpu.memory_space<vmem>>
      %dma_wait3A_103 = tpu.memref_squeeze %dma_wait3A_102 : memref<1x80xi32, #tpu.memory_space<vmem>> -> memref<80xi32, #tpu.memory_space<vmem>>
      %dma_wait3A_104 = arith.constant 0 : i32
      %dma_wait3A_105 = arith.constant 0 : i32
      %dma_wait3A_106 = tpu.memref_slice %arg2[%dma_wait3A_104, %dma_wait3A_105] : memref<10000x256xf32, #tpu.memory_space<hbm>> -> memref<10000x256xf32, #tpu.memory_space<hbm>>
      tpu.wait_indirect_dma semaphore(%arg14 : memref<!tpu.dma_semaphore, #tpu.memory_space<semaphore_mem>>) src(%dma_wait3A_106 : memref<10000x256xf32, #tpu.memory_space<hbm>>) dst(%arg10 : memref<80x256xf32, #tpu.memory_space<vmem>>)
      %dma_wait3A_107 = arith.constant 0 : i32
      %dma_wait3A_108 = arith.constant 0 : i32
      %dma_wait3A_109 = tpu.memref_slice %arg9[%dma_wait3A_107, %dma_wait3A_108] : memref<2x80xi32, #tpu.memory_space<vmem>> -> memref<1x80xi32, #tpu.memory_space<vmem>>
      %dma_wait3A_110 = tpu.memref_squeeze %dma_wait3A_109 : memref<1x80xi32, #tpu.memory_space<vmem>> -> memref<80xi32, #tpu.memory_space<vmem>>
      %dma_wait3A_111 = arith.constant 0 : i32
      %dma_wait3A_112 = arith.constant 0 : i32
      %dma_wait3A_113 = tpu.memref_slice %arg3[%dma_wait3A_111, %dma_wait3A_112] : memref<10000x256xf32, #tpu.memory_space<hbm>> -> memref<10000x256xf32, #tpu.memory_space<hbm>>
      tpu.wait_indirect_dma semaphore(%arg14 : memref<!tpu.dma_semaphore, #tpu.memory_space<semaphore_mem>>) src(%dma_wait3A_113 : memref<10000x256xf32, #tpu.memory_space<hbm>>) dst(%arg11 : memref<80x256xf32, #tpu.memory_space<vmem>>)
      %dma_start3A_114 = arith.constant 0 : i32
      %dma_start3A_115 = tpu.memref_slice %arg6[%add3A_58, %dma_start3A_114] : memref<320000x256xf32, #tpu.memory_space<hbm>> -> memref<80x256xf32, #tpu.memory_space<hbm>>
      %dma_start3A_116 = arith.constant 0 : i32
      %dma_start3A_117 = tpu.memref_slice %arg6[%add3A_58, %dma_start3A_116] : memref<320000x256xf32, #tpu.memory_space<hbm>> -> memref<80x256xf32, #tpu.memory_space<hbm>>
      tpu.enqueue_dma source(%arg10 : memref<80x256xf32, #tpu.memory_space<vmem>>) target(%dma_start3A_117 : memref<80x256xf32, #tpu.memory_space<hbm>>) target_semaphore(%arg16 : memref<!tpu.dma_semaphore, #tpu.memory_space<semaphore_mem>>)
      %dma_start3A_118 = arith.constant 0 : i32
      %dma_start3A_119 = tpu.memref_slice %arg7[%add3A_58, %dma_start3A_118] : memref<320000x256xf32, #tpu.memory_space<hbm>> -> memref<80x256xf32, #tpu.memory_space<hbm>>
      %dma_start3A_120 = arith.constant 0 : i32
      %dma_start3A_121 = tpu.memref_slice %arg7[%add3A_58, %dma_start3A_120] : memref<320000x256xf32, #tpu.memory_space<hbm>> -> memref<80x256xf32, #tpu.memory_space<hbm>>
      tpu.enqueue_dma source(%arg11 : memref<80x256xf32, #tpu.memory_space<vmem>>) target(%dma_start3A_121 : memref<80x256xf32, #tpu.memory_space<hbm>>) target_semaphore(%arg16 : memref<!tpu.dma_semaphore, #tpu.memory_space<semaphore_mem>>)
      %dma_wait3A_122 = arith.constant 1 : i32
      %dma_wait3A_123 = arith.constant 0 : i32
      %dma_wait3A_124 = tpu.memref_slice %arg8[%dma_wait3A_122, %dma_wait3A_123] : memref<2x80xi32, #tpu.memory_space<vmem>> -> memref<1x80xi32, #tpu.memory_space<vmem>>
      %dma_wait3A_125 = tpu.memref_squeeze %dma_wait3A_124 : memref<1x80xi32, #tpu.memory_space<vmem>> -> memref<80xi32, #tpu.memory_space<vmem>>
      %dma_wait3A_126 = arith.constant 0 : i32
      %dma_wait3A_127 = arith.constant 0 : i32
      %dma_wait3A_128 = tpu.memref_slice %arg2[%dma_wait3A_126, %dma_wait3A_127] : memref<10000x256xf32, #tpu.memory_space<hbm>> -> memref<10000x256xf32, #tpu.memory_space<hbm>>
      tpu.wait_indirect_dma semaphore(%arg15 : memref<!tpu.dma_semaphore, #tpu.memory_space<semaphore_mem>>) src(%dma_wait3A_128 : memref<10000x256xf32, #tpu.memory_space<hbm>>) dst(%arg12 : memref<80x256xf32, #tpu.memory_space<vmem>>)
      %dma_wait3A_129 = arith.constant 1 : i32
      %dma_wait3A_130 = arith.constant 0 : i32
      %dma_wait3A_131 = tpu.memref_slice %arg9[%dma_wait3A_129, %dma_wait3A_130] : memref<2x80xi32, #tpu.memory_space<vmem>> -> memref<1x80xi32, #tpu.memory_space<vmem>>
      %dma_wait3A_132 = tpu.memref_squeeze %dma_wait3A_131 : memref<1x80xi32, #tpu.memory_space<vmem>> -> memref<80xi32, #tpu.memory_space<vmem>>
      %dma_wait3A_133 = arith.constant 0 : i32
      %dma_wait3A_134 = arith.constant 0 : i32
      %dma_wait3A_135 = tpu.memref_slice %arg3[%dma_wait3A_133, %dma_wait3A_134] : memref<10000x256xf32, #tpu.memory_space<hbm>> -> memref<10000x256xf32, #tpu.memory_space<hbm>>
      tpu.wait_indirect_dma semaphore(%arg15 : memref<!tpu.dma_semaphore, #tpu.memory_space<semaphore_mem>>) src(%dma_wait3A_135 : memref<10000x256xf32, #tpu.memory_space<hbm>>) dst(%arg13 : memref<80x256xf32, #tpu.memory_space<vmem>>)
      %dma_start3A_136 = arith.constant 0 : i32
      %dma_start3A_137 = tpu.memref_slice %arg6[%add3A_60, %dma_start3A_136] : memref<320000x256xf32, #tpu.memory_space<hbm>> -> memref<80x256xf32, #tpu.memory_space<hbm>>
      %dma_start3A_138 = arith.constant 0 : i32
      %dma_start3A_139 = tpu.memref_slice %arg6[%add3A_60, %dma_start3A_138] : memref<320000x256xf32, #tpu.memory_space<hbm>> -> memref<80x256xf32, #tpu.memory_space<hbm>>
      tpu.enqueue_dma source(%arg12 : memref<80x256xf32, #tpu.memory_space<vmem>>) target(%dma_start3A_139 : memref<80x256xf32, #tpu.memory_space<hbm>>) target_semaphore(%arg17 : memref<!tpu.dma_semaphore, #tpu.memory_space<semaphore_mem>>)
      %dma_start3A_140 = arith.constant 0 : i32
      %dma_start3A_141 = tpu.memref_slice %arg7[%add3A_60, %dma_start3A_140] : memref<320000x256xf32, #tpu.memory_space<hbm>> -> memref<80x256xf32, #tpu.memory_space<hbm>>
      %dma_start3A_142 = arith.constant 0 : i32
      %dma_start3A_143 = tpu.memref_slice %arg7[%add3A_60, %dma_start3A_142] : memref<320000x256xf32, #tpu.memory_space<hbm>> -> memref<80x256xf32, #tpu.memory_space<hbm>>
      tpu.enqueue_dma source(%arg13 : memref<80x256xf32, #tpu.memory_space<vmem>>) target(%dma_start3A_143 : memref<80x256xf32, #tpu.memory_space<hbm>>) target_semaphore(%arg17 : memref<!tpu.dma_semaphore, #tpu.memory_space<semaphore_mem>>)
    }
    %scan3A_7 = arith.constant 62 : i32
    %dma_wait3A = arith.constant 0 : i32
    %dma_wait3A_8 = tpu.memref_slice %arg6[%mul3A_2, %dma_wait3A] : memref<320000x256xf32, #tpu.memory_space<hbm>> -> memref<80x256xf32, #tpu.memory_space<hbm>>
    %dma_wait3A_9 = arith.constant 0 : i32
    %dma_wait3A_10 = tpu.memref_slice %arg6[%mul3A_2, %dma_wait3A_9] : memref<320000x256xf32, #tpu.memory_space<hbm>> -> memref<80x256xf32, #tpu.memory_space<hbm>>
    tpu.wait_dma2 semaphore(%arg16 : memref<!tpu.dma_semaphore, #tpu.memory_space<semaphore_mem>>) src(%arg10 : memref<80x256xf32, #tpu.memory_space<vmem>>) dst(%dma_wait3A_10 : memref<80x256xf32, #tpu.memory_space<hbm>>)
    %dma_wait3A_11 = arith.constant 0 : i32
    %dma_wait3A_12 = tpu.memref_slice %arg7[%mul3A_2, %dma_wait3A_11] : memref<320000x256xf32, #tpu.memory_space<hbm>> -> memref<80x256xf32, #tpu.memory_space<hbm>>
    %dma_wait3A_13 = arith.constant 0 : i32
    %dma_wait3A_14 = tpu.memref_slice %arg7[%mul3A_2, %dma_wait3A_13] : memref<320000x256xf32, #tpu.memory_space<hbm>> -> memref<80x256xf32, #tpu.memory_space<hbm>>
    tpu.wait_dma2 semaphore(%arg16 : memref<!tpu.dma_semaphore, #tpu.memory_space<semaphore_mem>>) src(%arg11 : memref<80x256xf32, #tpu.memory_space<vmem>>) dst(%dma_wait3A_14 : memref<80x256xf32, #tpu.memory_space<hbm>>)
    %dma_wait3A_15 = arith.constant 0 : i32
    %dma_wait3A_16 = tpu.memref_slice %arg6[%mul3A_2, %dma_wait3A_15] : memref<320000x256xf32, #tpu.memory_space<hbm>> -> memref<80x256xf32, #tpu.memory_space<hbm>>
    %dma_wait3A_17 = arith.constant 0 : i32
    %dma_wait3A_18 = tpu.memref_slice %arg6[%mul3A_2, %dma_wait3A_17] : memref<320000x256xf32, #tpu.memory_space<hbm>> -> memref<80x256xf32, #tpu.memory_space<hbm>>
    tpu.wait_dma2 semaphore(%arg17 : memref<!tpu.dma_semaphore, #tpu.memory_space<semaphore_mem>>) src(%arg12 : memref<80x256xf32, #tpu.memory_space<vmem>>) dst(%dma_wait3A_18 : memref<80x256xf32, #tpu.memory_space<hbm>>)
    %dma_wait3A_19 = arith.constant 0 : i32
    %dma_wait3A_20 = tpu.memref_slice %arg7[%mul3A_2, %dma_wait3A_19] : memref<320000x256xf32, #tpu.memory_space<hbm>> -> memref<80x256xf32, #tpu.memory_space<hbm>>
    %dma_wait3A_21 = arith.constant 0 : i32
    %dma_wait3A_22 = tpu.memref_slice %arg7[%mul3A_2, %dma_wait3A_21] : memref<320000x256xf32, #tpu.memory_space<hbm>> -> memref<80x256xf32, #tpu.memory_space<hbm>>
    tpu.wait_dma2 semaphore(%arg17 : memref<!tpu.dma_semaphore, #tpu.memory_space<semaphore_mem>>) src(%arg13 : memref<80x256xf32, #tpu.memory_space<vmem>>) dst(%dma_wait3A_22 : memref<80x256xf32, #tpu.memory_space<hbm>>)
    %add3A_23 = arith.constant 9920 : i32
    %add3A_24 = arith.addi %mul3A_2, %add3A_23 : i32
    %run_scoped3A = arith.constant 0 : i32
    "tpu.region"() ({
      %run_scoped3A_53 = tpu.sem_alloc : memref<!tpu.dma_semaphore, #tpu.memory_space<semaphore_mem>>
      %dma_start3A_54 = arith.constant 0 : i32
      %dma_start3A_55 = tpu.memref_slice %arg8[%run_scoped3A, %dma_start3A_54] : memref<2x80xi32, #tpu.memory_space<vmem>> -> memref<1x80xi32, #tpu.memory_space<vmem>>
      %dma_start3A_56 = tpu.memref_squeeze %dma_start3A_55 : memref<1x80xi32, #tpu.memory_space<vmem>> -> memref<80xi32, #tpu.memory_space<vmem>>
      %dma_start3A_57 = tpu.memref_slice %arg5[%add3A_24] : memref<320000xi32, #tpu.memory_space<hbm>> -> memref<80xi32, #tpu.memory_space<hbm>>
      %dma_start3A_58 = arith.constant 0 : i32
      %dma_start3A_59 = tpu.memref_slice %arg8[%run_scoped3A, %dma_start3A_58] : memref<2x80xi32, #tpu.memory_space<vmem>> -> memref<1x80xi32, #tpu.memory_space<vmem>>
      %dma_start3A_60 = tpu.memref_squeeze %dma_start3A_59 : memref<1x80xi32, #tpu.memory_space<vmem>> -> memref<80xi32, #tpu.memory_space<vmem>>
      %dma_start3A_61 = tpu.memref_slice %arg5[%add3A_24] : memref<320000xi32, #tpu.memory_space<hbm>> -> memref<80xi32, #tpu.memory_space<hbm>>
      tpu.enqueue_dma source(%dma_start3A_61 : memref<80xi32, #tpu.memory_space<hbm>>) target(%dma_start3A_60 : memref<80xi32, #tpu.memory_space<vmem>>) target_semaphore(%run_scoped3A_53 : memref<!tpu.dma_semaphore, #tpu.memory_space<semaphore_mem>>)
      %dma_wait3A_62 = arith.constant 0 : i32
      %dma_wait3A_63 = tpu.memref_slice %arg8[%run_scoped3A, %dma_wait3A_62] : memref<2x80xi32, #tpu.memory_space<vmem>> -> memref<1x80xi32, #tpu.memory_space<vmem>>
      %dma_wait3A_64 = tpu.memref_squeeze %dma_wait3A_63 : memref<1x80xi32, #tpu.memory_space<vmem>> -> memref<80xi32, #tpu.memory_space<vmem>>
      %dma_wait3A_65 = tpu.memref_slice %arg5[%add3A_24] : memref<320000xi32, #tpu.memory_space<hbm>> -> memref<80xi32, #tpu.memory_space<hbm>>
      %dma_wait3A_66 = arith.constant 0 : i32
      %dma_wait3A_67 = tpu.memref_slice %arg8[%run_scoped3A, %dma_wait3A_66] : memref<2x80xi32, #tpu.memory_space<vmem>> -> memref<1x80xi32, #tpu.memory_space<vmem>>
      %dma_wait3A_68 = tpu.memref_squeeze %dma_wait3A_67 : memref<1x80xi32, #tpu.memory_space<vmem>> -> memref<80xi32, #tpu.memory_space<vmem>>
      %dma_wait3A_69 = tpu.memref_slice %arg5[%add3A_24] : memref<320000xi32, #tpu.memory_space<hbm>> -> memref<80xi32, #tpu.memory_space<hbm>>
      tpu.wait_dma2 semaphore(%run_scoped3A_53 : memref<!tpu.dma_semaphore, #tpu.memory_space<semaphore_mem>>) src(%dma_wait3A_69 : memref<80xi32, #tpu.memory_space<hbm>>) dst(%dma_wait3A_68 : memref<80xi32, #tpu.memory_space<vmem>>)
      tpu.yield
    }) : () -> ()
    %run_scoped3A_25 = arith.constant 0 : i32
    "tpu.region"() ({
      %run_scoped3A_53 = tpu.sem_alloc : memref<!tpu.dma_semaphore, #tpu.memory_space<semaphore_mem>>
      %dma_start3A_54 = arith.constant 0 : i32
      %dma_start3A_55 = tpu.memref_slice %arg9[%run_scoped3A_25, %dma_start3A_54] : memref<2x80xi32, #tpu.memory_space<vmem>> -> memref<1x80xi32, #tpu.memory_space<vmem>>
      %dma_start3A_56 = tpu.memref_squeeze %dma_start3A_55 : memref<1x80xi32, #tpu.memory_space<vmem>> -> memref<80xi32, #tpu.memory_space<vmem>>
      %dma_start3A_57 = tpu.memref_slice %arg4[%add3A_24] : memref<320000xi32, #tpu.memory_space<hbm>> -> memref<80xi32, #tpu.memory_space<hbm>>
      %dma_start3A_58 = arith.constant 0 : i32
      %dma_start3A_59 = tpu.memref_slice %arg9[%run_scoped3A_25, %dma_start3A_58] : memref<2x80xi32, #tpu.memory_space<vmem>> -> memref<1x80xi32, #tpu.memory_space<vmem>>
      %dma_start3A_60 = tpu.memref_squeeze %dma_start3A_59 : memref<1x80xi32, #tpu.memory_space<vmem>> -> memref<80xi32, #tpu.memory_space<vmem>>
      %dma_start3A_61 = tpu.memref_slice %arg4[%add3A_24] : memref<320000xi32, #tpu.memory_space<hbm>> -> memref<80xi32, #tpu.memory_space<hbm>>
      tpu.enqueue_dma source(%dma_start3A_61 : memref<80xi32, #tpu.memory_space<hbm>>) target(%dma_start3A_60 : memref<80xi32, #tpu.memory_space<vmem>>) target_semaphore(%run_scoped3A_53 : memref<!tpu.dma_semaphore, #tpu.memory_space<semaphore_mem>>)
      %dma_wait3A_62 = arith.constant 0 : i32
      %dma_wait3A_63 = tpu.memref_slice %arg9[%run_scoped3A_25, %dma_wait3A_62] : memref<2x80xi32, #tpu.memory_space<vmem>> -> memref<1x80xi32, #tpu.memory_space<vmem>>
      %dma_wait3A_64 = tpu.memref_squeeze %dma_wait3A_63 : memref<1x80xi32, #tpu.memory_space<vmem>> -> memref<80xi32, #tpu.memory_space<vmem>>
      %dma_wait3A_65 = tpu.memref_slice %arg4[%add3A_24] : memref<320000xi32, #tpu.memory_space<hbm>> -> memref<80xi32, #tpu.memory_space<hbm>>
      %dma_wait3A_66 = arith.constant 0 : i32
      %dma_wait3A_67 = tpu.memref_slice %arg9[%run_scoped3A_25, %dma_wait3A_66] : memref<2x80xi32, #tpu.memory_space<vmem>> -> memref<1x80xi32, #tpu.memory_space<vmem>>
      %dma_wait3A_68 = tpu.memref_squeeze %dma_wait3A_67 : memref<1x80xi32, #tpu.memory_space<vmem>> -> memref<80xi32, #tpu.memory_space<vmem>>
      %dma_wait3A_69 = tpu.memref_slice %arg4[%add3A_24] : memref<320000xi32, #tpu.memory_space<hbm>> -> memref<80xi32, #tpu.memory_space<hbm>>
      tpu.wait_dma2 semaphore(%run_scoped3A_53 : memref<!tpu.dma_semaphore, #tpu.memory_space<semaphore_mem>>) src(%dma_wait3A_69 : memref<80xi32, #tpu.memory_space<hbm>>) dst(%dma_wait3A_68 : memref<80xi32, #tpu.memory_space<vmem>>)
      tpu.yield
    }) : () -> ()
    %dma_start3A = arith.constant 0 : i32
    %dma_start3A_26 = arith.constant 0 : i32
    %dma_start3A_27 = tpu.memref_slice %arg8[%dma_start3A, %dma_start3A_26] : memref<2x80xi32, #tpu.memory_space<vmem>> -> memref<1x80xi32, #tpu.memory_space<vmem>>
    %dma_start3A_28 = tpu.memref_squeeze %dma_start3A_27 : memref<1x80xi32, #tpu.memory_space<vmem>> -> memref<80xi32, #tpu.memory_space<vmem>>
    %dma_start3A_29 = arith.constant 0 : i32
    %dma_start3A_30 = arith.constant 0 : i32
    %dma_start3A_31 = tpu.memref_slice %arg2[%dma_start3A_29, %dma_start3A_30] : memref<10000x256xf32, #tpu.memory_space<hbm>> -> memref<10000x256xf32, #tpu.memory_space<hbm>>
    tpu.enqueue_indirect_dma source(%dma_start3A_31 : memref<10000x256xf32, #tpu.memory_space<hbm>>) target(%arg10 : memref<80x256xf32, #tpu.memory_space<vmem>>) offsets(%dma_start3A_28 : memref<80xi32, #tpu.memory_space<vmem>>) semaphore(%arg14 : memref<!tpu.dma_semaphore, #tpu.memory_space<semaphore_mem>>)
    %dma_start3A_32 = arith.constant 0 : i32
    %dma_start3A_33 = arith.constant 0 : i32
    %dma_start3A_34 = tpu.memref_slice %arg9[%dma_start3A_32, %dma_start3A_33] : memref<2x80xi32, #tpu.memory_space<vmem>> -> memref<1x80xi32, #tpu.memory_space<vmem>>
    %dma_start3A_35 = tpu.memref_squeeze %dma_start3A_34 : memref<1x80xi32, #tpu.memory_space<vmem>> -> memref<80xi32, #tpu.memory_space<vmem>>
    %dma_start3A_36 = arith.constant 0 : i32
    %dma_start3A_37 = arith.constant 0 : i32
    %dma_start3A_38 = tpu.memref_slice %arg3[%dma_start3A_36, %dma_start3A_37] : memref<10000x256xf32, #tpu.memory_space<hbm>> -> memref<10000x256xf32, #tpu.memory_space<hbm>>
    tpu.enqueue_indirect_dma source(%dma_start3A_38 : memref<10000x256xf32, #tpu.memory_space<hbm>>) target(%arg11 : memref<80x256xf32, #tpu.memory_space<vmem>>) offsets(%dma_start3A_35 : memref<80xi32, #tpu.memory_space<vmem>>) semaphore(%arg14 : memref<!tpu.dma_semaphore, #tpu.memory_space<semaphore_mem>>)
    %dma_wait3A_39 = arith.constant 0 : i32
    %dma_wait3A_40 = arith.constant 0 : i32
    %dma_wait3A_41 = tpu.memref_slice %arg8[%dma_wait3A_39, %dma_wait3A_40] : memref<2x80xi32, #tpu.memory_space<vmem>> -> memref<1x80xi32, #tpu.memory_space<vmem>>
    %dma_wait3A_42 = tpu.memref_squeeze %dma_wait3A_41 : memref<1x80xi32, #tpu.memory_space<vmem>> -> memref<80xi32, #tpu.memory_space<vmem>>
    %dma_wait3A_43 = arith.constant 0 : i32
    %dma_wait3A_44 = arith.constant 0 : i32
    %dma_wait3A_45 = tpu.memref_slice %arg2[%dma_wait3A_43, %dma_wait3A_44] : memref<10000x256xf32, #tpu.memory_space<hbm>> -> memref<10000x256xf32, #tpu.memory_space<hbm>>
    tpu.wait_indirect_dma semaphore(%arg14 : memref<!tpu.dma_semaphore, #tpu.memory_space<semaphore_mem>>) src(%dma_wait3A_45 : memref<10000x256xf32, #tpu.memory_space<hbm>>) dst(%arg10 : memref<80x256xf32, #tpu.memory_space<vmem>>)
    %dma_wait3A_46 = arith.constant 0 : i32
    %dma_wait3A_47 = arith.constant 0 : i32
    %dma_wait3A_48 = tpu.memref_slice %arg9[%dma_wait3A_46, %dma_wait3A_47] : memref<2x80xi32, #tpu.memory_space<vmem>> -> memref<1x80xi32, #tpu.memory_space<vmem>>
    %dma_wait3A_49 = tpu.memref_squeeze %dma_wait3A_48 : memref<1x80xi32, #tpu.memory_space<vmem>> -> memref<80xi32, #tpu.memory_space<vmem>>
    %dma_wait3A_50 = arith.constant 0 : i32
    %dma_wait3A_51 = arith.constant 0 : i32
    %dma_wait3A_52 = tpu.memref_slice %arg3[%dma_wait3A_50, %dma_wait3A_51] : memref<10000x256xf32, #tpu.memory_space<hbm>> -> memref<10000x256xf32, #tpu.memory_space<hbm>>
    tpu.wait_indirect_dma semaphore(%arg14 : memref<!tpu.dma_semaphore, #tpu.memory_space<semaphore_mem>>) src(%dma_wait3A_52 : memref<10000x256xf32, #tpu.memory_space<hbm>>) dst(%arg11 : memref<80x256xf32, #tpu.memory_space<vmem>>)
    "tpu.region"() ({
      %run_scoped3A_53 = tpu.sem_alloc : memref<!tpu.dma_semaphore, #tpu.memory_space<semaphore_mem>>
      %dma_start3A_54 = arith.constant 0 : i32
      %dma_start3A_55 = tpu.memref_slice %arg6[%add3A_24, %dma_start3A_54] : memref<320000x256xf32, #tpu.memory_space<hbm>> -> memref<80x256xf32, #tpu.memory_space<hbm>>
      %dma_start3A_56 = arith.constant 0 : i32
      %dma_start3A_57 = tpu.memref_slice %arg6[%add3A_24, %dma_start3A_56] : memref<320000x256xf32, #tpu.memory_space<hbm>> -> memref<80x256xf32, #tpu.memory_space<hbm>>
      tpu.enqueue_dma source(%arg10 : memref<80x256xf32, #tpu.memory_space<vmem>>) target(%dma_start3A_57 : memref<80x256xf32, #tpu.memory_space<hbm>>) target_semaphore(%run_scoped3A_53 : memref<!tpu.dma_semaphore, #tpu.memory_space<semaphore_mem>>)
      %dma_wait3A_58 = arith.constant 0 : i32
      %dma_wait3A_59 = tpu.memref_slice %arg6[%add3A_24, %dma_wait3A_58] : memref<320000x256xf32, #tpu.memory_space<hbm>> -> memref<80x256xf32, #tpu.memory_space<hbm>>
      %dma_wait3A_60 = arith.constant 0 : i32
      %dma_wait3A_61 = tpu.memref_slice %arg6[%add3A_24, %dma_wait3A_60] : memref<320000x256xf32, #tpu.memory_space<hbm>> -> memref<80x256xf32, #tpu.memory_space<hbm>>
      tpu.wait_dma2 semaphore(%run_scoped3A_53 : memref<!tpu.dma_semaphore, #tpu.memory_space<semaphore_mem>>) src(%arg10 : memref<80x256xf32, #tpu.memory_space<vmem>>) dst(%dma_wait3A_61 : memref<80x256xf32, #tpu.memory_space<hbm>>)
      tpu.yield
    }) : () -> ()
    "tpu.region"() ({
      %run_scoped3A_53 = tpu.sem_alloc : memref<!tpu.dma_semaphore, #tpu.memory_space<semaphore_mem>>
      %dma_start3A_54 = arith.constant 0 : i32
      %dma_start3A_55 = tpu.memref_slice %arg7[%add3A_24, %dma_start3A_54] : memref<320000x256xf32, #tpu.memory_space<hbm>> -> memref<80x256xf32, #tpu.memory_space<hbm>>
      %dma_start3A_56 = arith.constant 0 : i32
      %dma_start3A_57 = tpu.memref_slice %arg7[%add3A_24, %dma_start3A_56] : memref<320000x256xf32, #tpu.memory_space<hbm>> -> memref<80x256xf32, #tpu.memory_space<hbm>>
      tpu.enqueue_dma source(%arg11 : memref<80x256xf32, #tpu.memory_space<vmem>>) target(%dma_start3A_57 : memref<80x256xf32, #tpu.memory_space<hbm>>) target_semaphore(%run_scoped3A_53 : memref<!tpu.dma_semaphore, #tpu.memory_space<semaphore_mem>>)
      %dma_wait3A_58 = arith.constant 0 : i32
      %dma_wait3A_59 = tpu.memref_slice %arg7[%add3A_24, %dma_wait3A_58] : memref<320000x256xf32, #tpu.memory_space<hbm>> -> memref<80x256xf32, #tpu.memory_space<hbm>>
      %dma_wait3A_60 = arith.constant 0 : i32
      %dma_wait3A_61 = tpu.memref_slice %arg7[%add3A_24, %dma_wait3A_60] : memref<320000x256xf32, #tpu.memory_space<hbm>> -> memref<80x256xf32, #tpu.memory_space<hbm>>
      tpu.wait_dma2 semaphore(%run_scoped3A_53 : memref<!tpu.dma_semaphore, #tpu.memory_space<semaphore_mem>>) src(%arg11 : memref<80x256xf32, #tpu.memory_space<vmem>>) dst(%dma_wait3A_61 : memref<80x256xf32, #tpu.memory_space<hbm>>)
      tpu.yield
    }) : () -> ()
    return
  }
}

#map = affine_map<(d0, d1) -> (0, 0)>
#map1 = affine_map<(d0, d1) -> (0)>
module attributes {stable_mosaic.version = 14 : i64} {
  func.func @scatter_k(%arg0: i32, %arg1: i32, %arg2: memref<320000x128xf32, #tpu.memory_space<hbm>>, %arg3: memref<320000x128xf32, #tpu.memory_space<hbm>>, %arg4: memref<320000xi32, #tpu.memory_space<hbm>>, %arg5: memref<10000x128xf32, #tpu.memory_space<hbm>>, %arg6: memref<10000x128xf32, #tpu.memory_space<hbm>>, %arg7: memref<10000x128xf32, #tpu.memory_space<hbm>>, %arg8: memref<2x80xi32, #tpu.memory_space<vmem>>, %arg9: memref<80x128xf32, #tpu.memory_space<vmem>>, %arg10: memref<80x128xf32, #tpu.memory_space<vmem>>, %arg11: memref<10000x128xf32, #tpu.memory_space<vmem_shared>>, %arg12: memref<!tpu.dma_semaphore, #tpu.memory_space<semaphore_mem>>, %arg13: memref<!tpu.dma_semaphore, #tpu.memory_space<semaphore_mem>>, %arg14: memref<!tpu.dma_semaphore, #tpu.memory_space<semaphore_mem>>, %arg15: memref<!tpu.dma_semaphore, #tpu.memory_space<semaphore_mem>>) attributes {dimension_semantics = [#tpu.dimension_semantics<core_parallel>, #tpu.dimension_semantics<subcore_parallel>], iteration_bounds = array<i64: 2, 16>, scalar_prefetch = 0 : i64, scratch_operands = 8 : i64, tpu.core_type = #tpu.core_type<sc_vector_subcore>, window_params = [{transform_indices = #map}, {transform_indices = #map}, {transform_indices = #map1}, {transform_indices = #map}, {transform_indices = #map}, {transform_indices = #map}]} {
    %mul3A = arith.constant 624 : i32
    %mul3A_0 = arith.muli %arg1, %mul3A : i32
    %mul3A_1 = arith.constant 624 : i32
    %mul3A_2 = arith.muli %arg1, %mul3A_1 : i32
    "tpu.region"() ({
      %run_scoped3A = tpu.sem_alloc : memref<!tpu.dma_semaphore, #tpu.memory_space<semaphore_mem>>
      %dma_start3A = arith.constant 0 : i32
      %dma_start3A_26 = tpu.memref_slice %arg11[%mul3A_2, %dma_start3A] : memref<10000x128xf32, #tpu.memory_space<vmem_shared>> -> memref<624x128xf32, #tpu.memory_space<vmem_shared>>
      %dma_start3A_27 = arith.constant 0 : i32
      %dma_start3A_28 = tpu.memref_slice %arg5[%mul3A_0, %dma_start3A_27] : memref<10000x128xf32, #tpu.memory_space<hbm>> -> memref<624x128xf32, #tpu.memory_space<hbm>>
      tpu.enqueue_dma source(%dma_start3A_28 : memref<624x128xf32, #tpu.memory_space<hbm>>) target(%dma_start3A_26 : memref<624x128xf32, #tpu.memory_space<vmem_shared>>) target_semaphore(%run_scoped3A : memref<!tpu.dma_semaphore, #tpu.memory_space<semaphore_mem>>)
      %dma_wait3A = arith.constant 0 : i32
      %dma_wait3A_29 = tpu.memref_slice %arg11[%mul3A_2, %dma_wait3A] : memref<10000x128xf32, #tpu.memory_space<vmem_shared>> -> memref<624x128xf32, #tpu.memory_space<vmem_shared>>
      %dma_wait3A_30 = arith.constant 0 : i32
      %dma_wait3A_31 = tpu.memref_slice %arg5[%mul3A_0, %dma_wait3A_30] : memref<10000x128xf32, #tpu.memory_space<hbm>> -> memref<624x128xf32, #tpu.memory_space<hbm>>
      tpu.wait_dma2 semaphore(%run_scoped3A : memref<!tpu.dma_semaphore, #tpu.memory_space<semaphore_mem>>) src(%dma_wait3A_31 : memref<624x128xf32, #tpu.memory_space<hbm>>) dst(%dma_wait3A_29 : memref<624x128xf32, #tpu.memory_space<vmem_shared>>)
      tpu.yield
    }) : () -> ()
    %eq3A = arith.constant 0 : i32
    %eq3A_3 = arith.cmpi eq, %arg1, %eq3A : i32
    %convert_element_type3A = arith.extui %eq3A_3 : i1 to i32
    %cond3A = arith.constant 0 : i32
    %cond3A_4 = arith.cmpi ne, %convert_element_type3A, %cond3A : i32
    scf.if %cond3A_4 {
      "tpu.region"() ({
        %run_scoped3A = tpu.sem_alloc : memref<!tpu.dma_semaphore, #tpu.memory_space<semaphore_mem>>
        %dma_start3A = arith.constant 9984 : i32
        %dma_start3A_26 = arith.constant 0 : i32
        %dma_start3A_27 = tpu.memref_slice %arg11[%dma_start3A, %dma_start3A_26] : memref<10000x128xf32, #tpu.memory_space<vmem_shared>> -> memref<16x128xf32, #tpu.memory_space<vmem_shared>>
        %dma_start3A_28 = arith.constant 9984 : i32
        %dma_start3A_29 = arith.constant 0 : i32
        %dma_start3A_30 = tpu.memref_slice %arg5[%dma_start3A_28, %dma_start3A_29] : memref<10000x128xf32, #tpu.memory_space<hbm>> -> memref<16x128xf32, #tpu.memory_space<hbm>>
        tpu.enqueue_dma source(%dma_start3A_30 : memref<16x128xf32, #tpu.memory_space<hbm>>) target(%dma_start3A_27 : memref<16x128xf32, #tpu.memory_space<vmem_shared>>) target_semaphore(%run_scoped3A : memref<!tpu.dma_semaphore, #tpu.memory_space<semaphore_mem>>)
        %dma_wait3A = arith.constant 9984 : i32
        %dma_wait3A_31 = arith.constant 0 : i32
        %dma_wait3A_32 = tpu.memref_slice %arg11[%dma_wait3A, %dma_wait3A_31] : memref<10000x128xf32, #tpu.memory_space<vmem_shared>> -> memref<16x128xf32, #tpu.memory_space<vmem_shared>>
        %dma_wait3A_33 = arith.constant 9984 : i32
        %dma_wait3A_34 = arith.constant 0 : i32
        %dma_wait3A_35 = tpu.memref_slice %arg5[%dma_wait3A_33, %dma_wait3A_34] : memref<10000x128xf32, #tpu.memory_space<hbm>> -> memref<16x128xf32, #tpu.memory_space<hbm>>
        tpu.wait_dma2 semaphore(%run_scoped3A : memref<!tpu.dma_semaphore, #tpu.memory_space<semaphore_mem>>) src(%dma_wait3A_35 : memref<16x128xf32, #tpu.memory_space<hbm>>) dst(%dma_wait3A_32 : memref<16x128xf32, #tpu.memory_space<vmem_shared>>)
        tpu.yield
      }) : () -> ()
    } else {
    }
    %barrier3A = arith.constant 0 : index
    tpu.barrier barrier_id(%barrier3A)
    %eq3A_5 = arith.constant 0 : i32
    %eq3A_6 = arith.cmpi eq, %arg0, %eq3A_5 : i32
    %convert_element_type3A_7 = arith.extui %eq3A_6 : i1 to i32
    %cond3A_8 = arith.constant 0 : i32
    %cond3A_9 = arith.cmpi ne, %convert_element_type3A_7, %cond3A_8 : i32
    scf.if %cond3A_9 {
      %scan3A = arith.constant 0 : i32
      %scan3A_26 = arith.constant 0 : i32
      %scan3A_27 = arith.constant 125 : i32
      %scan3A_28 = arith.addi %scan3A_26, %scan3A_27 : i32
      %scan3A_29 = arith.constant 1 : i32
      scf.for %scan3A_44 = %scan3A_26 to %scan3A_28 step %scan3A_29  : i32 {
        %mul3A_45 = arith.constant 20000 : i32
        %mul3A_46 = arith.muli %arg1, %mul3A_45 : i32
        %mul3A_47 = arith.constant 2 : i32
        %mul3A_48 = arith.muli %mul3A_47, %scan3A_44 : i32
        %mul3A_49 = arith.constant 80 : i32
        %mul3A_50 = arith.muli %mul3A_48, %mul3A_49 : i32
        %add3A = arith.addi %mul3A_46, %mul3A_50 : i32
        %add3A_51 = arith.constant 80 : i32
        %add3A_52 = arith.addi %add3A, %add3A_51 : i32
        %gt3A = arith.constant 0 : i32
        %gt3A_53 = arith.cmpi sgt, %scan3A_44, %gt3A : i32
        %convert_element_type3A_54 = arith.extui %gt3A_53 : i1 to i32
        %cond3A_55 = arith.constant 0 : i32
        %cond3A_56 = arith.cmpi ne, %convert_element_type3A_54, %cond3A_55 : i32
        scf.if %cond3A_56 {
          %dma_wait3A_92 = arith.constant 0 : i32
          %dma_wait3A_93 = arith.constant 0 : i32
          %dma_wait3A_94 = tpu.memref_slice %arg8[%dma_wait3A_92, %dma_wait3A_93] : memref<2x80xi32, #tpu.memory_space<vmem>> -> memref<1x80xi32, #tpu.memory_space<vmem>>
          %dma_wait3A_95 = tpu.memref_squeeze %dma_wait3A_94 : memref<1x80xi32, #tpu.memory_space<vmem>> -> memref<80xi32, #tpu.memory_space<vmem>>
          %dma_wait3A_96 = arith.constant 0 : i32
          %dma_wait3A_97 = arith.constant 0 : i32
          %dma_wait3A_98 = tpu.memref_slice %arg11[%dma_wait3A_96, %dma_wait3A_97] : memref<10000x128xf32, #tpu.memory_space<vmem_shared>> -> memref<10000x128xf32, #tpu.memory_space<vmem_shared>>
          tpu.wait_indirect_dma semaphore(%arg14 : memref<!tpu.dma_semaphore, #tpu.memory_space<semaphore_mem>>) src(%arg9 : memref<80x128xf32, #tpu.memory_space<vmem>>) dst(%dma_wait3A_98 : memref<10000x128xf32, #tpu.memory_space<vmem_shared>>)
        } else {
        }
        %run_scoped3A = arith.constant 0 : i32
        "tpu.region"() ({
          %run_scoped3A_92 = tpu.sem_alloc : memref<!tpu.dma_semaphore, #tpu.memory_space<semaphore_mem>>
          %dma_start3A_93 = arith.constant 0 : i32
          %dma_start3A_94 = tpu.memref_slice %arg8[%run_scoped3A, %dma_start3A_93] : memref<2x80xi32, #tpu.memory_space<vmem>> -> memref<1x80xi32, #tpu.memory_space<vmem>>
          %dma_start3A_95 = tpu.memref_squeeze %dma_start3A_94 : memref<1x80xi32, #tpu.memory_space<vmem>> -> memref<80xi32, #tpu.memory_space<vmem>>
          %dma_start3A_96 = tpu.memref_slice %arg4[%add3A] : memref<320000xi32, #tpu.memory_space<hbm>> -> memref<80xi32, #tpu.memory_space<hbm>>
          %dma_start3A_97 = arith.constant 0 : i32
          %dma_start3A_98 = tpu.memref_slice %arg8[%run_scoped3A, %dma_start3A_97] : memref<2x80xi32, #tpu.memory_space<vmem>> -> memref<1x80xi32, #tpu.memory_space<vmem>>
          %dma_start3A_99 = tpu.memref_squeeze %dma_start3A_98 : memref<1x80xi32, #tpu.memory_space<vmem>> -> memref<80xi32, #tpu.memory_space<vmem>>
          %dma_start3A_100 = tpu.memref_slice %arg4[%add3A] : memref<320000xi32, #tpu.memory_space<hbm>> -> memref<80xi32, #tpu.memory_space<hbm>>
          tpu.enqueue_dma source(%dma_start3A_100 : memref<80xi32, #tpu.memory_space<hbm>>) target(%dma_start3A_99 : memref<80xi32, #tpu.memory_space<vmem>>) target_semaphore(%run_scoped3A_92 : memref<!tpu.dma_semaphore, #tpu.memory_space<semaphore_mem>>)
          %dma_wait3A_101 = arith.constant 0 : i32
          %dma_wait3A_102 = tpu.memref_slice %arg8[%run_scoped3A, %dma_wait3A_101] : memref<2x80xi32, #tpu.memory_space<vmem>> -> memref<1x80xi32, #tpu.memory_space<vmem>>
          %dma_wait3A_103 = tpu.memref_squeeze %dma_wait3A_102 : memref<1x80xi32, #tpu.memory_space<vmem>> -> memref<80xi32, #tpu.memory_space<vmem>>
          %dma_wait3A_104 = tpu.memref_slice %arg4[%add3A] : memref<320000xi32, #tpu.memory_space<hbm>> -> memref<80xi32, #tpu.memory_space<hbm>>
          %dma_wait3A_105 = arith.constant 0 : i32
          %dma_wait3A_106 = tpu.memref_slice %arg8[%run_scoped3A, %dma_wait3A_105] : memref<2x80xi32, #tpu.memory_space<vmem>> -> memref<1x80xi32, #tpu.memory_space<vmem>>
          %dma_wait3A_107 = tpu.memref_squeeze %dma_wait3A_106 : memref<1x80xi32, #tpu.memory_space<vmem>> -> memref<80xi32, #tpu.memory_space<vmem>>
          %dma_wait3A_108 = tpu.memref_slice %arg4[%add3A] : memref<320000xi32, #tpu.memory_space<hbm>> -> memref<80xi32, #tpu.memory_space<hbm>>
          tpu.wait_dma2 semaphore(%run_scoped3A_92 : memref<!tpu.dma_semaphore, #tpu.memory_space<semaphore_mem>>) src(%dma_wait3A_108 : memref<80xi32, #tpu.memory_space<hbm>>) dst(%dma_wait3A_107 : memref<80xi32, #tpu.memory_space<vmem>>)
          tpu.yield
        }) : () -> ()
        %dma_start3A = arith.constant 0 : i32
        %dma_start3A_57 = tpu.memref_slice %arg2[%add3A, %dma_start3A] : memref<320000x128xf32, #tpu.memory_space<hbm>> -> memref<80x128xf32, #tpu.memory_space<hbm>>
        %dma_start3A_58 = arith.constant 0 : i32
        %dma_start3A_59 = tpu.memref_slice %arg2[%add3A, %dma_start3A_58] : memref<320000x128xf32, #tpu.memory_space<hbm>> -> memref<80x128xf32, #tpu.memory_space<hbm>>
        tpu.enqueue_dma source(%dma_start3A_59 : memref<80x128xf32, #tpu.memory_space<hbm>>) target(%arg9 : memref<80x128xf32, #tpu.memory_space<vmem>>) target_semaphore(%arg12 : memref<!tpu.dma_semaphore, #tpu.memory_space<semaphore_mem>>)
        %gt3A_60 = arith.constant 0 : i32
        %gt3A_61 = arith.cmpi sgt, %scan3A_44, %gt3A_60 : i32
        %convert_element_type3A_62 = arith.extui %gt3A_61 : i1 to i32
        %cond3A_63 = arith.constant 0 : i32
        %cond3A_64 = arith.cmpi ne, %convert_element_type3A_62, %cond3A_63 : i32
        scf.if %cond3A_64 {
          %dma_wait3A_92 = arith.constant 1 : i32
          %dma_wait3A_93 = arith.constant 0 : i32
          %dma_wait3A_94 = tpu.memref_slice %arg8[%dma_wait3A_92, %dma_wait3A_93] : memref<2x80xi32, #tpu.memory_space<vmem>> -> memref<1x80xi32, #tpu.memory_space<vmem>>
          %dma_wait3A_95 = tpu.memref_squeeze %dma_wait3A_94 : memref<1x80xi32, #tpu.memory_space<vmem>> -> memref<80xi32, #tpu.memory_space<vmem>>
          %dma_wait3A_96 = arith.constant 0 : i32
          %dma_wait3A_97 = arith.constant 0 : i32
          %dma_wait3A_98 = tpu.memref_slice %arg11[%dma_wait3A_96, %dma_wait3A_97] : memref<10000x128xf32, #tpu.memory_space<vmem_shared>> -> memref<10000x128xf32, #tpu.memory_space<vmem_shared>>
          tpu.wait_indirect_dma semaphore(%arg15 : memref<!tpu.dma_semaphore, #tpu.memory_space<semaphore_mem>>) src(%arg10 : memref<80x128xf32, #tpu.memory_space<vmem>>) dst(%dma_wait3A_98 : memref<10000x128xf32, #tpu.memory_space<vmem_shared>>)
        } else {
        }
        %run_scoped3A_65 = arith.constant 1 : i32
        "tpu.region"() ({
          %run_scoped3A_92 = tpu.sem_alloc : memref<!tpu.dma_semaphore, #tpu.memory_space<semaphore_mem>>
          %dma_start3A_93 = arith.constant 0 : i32
          %dma_start3A_94 = tpu.memref_slice %arg8[%run_scoped3A_65, %dma_start3A_93] : memref<2x80xi32, #tpu.memory_space<vmem>> -> memref<1x80xi32, #tpu.memory_space<vmem>>
          %dma_start3A_95 = tpu.memref_squeeze %dma_start3A_94 : memref<1x80xi32, #tpu.memory_space<vmem>> -> memref<80xi32, #tpu.memory_space<vmem>>
          %dma_start3A_96 = tpu.memref_slice %arg4[%add3A_52] : memref<320000xi32, #tpu.memory_space<hbm>> -> memref<80xi32, #tpu.memory_space<hbm>>
          %dma_start3A_97 = arith.constant 0 : i32
          %dma_start3A_98 = tpu.memref_slice %arg8[%run_scoped3A_65, %dma_start3A_97] : memref<2x80xi32, #tpu.memory_space<vmem>> -> memref<1x80xi32, #tpu.memory_space<vmem>>
          %dma_start3A_99 = tpu.memref_squeeze %dma_start3A_98 : memref<1x80xi32, #tpu.memory_space<vmem>> -> memref<80xi32, #tpu.memory_space<vmem>>
          %dma_start3A_100 = tpu.memref_slice %arg4[%add3A_52] : memref<320000xi32, #tpu.memory_space<hbm>> -> memref<80xi32, #tpu.memory_space<hbm>>
          tpu.enqueue_dma source(%dma_start3A_100 : memref<80xi32, #tpu.memory_space<hbm>>) target(%dma_start3A_99 : memref<80xi32, #tpu.memory_space<vmem>>) target_semaphore(%run_scoped3A_92 : memref<!tpu.dma_semaphore, #tpu.memory_space<semaphore_mem>>)
          %dma_wait3A_101 = arith.constant 0 : i32
          %dma_wait3A_102 = tpu.memref_slice %arg8[%run_scoped3A_65, %dma_wait3A_101] : memref<2x80xi32, #tpu.memory_space<vmem>> -> memref<1x80xi32, #tpu.memory_space<vmem>>
          %dma_wait3A_103 = tpu.memref_squeeze %dma_wait3A_102 : memref<1x80xi32, #tpu.memory_space<vmem>> -> memref<80xi32, #tpu.memory_space<vmem>>
          %dma_wait3A_104 = tpu.memref_slice %arg4[%add3A_52] : memref<320000xi32, #tpu.memory_space<hbm>> -> memref<80xi32, #tpu.memory_space<hbm>>
          %dma_wait3A_105 = arith.constant 0 : i32
          %dma_wait3A_106 = tpu.memref_slice %arg8[%run_scoped3A_65, %dma_wait3A_105] : memref<2x80xi32, #tpu.memory_space<vmem>> -> memref<1x80xi32, #tpu.memory_space<vmem>>
          %dma_wait3A_107 = tpu.memref_squeeze %dma_wait3A_106 : memref<1x80xi32, #tpu.memory_space<vmem>> -> memref<80xi32, #tpu.memory_space<vmem>>
          %dma_wait3A_108 = tpu.memref_slice %arg4[%add3A_52] : memref<320000xi32, #tpu.memory_space<hbm>> -> memref<80xi32, #tpu.memory_space<hbm>>
          tpu.wait_dma2 semaphore(%run_scoped3A_92 : memref<!tpu.dma_semaphore, #tpu.memory_space<semaphore_mem>>) src(%dma_wait3A_108 : memref<80xi32, #tpu.memory_space<hbm>>) dst(%dma_wait3A_107 : memref<80xi32, #tpu.memory_space<vmem>>)
          tpu.yield
        }) : () -> ()
        %dma_start3A_66 = arith.constant 0 : i32
        %dma_start3A_67 = tpu.memref_slice %arg2[%add3A_52, %dma_start3A_66] : memref<320000x128xf32, #tpu.memory_space<hbm>> -> memref<80x128xf32, #tpu.memory_space<hbm>>
        %dma_start3A_68 = arith.constant 0 : i32
        %dma_start3A_69 = tpu.memref_slice %arg2[%add3A_52, %dma_start3A_68] : memref<320000x128xf32, #tpu.memory_space<hbm>> -> memref<80x128xf32, #tpu.memory_space<hbm>>
        tpu.enqueue_dma source(%dma_start3A_69 : memref<80x128xf32, #tpu.memory_space<hbm>>) target(%arg10 : memref<80x128xf32, #tpu.memory_space<vmem>>) target_semaphore(%arg13 : memref<!tpu.dma_semaphore, #tpu.memory_space<semaphore_mem>>)
        %dma_wait3A_70 = arith.constant 0 : i32
        %dma_wait3A_71 = tpu.memref_slice %arg2[%add3A, %dma_wait3A_70] : memref<320000x128xf32, #tpu.memory_space<hbm>> -> memref<80x128xf32, #tpu.memory_space<hbm>>
        %dma_wait3A_72 = arith.constant 0 : i32
        %dma_wait3A_73 = tpu.memref_slice %arg2[%add3A, %dma_wait3A_72] : memref<320000x128xf32, #tpu.memory_space<hbm>> -> memref<80x128xf32, #tpu.memory_space<hbm>>
        tpu.wait_dma2 semaphore(%arg12 : memref<!tpu.dma_semaphore, #tpu.memory_space<semaphore_mem>>) src(%dma_wait3A_73 : memref<80x128xf32, #tpu.memory_space<hbm>>) dst(%arg9 : memref<80x128xf32, #tpu.memory_space<vmem>>)
        %dma_start3A_74 = arith.constant 0 : i32
        %dma_start3A_75 = arith.constant 0 : i32
        %dma_start3A_76 = tpu.memref_slice %arg8[%dma_start3A_74, %dma_start3A_75] : memref<2x80xi32, #tpu.memory_space<vmem>> -> memref<1x80xi32, #tpu.memory_space<vmem>>
        %dma_start3A_77 = tpu.memref_squeeze %dma_start3A_76 : memref<1x80xi32, #tpu.memory_space<vmem>> -> memref<80xi32, #tpu.memory_space<vmem>>
        %dma_start3A_78 = arith.constant 0 : i32
        %dma_start3A_79 = arith.constant 0 : i32
        %dma_start3A_80 = tpu.memref_slice %arg11[%dma_start3A_78, %dma_start3A_79] : memref<10000x128xf32, #tpu.memory_space<vmem_shared>> -> memref<10000x128xf32, #tpu.memory_space<vmem_shared>>
        tpu.enqueue_indirect_dma source(%arg9 : memref<80x128xf32, #tpu.memory_space<vmem>>) target(%dma_start3A_80 : memref<10000x128xf32, #tpu.memory_space<vmem_shared>>) offsets(%dma_start3A_77 : memref<80xi32, #tpu.memory_space<vmem>>) semaphore(%arg14 : memref<!tpu.dma_semaphore, #tpu.memory_space<semaphore_mem>>) {add = true}
        %dma_wait3A_81 = arith.constant 0 : i32
        %dma_wait3A_82 = tpu.memref_slice %arg2[%add3A_52, %dma_wait3A_81] : memref<320000x128xf32, #tpu.memory_space<hbm>> -> memref<80x128xf32, #tpu.memory_space<hbm>>
        %dma_wait3A_83 = arith.constant 0 : i32
        %dma_wait3A_84 = tpu.memref_slice %arg2[%add3A_52, %dma_wait3A_83] : memref<320000x128xf32, #tpu.memory_space<hbm>> -> memref<80x128xf32, #tpu.memory_space<hbm>>
        tpu.wait_dma2 semaphore(%arg13 : memref<!tpu.dma_semaphore, #tpu.memory_space<semaphore_mem>>) src(%dma_wait3A_84 : memref<80x128xf32, #tpu.memory_space<hbm>>) dst(%arg10 : memref<80x128xf32, #tpu.memory_space<vmem>>)
        %dma_start3A_85 = arith.constant 1 : i32
        %dma_start3A_86 = arith.constant 0 : i32
        %dma_start3A_87 = tpu.memref_slice %arg8[%dma_start3A_85, %dma_start3A_86] : memref<2x80xi32, #tpu.memory_space<vmem>> -> memref<1x80xi32, #tpu.memory_space<vmem>>
        %dma_start3A_88 = tpu.memref_squeeze %dma_start3A_87 : memref<1x80xi32, #tpu.memory_space<vmem>> -> memref<80xi32, #tpu.memory_space<vmem>>
        %dma_start3A_89 = arith.constant 0 : i32
        %dma_start3A_90 = arith.constant 0 : i32
        %dma_start3A_91 = tpu.memref_slice %arg11[%dma_start3A_89, %dma_start3A_90] : memref<10000x128xf32, #tpu.memory_space<vmem_shared>> -> memref<10000x128xf32, #tpu.memory_space<vmem_shared>>
        tpu.enqueue_indirect_dma source(%arg10 : memref<80x128xf32, #tpu.memory_space<vmem>>) target(%dma_start3A_91 : memref<10000x128xf32, #tpu.memory_space<vmem_shared>>) offsets(%dma_start3A_88 : memref<80xi32, #tpu.memory_space<vmem>>) semaphore(%arg15 : memref<!tpu.dma_semaphore, #tpu.memory_space<semaphore_mem>>) {add = true}
      }
      %scan3A_30 = arith.constant 125 : i32
      %dma_wait3A = arith.constant 0 : i32
      %dma_wait3A_31 = arith.constant 0 : i32
      %dma_wait3A_32 = tpu.memref_slice %arg8[%dma_wait3A, %dma_wait3A_31] : memref<2x80xi32, #tpu.memory_space<vmem>> -> memref<1x80xi32, #tpu.memory_space<vmem>>
      %dma_wait3A_33 = tpu.memref_squeeze %dma_wait3A_32 : memref<1x80xi32, #tpu.memory_space<vmem>> -> memref<80xi32, #tpu.memory_space<vmem>>
      %dma_wait3A_34 = arith.constant 0 : i32
      %dma_wait3A_35 = arith.constant 0 : i32
      %dma_wait3A_36 = tpu.memref_slice %arg11[%dma_wait3A_34, %dma_wait3A_35] : memref<10000x128xf32, #tpu.memory_space<vmem_shared>> -> memref<10000x128xf32, #tpu.memory_space<vmem_shared>>
      tpu.wait_indirect_dma semaphore(%arg14 : memref<!tpu.dma_semaphore, #tpu.memory_space<semaphore_mem>>) src(%arg9 : memref<80x128xf32, #tpu.memory_space<vmem>>) dst(%dma_wait3A_36 : memref<10000x128xf32, #tpu.memory_space<vmem_shared>>)
      %dma_wait3A_37 = arith.constant 1 : i32
      %dma_wait3A_38 = arith.constant 0 : i32
      %dma_wait3A_39 = tpu.memref_slice %arg8[%dma_wait3A_37, %dma_wait3A_38] : memref<2x80xi32, #tpu.memory_space<vmem>> -> memref<1x80xi32, #tpu.memory_space<vmem>>
      %dma_wait3A_40 = tpu.memref_squeeze %dma_wait3A_39 : memref<1x80xi32, #tpu.memory_space<vmem>> -> memref<80xi32, #tpu.memory_space<vmem>>
      %dma_wait3A_41 = arith.constant 0 : i32
      %dma_wait3A_42 = arith.constant 0 : i32
      %dma_wait3A_43 = tpu.memref_slice %arg11[%dma_wait3A_41, %dma_wait3A_42] : memref<10000x128xf32, #tpu.memory_space<vmem_shared>> -> memref<10000x128xf32, #tpu.memory_space<vmem_shared>>
      tpu.wait_indirect_dma semaphore(%arg15 : memref<!tpu.dma_semaphore, #tpu.memory_space<semaphore_mem>>) src(%arg10 : memref<80x128xf32, #tpu.memory_space<vmem>>) dst(%dma_wait3A_43 : memref<10000x128xf32, #tpu.memory_space<vmem_shared>>)
    } else {
    }
    %eq3A_10 = arith.constant 1 : i32
    %eq3A_11 = arith.cmpi eq, %arg0, %eq3A_10 : i32
    %convert_element_type3A_12 = arith.extui %eq3A_11 : i1 to i32
    %cond3A_13 = arith.constant 0 : i32
    %cond3A_14 = arith.cmpi ne, %convert_element_type3A_12, %cond3A_13 : i32
    scf.if %cond3A_14 {
      %scan3A = arith.constant 0 : i32
      %scan3A_26 = arith.constant 0 : i32
      %scan3A_27 = arith.constant 125 : i32
      %scan3A_28 = arith.addi %scan3A_26, %scan3A_27 : i32
      %scan3A_29 = arith.constant 1 : i32
      scf.for %scan3A_44 = %scan3A_26 to %scan3A_28 step %scan3A_29  : i32 {
        %mul3A_45 = arith.constant 20000 : i32
        %mul3A_46 = arith.muli %arg1, %mul3A_45 : i32
        %mul3A_47 = arith.constant 2 : i32
        %mul3A_48 = arith.muli %mul3A_47, %scan3A_44 : i32
        %mul3A_49 = arith.constant 80 : i32
        %mul3A_50 = arith.muli %mul3A_48, %mul3A_49 : i32
        %add3A = arith.addi %mul3A_46, %mul3A_50 : i32
        %add3A_51 = arith.constant 80 : i32
        %add3A_52 = arith.addi %add3A, %add3A_51 : i32
        %gt3A = arith.constant 0 : i32
        %gt3A_53 = arith.cmpi sgt, %scan3A_44, %gt3A : i32
        %convert_element_type3A_54 = arith.extui %gt3A_53 : i1 to i32
        %cond3A_55 = arith.constant 0 : i32
        %cond3A_56 = arith.cmpi ne, %convert_element_type3A_54, %cond3A_55 : i32
        scf.if %cond3A_56 {
          %dma_wait3A_92 = arith.constant 0 : i32
          %dma_wait3A_93 = arith.constant 0 : i32
          %dma_wait3A_94 = tpu.memref_slice %arg8[%dma_wait3A_92, %dma_wait3A_93] : memref<2x80xi32, #tpu.memory_space<vmem>> -> memref<1x80xi32, #tpu.memory_space<vmem>>
          %dma_wait3A_95 = tpu.memref_squeeze %dma_wait3A_94 : memref<1x80xi32, #tpu.memory_space<vmem>> -> memref<80xi32, #tpu.memory_space<vmem>>
          %dma_wait3A_96 = arith.constant 0 : i32
          %dma_wait3A_97 = arith.constant 0 : i32
          %dma_wait3A_98 = tpu.memref_slice %arg11[%dma_wait3A_96, %dma_wait3A_97] : memref<10000x128xf32, #tpu.memory_space<vmem_shared>> -> memref<10000x128xf32, #tpu.memory_space<vmem_shared>>
          tpu.wait_indirect_dma semaphore(%arg14 : memref<!tpu.dma_semaphore, #tpu.memory_space<semaphore_mem>>) src(%arg9 : memref<80x128xf32, #tpu.memory_space<vmem>>) dst(%dma_wait3A_98 : memref<10000x128xf32, #tpu.memory_space<vmem_shared>>)
        } else {
        }
        %run_scoped3A = arith.constant 0 : i32
        "tpu.region"() ({
          %run_scoped3A_92 = tpu.sem_alloc : memref<!tpu.dma_semaphore, #tpu.memory_space<semaphore_mem>>
          %dma_start3A_93 = arith.constant 0 : i32
          %dma_start3A_94 = tpu.memref_slice %arg8[%run_scoped3A, %dma_start3A_93] : memref<2x80xi32, #tpu.memory_space<vmem>> -> memref<1x80xi32, #tpu.memory_space<vmem>>
          %dma_start3A_95 = tpu.memref_squeeze %dma_start3A_94 : memref<1x80xi32, #tpu.memory_space<vmem>> -> memref<80xi32, #tpu.memory_space<vmem>>
          %dma_start3A_96 = tpu.memref_slice %arg4[%add3A] : memref<320000xi32, #tpu.memory_space<hbm>> -> memref<80xi32, #tpu.memory_space<hbm>>
          %dma_start3A_97 = arith.constant 0 : i32
          %dma_start3A_98 = tpu.memref_slice %arg8[%run_scoped3A, %dma_start3A_97] : memref<2x80xi32, #tpu.memory_space<vmem>> -> memref<1x80xi32, #tpu.memory_space<vmem>>
          %dma_start3A_99 = tpu.memref_squeeze %dma_start3A_98 : memref<1x80xi32, #tpu.memory_space<vmem>> -> memref<80xi32, #tpu.memory_space<vmem>>
          %dma_start3A_100 = tpu.memref_slice %arg4[%add3A] : memref<320000xi32, #tpu.memory_space<hbm>> -> memref<80xi32, #tpu.memory_space<hbm>>
          tpu.enqueue_dma source(%dma_start3A_100 : memref<80xi32, #tpu.memory_space<hbm>>) target(%dma_start3A_99 : memref<80xi32, #tpu.memory_space<vmem>>) target_semaphore(%run_scoped3A_92 : memref<!tpu.dma_semaphore, #tpu.memory_space<semaphore_mem>>)
          %dma_wait3A_101 = arith.constant 0 : i32
          %dma_wait3A_102 = tpu.memref_slice %arg8[%run_scoped3A, %dma_wait3A_101] : memref<2x80xi32, #tpu.memory_space<vmem>> -> memref<1x80xi32, #tpu.memory_space<vmem>>
          %dma_wait3A_103 = tpu.memref_squeeze %dma_wait3A_102 : memref<1x80xi32, #tpu.memory_space<vmem>> -> memref<80xi32, #tpu.memory_space<vmem>>
          %dma_wait3A_104 = tpu.memref_slice %arg4[%add3A] : memref<320000xi32, #tpu.memory_space<hbm>> -> memref<80xi32, #tpu.memory_space<hbm>>
          %dma_wait3A_105 = arith.constant 0 : i32
          %dma_wait3A_106 = tpu.memref_slice %arg8[%run_scoped3A, %dma_wait3A_105] : memref<2x80xi32, #tpu.memory_space<vmem>> -> memref<1x80xi32, #tpu.memory_space<vmem>>
          %dma_wait3A_107 = tpu.memref_squeeze %dma_wait3A_106 : memref<1x80xi32, #tpu.memory_space<vmem>> -> memref<80xi32, #tpu.memory_space<vmem>>
          %dma_wait3A_108 = tpu.memref_slice %arg4[%add3A] : memref<320000xi32, #tpu.memory_space<hbm>> -> memref<80xi32, #tpu.memory_space<hbm>>
          tpu.wait_dma2 semaphore(%run_scoped3A_92 : memref<!tpu.dma_semaphore, #tpu.memory_space<semaphore_mem>>) src(%dma_wait3A_108 : memref<80xi32, #tpu.memory_space<hbm>>) dst(%dma_wait3A_107 : memref<80xi32, #tpu.memory_space<vmem>>)
          tpu.yield
        }) : () -> ()
        %dma_start3A = arith.constant 0 : i32
        %dma_start3A_57 = tpu.memref_slice %arg3[%add3A, %dma_start3A] : memref<320000x128xf32, #tpu.memory_space<hbm>> -> memref<80x128xf32, #tpu.memory_space<hbm>>
        %dma_start3A_58 = arith.constant 0 : i32
        %dma_start3A_59 = tpu.memref_slice %arg3[%add3A, %dma_start3A_58] : memref<320000x128xf32, #tpu.memory_space<hbm>> -> memref<80x128xf32, #tpu.memory_space<hbm>>
        tpu.enqueue_dma source(%dma_start3A_59 : memref<80x128xf32, #tpu.memory_space<hbm>>) target(%arg9 : memref<80x128xf32, #tpu.memory_space<vmem>>) target_semaphore(%arg12 : memref<!tpu.dma_semaphore, #tpu.memory_space<semaphore_mem>>)
        %gt3A_60 = arith.constant 0 : i32
        %gt3A_61 = arith.cmpi sgt, %scan3A_44, %gt3A_60 : i32
        %convert_element_type3A_62 = arith.extui %gt3A_61 : i1 to i32
        %cond3A_63 = arith.constant 0 : i32
        %cond3A_64 = arith.cmpi ne, %convert_element_type3A_62, %cond3A_63 : i32
        scf.if %cond3A_64 {
          %dma_wait3A_92 = arith.constant 1 : i32
          %dma_wait3A_93 = arith.constant 0 : i32
          %dma_wait3A_94 = tpu.memref_slice %arg8[%dma_wait3A_92, %dma_wait3A_93] : memref<2x80xi32, #tpu.memory_space<vmem>> -> memref<1x80xi32, #tpu.memory_space<vmem>>
          %dma_wait3A_95 = tpu.memref_squeeze %dma_wait3A_94 : memref<1x80xi32, #tpu.memory_space<vmem>> -> memref<80xi32, #tpu.memory_space<vmem>>
          %dma_wait3A_96 = arith.constant 0 : i32
          %dma_wait3A_97 = arith.constant 0 : i32
          %dma_wait3A_98 = tpu.memref_slice %arg11[%dma_wait3A_96, %dma_wait3A_97] : memref<10000x128xf32, #tpu.memory_space<vmem_shared>> -> memref<10000x128xf32, #tpu.memory_space<vmem_shared>>
          tpu.wait_indirect_dma semaphore(%arg15 : memref<!tpu.dma_semaphore, #tpu.memory_space<semaphore_mem>>) src(%arg10 : memref<80x128xf32, #tpu.memory_space<vmem>>) dst(%dma_wait3A_98 : memref<10000x128xf32, #tpu.memory_space<vmem_shared>>)
        } else {
        }
        %run_scoped3A_65 = arith.constant 1 : i32
        "tpu.region"() ({
          %run_scoped3A_92 = tpu.sem_alloc : memref<!tpu.dma_semaphore, #tpu.memory_space<semaphore_mem>>
          %dma_start3A_93 = arith.constant 0 : i32
          %dma_start3A_94 = tpu.memref_slice %arg8[%run_scoped3A_65, %dma_start3A_93] : memref<2x80xi32, #tpu.memory_space<vmem>> -> memref<1x80xi32, #tpu.memory_space<vmem>>
          %dma_start3A_95 = tpu.memref_squeeze %dma_start3A_94 : memref<1x80xi32, #tpu.memory_space<vmem>> -> memref<80xi32, #tpu.memory_space<vmem>>
          %dma_start3A_96 = tpu.memref_slice %arg4[%add3A_52] : memref<320000xi32, #tpu.memory_space<hbm>> -> memref<80xi32, #tpu.memory_space<hbm>>
          %dma_start3A_97 = arith.constant 0 : i32
          %dma_start3A_98 = tpu.memref_slice %arg8[%run_scoped3A_65, %dma_start3A_97] : memref<2x80xi32, #tpu.memory_space<vmem>> -> memref<1x80xi32, #tpu.memory_space<vmem>>
          %dma_start3A_99 = tpu.memref_squeeze %dma_start3A_98 : memref<1x80xi32, #tpu.memory_space<vmem>> -> memref<80xi32, #tpu.memory_space<vmem>>
          %dma_start3A_100 = tpu.memref_slice %arg4[%add3A_52] : memref<320000xi32, #tpu.memory_space<hbm>> -> memref<80xi32, #tpu.memory_space<hbm>>
          tpu.enqueue_dma source(%dma_start3A_100 : memref<80xi32, #tpu.memory_space<hbm>>) target(%dma_start3A_99 : memref<80xi32, #tpu.memory_space<vmem>>) target_semaphore(%run_scoped3A_92 : memref<!tpu.dma_semaphore, #tpu.memory_space<semaphore_mem>>)
          %dma_wait3A_101 = arith.constant 0 : i32
          %dma_wait3A_102 = tpu.memref_slice %arg8[%run_scoped3A_65, %dma_wait3A_101] : memref<2x80xi32, #tpu.memory_space<vmem>> -> memref<1x80xi32, #tpu.memory_space<vmem>>
          %dma_wait3A_103 = tpu.memref_squeeze %dma_wait3A_102 : memref<1x80xi32, #tpu.memory_space<vmem>> -> memref<80xi32, #tpu.memory_space<vmem>>
          %dma_wait3A_104 = tpu.memref_slice %arg4[%add3A_52] : memref<320000xi32, #tpu.memory_space<hbm>> -> memref<80xi32, #tpu.memory_space<hbm>>
          %dma_wait3A_105 = arith.constant 0 : i32
          %dma_wait3A_106 = tpu.memref_slice %arg8[%run_scoped3A_65, %dma_wait3A_105] : memref<2x80xi32, #tpu.memory_space<vmem>> -> memref<1x80xi32, #tpu.memory_space<vmem>>
          %dma_wait3A_107 = tpu.memref_squeeze %dma_wait3A_106 : memref<1x80xi32, #tpu.memory_space<vmem>> -> memref<80xi32, #tpu.memory_space<vmem>>
          %dma_wait3A_108 = tpu.memref_slice %arg4[%add3A_52] : memref<320000xi32, #tpu.memory_space<hbm>> -> memref<80xi32, #tpu.memory_space<hbm>>
          tpu.wait_dma2 semaphore(%run_scoped3A_92 : memref<!tpu.dma_semaphore, #tpu.memory_space<semaphore_mem>>) src(%dma_wait3A_108 : memref<80xi32, #tpu.memory_space<hbm>>) dst(%dma_wait3A_107 : memref<80xi32, #tpu.memory_space<vmem>>)
          tpu.yield
        }) : () -> ()
        %dma_start3A_66 = arith.constant 0 : i32
        %dma_start3A_67 = tpu.memref_slice %arg3[%add3A_52, %dma_start3A_66] : memref<320000x128xf32, #tpu.memory_space<hbm>> -> memref<80x128xf32, #tpu.memory_space<hbm>>
        %dma_start3A_68 = arith.constant 0 : i32
        %dma_start3A_69 = tpu.memref_slice %arg3[%add3A_52, %dma_start3A_68] : memref<320000x128xf32, #tpu.memory_space<hbm>> -> memref<80x128xf32, #tpu.memory_space<hbm>>
        tpu.enqueue_dma source(%dma_start3A_69 : memref<80x128xf32, #tpu.memory_space<hbm>>) target(%arg10 : memref<80x128xf32, #tpu.memory_space<vmem>>) target_semaphore(%arg13 : memref<!tpu.dma_semaphore, #tpu.memory_space<semaphore_mem>>)
        %dma_wait3A_70 = arith.constant 0 : i32
        %dma_wait3A_71 = tpu.memref_slice %arg3[%add3A, %dma_wait3A_70] : memref<320000x128xf32, #tpu.memory_space<hbm>> -> memref<80x128xf32, #tpu.memory_space<hbm>>
        %dma_wait3A_72 = arith.constant 0 : i32
        %dma_wait3A_73 = tpu.memref_slice %arg3[%add3A, %dma_wait3A_72] : memref<320000x128xf32, #tpu.memory_space<hbm>> -> memref<80x128xf32, #tpu.memory_space<hbm>>
        tpu.wait_dma2 semaphore(%arg12 : memref<!tpu.dma_semaphore, #tpu.memory_space<semaphore_mem>>) src(%dma_wait3A_73 : memref<80x128xf32, #tpu.memory_space<hbm>>) dst(%arg9 : memref<80x128xf32, #tpu.memory_space<vmem>>)
        %dma_start3A_74 = arith.constant 0 : i32
        %dma_start3A_75 = arith.constant 0 : i32
        %dma_start3A_76 = tpu.memref_slice %arg8[%dma_start3A_74, %dma_start3A_75] : memref<2x80xi32, #tpu.memory_space<vmem>> -> memref<1x80xi32, #tpu.memory_space<vmem>>
        %dma_start3A_77 = tpu.memref_squeeze %dma_start3A_76 : memref<1x80xi32, #tpu.memory_space<vmem>> -> memref<80xi32, #tpu.memory_space<vmem>>
        %dma_start3A_78 = arith.constant 0 : i32
        %dma_start3A_79 = arith.constant 0 : i32
        %dma_start3A_80 = tpu.memref_slice %arg11[%dma_start3A_78, %dma_start3A_79] : memref<10000x128xf32, #tpu.memory_space<vmem_shared>> -> memref<10000x128xf32, #tpu.memory_space<vmem_shared>>
        tpu.enqueue_indirect_dma source(%arg9 : memref<80x128xf32, #tpu.memory_space<vmem>>) target(%dma_start3A_80 : memref<10000x128xf32, #tpu.memory_space<vmem_shared>>) offsets(%dma_start3A_77 : memref<80xi32, #tpu.memory_space<vmem>>) semaphore(%arg14 : memref<!tpu.dma_semaphore, #tpu.memory_space<semaphore_mem>>) {add = true}
        %dma_wait3A_81 = arith.constant 0 : i32
        %dma_wait3A_82 = tpu.memref_slice %arg3[%add3A_52, %dma_wait3A_81] : memref<320000x128xf32, #tpu.memory_space<hbm>> -> memref<80x128xf32, #tpu.memory_space<hbm>>
        %dma_wait3A_83 = arith.constant 0 : i32
        %dma_wait3A_84 = tpu.memref_slice %arg3[%add3A_52, %dma_wait3A_83] : memref<320000x128xf32, #tpu.memory_space<hbm>> -> memref<80x128xf32, #tpu.memory_space<hbm>>
        tpu.wait_dma2 semaphore(%arg13 : memref<!tpu.dma_semaphore, #tpu.memory_space<semaphore_mem>>) src(%dma_wait3A_84 : memref<80x128xf32, #tpu.memory_space<hbm>>) dst(%arg10 : memref<80x128xf32, #tpu.memory_space<vmem>>)
        %dma_start3A_85 = arith.constant 1 : i32
        %dma_start3A_86 = arith.constant 0 : i32
        %dma_start3A_87 = tpu.memref_slice %arg8[%dma_start3A_85, %dma_start3A_86] : memref<2x80xi32, #tpu.memory_space<vmem>> -> memref<1x80xi32, #tpu.memory_space<vmem>>
        %dma_start3A_88 = tpu.memref_squeeze %dma_start3A_87 : memref<1x80xi32, #tpu.memory_space<vmem>> -> memref<80xi32, #tpu.memory_space<vmem>>
        %dma_start3A_89 = arith.constant 0 : i32
        %dma_start3A_90 = arith.constant 0 : i32
        %dma_start3A_91 = tpu.memref_slice %arg11[%dma_start3A_89, %dma_start3A_90] : memref<10000x128xf32, #tpu.memory_space<vmem_shared>> -> memref<10000x128xf32, #tpu.memory_space<vmem_shared>>
        tpu.enqueue_indirect_dma source(%arg10 : memref<80x128xf32, #tpu.memory_space<vmem>>) target(%dma_start3A_91 : memref<10000x128xf32, #tpu.memory_space<vmem_shared>>) offsets(%dma_start3A_88 : memref<80xi32, #tpu.memory_space<vmem>>) semaphore(%arg15 : memref<!tpu.dma_semaphore, #tpu.memory_space<semaphore_mem>>) {add = true}
      }
      %scan3A_30 = arith.constant 125 : i32
      %dma_wait3A = arith.constant 0 : i32
      %dma_wait3A_31 = arith.constant 0 : i32
      %dma_wait3A_32 = tpu.memref_slice %arg8[%dma_wait3A, %dma_wait3A_31] : memref<2x80xi32, #tpu.memory_space<vmem>> -> memref<1x80xi32, #tpu.memory_space<vmem>>
      %dma_wait3A_33 = tpu.memref_squeeze %dma_wait3A_32 : memref<1x80xi32, #tpu.memory_space<vmem>> -> memref<80xi32, #tpu.memory_space<vmem>>
      %dma_wait3A_34 = arith.constant 0 : i32
      %dma_wait3A_35 = arith.constant 0 : i32
      %dma_wait3A_36 = tpu.memref_slice %arg11[%dma_wait3A_34, %dma_wait3A_35] : memref<10000x128xf32, #tpu.memory_space<vmem_shared>> -> memref<10000x128xf32, #tpu.memory_space<vmem_shared>>
      tpu.wait_indirect_dma semaphore(%arg14 : memref<!tpu.dma_semaphore, #tpu.memory_space<semaphore_mem>>) src(%arg9 : memref<80x128xf32, #tpu.memory_space<vmem>>) dst(%dma_wait3A_36 : memref<10000x128xf32, #tpu.memory_space<vmem_shared>>)
      %dma_wait3A_37 = arith.constant 1 : i32
      %dma_wait3A_38 = arith.constant 0 : i32
      %dma_wait3A_39 = tpu.memref_slice %arg8[%dma_wait3A_37, %dma_wait3A_38] : memref<2x80xi32, #tpu.memory_space<vmem>> -> memref<1x80xi32, #tpu.memory_space<vmem>>
      %dma_wait3A_40 = tpu.memref_squeeze %dma_wait3A_39 : memref<1x80xi32, #tpu.memory_space<vmem>> -> memref<80xi32, #tpu.memory_space<vmem>>
      %dma_wait3A_41 = arith.constant 0 : i32
      %dma_wait3A_42 = arith.constant 0 : i32
      %dma_wait3A_43 = tpu.memref_slice %arg11[%dma_wait3A_41, %dma_wait3A_42] : memref<10000x128xf32, #tpu.memory_space<vmem_shared>> -> memref<10000x128xf32, #tpu.memory_space<vmem_shared>>
      tpu.wait_indirect_dma semaphore(%arg15 : memref<!tpu.dma_semaphore, #tpu.memory_space<semaphore_mem>>) src(%arg10 : memref<80x128xf32, #tpu.memory_space<vmem>>) dst(%dma_wait3A_43 : memref<10000x128xf32, #tpu.memory_space<vmem_shared>>)
    } else {
    }
    %barrier3A_15 = arith.constant 0 : index
    tpu.barrier barrier_id(%barrier3A_15)
    %eq3A_16 = arith.constant 0 : i32
    %eq3A_17 = arith.cmpi eq, %arg0, %eq3A_16 : i32
    %convert_element_type3A_18 = arith.extui %eq3A_17 : i1 to i32
    %cond3A_19 = arith.constant 0 : i32
    %cond3A_20 = arith.cmpi ne, %convert_element_type3A_18, %cond3A_19 : i32
    scf.if %cond3A_20 {
      %mul3A_26 = arith.constant 624 : i32
      %mul3A_27 = arith.muli %arg1, %mul3A_26 : i32
      %mul3A_28 = arith.constant 624 : i32
      %mul3A_29 = arith.muli %arg1, %mul3A_28 : i32
      "tpu.region"() ({
        %run_scoped3A = tpu.sem_alloc : memref<!tpu.dma_semaphore, #tpu.memory_space<semaphore_mem>>
        %dma_start3A = arith.constant 0 : i32
        %dma_start3A_35 = tpu.memref_slice %arg6[%mul3A_29, %dma_start3A] : memref<10000x128xf32, #tpu.memory_space<hbm>> -> memref<624x128xf32, #tpu.memory_space<hbm>>
        %dma_start3A_36 = arith.constant 0 : i32
        %dma_start3A_37 = tpu.memref_slice %arg11[%mul3A_27, %dma_start3A_36] : memref<10000x128xf32, #tpu.memory_space<vmem_shared>> -> memref<624x128xf32, #tpu.memory_space<vmem_shared>>
        tpu.enqueue_dma source(%dma_start3A_37 : memref<624x128xf32, #tpu.memory_space<vmem_shared>>) target(%dma_start3A_35 : memref<624x128xf32, #tpu.memory_space<hbm>>) target_semaphore(%run_scoped3A : memref<!tpu.dma_semaphore, #tpu.memory_space<semaphore_mem>>)
        %dma_wait3A = arith.constant 0 : i32
        %dma_wait3A_38 = tpu.memref_slice %arg6[%mul3A_29, %dma_wait3A] : memref<10000x128xf32, #tpu.memory_space<hbm>> -> memref<624x128xf32, #tpu.memory_space<hbm>>
        %dma_wait3A_39 = arith.constant 0 : i32
        %dma_wait3A_40 = tpu.memref_slice %arg11[%mul3A_27, %dma_wait3A_39] : memref<10000x128xf32, #tpu.memory_space<vmem_shared>> -> memref<624x128xf32, #tpu.memory_space<vmem_shared>>
        tpu.wait_dma2 semaphore(%run_scoped3A : memref<!tpu.dma_semaphore, #tpu.memory_space<semaphore_mem>>) src(%dma_wait3A_40 : memref<624x128xf32, #tpu.memory_space<vmem_shared>>) dst(%dma_wait3A_38 : memref<624x128xf32, #tpu.memory_space<hbm>>)
        tpu.yield
      }) : () -> ()
      %eq3A_30 = arith.constant 0 : i32
      %eq3A_31 = arith.cmpi eq, %arg1, %eq3A_30 : i32
      %convert_element_type3A_32 = arith.extui %eq3A_31 : i1 to i32
      %cond3A_33 = arith.constant 0 : i32
      %cond3A_34 = arith.cmpi ne, %convert_element_type3A_32, %cond3A_33 : i32
      scf.if %cond3A_34 {
        "tpu.region"() ({
          %run_scoped3A = tpu.sem_alloc : memref<!tpu.dma_semaphore, #tpu.memory_space<semaphore_mem>>
          %dma_start3A = arith.constant 9984 : i32
          %dma_start3A_35 = arith.constant 0 : i32
          %dma_start3A_36 = tpu.memref_slice %arg6[%dma_start3A, %dma_start3A_35] : memref<10000x128xf32, #tpu.memory_space<hbm>> -> memref<16x128xf32, #tpu.memory_space<hbm>>
          %dma_start3A_37 = arith.constant 9984 : i32
          %dma_start3A_38 = arith.constant 0 : i32
          %dma_start3A_39 = tpu.memref_slice %arg11[%dma_start3A_37, %dma_start3A_38] : memref<10000x128xf32, #tpu.memory_space<vmem_shared>> -> memref<16x128xf32, #tpu.memory_space<vmem_shared>>
          tpu.enqueue_dma source(%dma_start3A_39 : memref<16x128xf32, #tpu.memory_space<vmem_shared>>) target(%dma_start3A_36 : memref<16x128xf32, #tpu.memory_space<hbm>>) target_semaphore(%run_scoped3A : memref<!tpu.dma_semaphore, #tpu.memory_space<semaphore_mem>>)
          %dma_wait3A = arith.constant 9984 : i32
          %dma_wait3A_40 = arith.constant 0 : i32
          %dma_wait3A_41 = tpu.memref_slice %arg6[%dma_wait3A, %dma_wait3A_40] : memref<10000x128xf32, #tpu.memory_space<hbm>> -> memref<16x128xf32, #tpu.memory_space<hbm>>
          %dma_wait3A_42 = arith.constant 9984 : i32
          %dma_wait3A_43 = arith.constant 0 : i32
          %dma_wait3A_44 = tpu.memref_slice %arg11[%dma_wait3A_42, %dma_wait3A_43] : memref<10000x128xf32, #tpu.memory_space<vmem_shared>> -> memref<16x128xf32, #tpu.memory_space<vmem_shared>>
          tpu.wait_dma2 semaphore(%run_scoped3A : memref<!tpu.dma_semaphore, #tpu.memory_space<semaphore_mem>>) src(%dma_wait3A_44 : memref<16x128xf32, #tpu.memory_space<vmem_shared>>) dst(%dma_wait3A_41 : memref<16x128xf32, #tpu.memory_space<hbm>>)
          tpu.yield
        }) : () -> ()
      } else {
      }
    } else {
    }
    %eq3A_21 = arith.constant 1 : i32
    %eq3A_22 = arith.cmpi eq, %arg0, %eq3A_21 : i32
    %convert_element_type3A_23 = arith.extui %eq3A_22 : i1 to i32
    %cond3A_24 = arith.constant 0 : i32
    %cond3A_25 = arith.cmpi ne, %convert_element_type3A_23, %cond3A_24 : i32
    scf.if %cond3A_25 {
      %mul3A_26 = arith.constant 624 : i32
      %mul3A_27 = arith.muli %arg1, %mul3A_26 : i32
      %mul3A_28 = arith.constant 624 : i32
      %mul3A_29 = arith.muli %arg1, %mul3A_28 : i32
      "tpu.region"() ({
        %run_scoped3A = tpu.sem_alloc : memref<!tpu.dma_semaphore, #tpu.memory_space<semaphore_mem>>
        %dma_start3A = arith.constant 0 : i32
        %dma_start3A_35 = tpu.memref_slice %arg7[%mul3A_29, %dma_start3A] : memref<10000x128xf32, #tpu.memory_space<hbm>> -> memref<624x128xf32, #tpu.memory_space<hbm>>
        %dma_start3A_36 = arith.constant 0 : i32
        %dma_start3A_37 = tpu.memref_slice %arg11[%mul3A_27, %dma_start3A_36] : memref<10000x128xf32, #tpu.memory_space<vmem_shared>> -> memref<624x128xf32, #tpu.memory_space<vmem_shared>>
        tpu.enqueue_dma source(%dma_start3A_37 : memref<624x128xf32, #tpu.memory_space<vmem_shared>>) target(%dma_start3A_35 : memref<624x128xf32, #tpu.memory_space<hbm>>) target_semaphore(%run_scoped3A : memref<!tpu.dma_semaphore, #tpu.memory_space<semaphore_mem>>)
        %dma_wait3A = arith.constant 0 : i32
        %dma_wait3A_38 = tpu.memref_slice %arg7[%mul3A_29, %dma_wait3A] : memref<10000x128xf32, #tpu.memory_space<hbm>> -> memref<624x128xf32, #tpu.memory_space<hbm>>
        %dma_wait3A_39 = arith.constant 0 : i32
        %dma_wait3A_40 = tpu.memref_slice %arg11[%mul3A_27, %dma_wait3A_39] : memref<10000x128xf32, #tpu.memory_space<vmem_shared>> -> memref<624x128xf32, #tpu.memory_space<vmem_shared>>
        tpu.wait_dma2 semaphore(%run_scoped3A : memref<!tpu.dma_semaphore, #tpu.memory_space<semaphore_mem>>) src(%dma_wait3A_40 : memref<624x128xf32, #tpu.memory_space<vmem_shared>>) dst(%dma_wait3A_38 : memref<624x128xf32, #tpu.memory_space<hbm>>)
        tpu.yield
      }) : () -> ()
      %eq3A_30 = arith.constant 0 : i32
      %eq3A_31 = arith.cmpi eq, %arg1, %eq3A_30 : i32
      %convert_element_type3A_32 = arith.extui %eq3A_31 : i1 to i32
      %cond3A_33 = arith.constant 0 : i32
      %cond3A_34 = arith.cmpi ne, %convert_element_type3A_32, %cond3A_33 : i32
      scf.if %cond3A_34 {
        "tpu.region"() ({
          %run_scoped3A = tpu.sem_alloc : memref<!tpu.dma_semaphore, #tpu.memory_space<semaphore_mem>>
          %dma_start3A = arith.constant 9984 : i32
          %dma_start3A_35 = arith.constant 0 : i32
          %dma_start3A_36 = tpu.memref_slice %arg7[%dma_start3A, %dma_start3A_35] : memref<10000x128xf32, #tpu.memory_space<hbm>> -> memref<16x128xf32, #tpu.memory_space<hbm>>
          %dma_start3A_37 = arith.constant 9984 : i32
          %dma_start3A_38 = arith.constant 0 : i32
          %dma_start3A_39 = tpu.memref_slice %arg11[%dma_start3A_37, %dma_start3A_38] : memref<10000x128xf32, #tpu.memory_space<vmem_shared>> -> memref<16x128xf32, #tpu.memory_space<vmem_shared>>
          tpu.enqueue_dma source(%dma_start3A_39 : memref<16x128xf32, #tpu.memory_space<vmem_shared>>) target(%dma_start3A_36 : memref<16x128xf32, #tpu.memory_space<hbm>>) target_semaphore(%run_scoped3A : memref<!tpu.dma_semaphore, #tpu.memory_space<semaphore_mem>>)
          %dma_wait3A = arith.constant 9984 : i32
          %dma_wait3A_40 = arith.constant 0 : i32
          %dma_wait3A_41 = tpu.memref_slice %arg7[%dma_wait3A, %dma_wait3A_40] : memref<10000x128xf32, #tpu.memory_space<hbm>> -> memref<16x128xf32, #tpu.memory_space<hbm>>
          %dma_wait3A_42 = arith.constant 9984 : i32
          %dma_wait3A_43 = arith.constant 0 : i32
          %dma_wait3A_44 = tpu.memref_slice %arg11[%dma_wait3A_42, %dma_wait3A_43] : memref<10000x128xf32, #tpu.memory_space<vmem_shared>> -> memref<16x128xf32, #tpu.memory_space<vmem_shared>>
          tpu.wait_dma2 semaphore(%run_scoped3A : memref<!tpu.dma_semaphore, #tpu.memory_space<semaphore_mem>>) src(%dma_wait3A_44 : memref<16x128xf32, #tpu.memory_space<vmem_shared>>) dst(%dma_wait3A_41 : memref<16x128xf32, #tpu.memory_space<hbm>>)
          tpu.yield
        }) : () -> ()
      } else {
      }
    } else {
    }
    return
  }
}

module attributes {stable_mosaic.version = 14 : i64} {
  func.func @_prep_body(%arg0: i32, %arg1: memref<1000x128xf32, #tpu.memory_space<vmem>>, %arg2: memref<1000x96xf32, #tpu.memory_space<vmem>>, %arg3: memref<1000x3xf32, #tpu.memory_space<vmem>>, %arg4: memref<32x32xf32, #tpu.memory_space<vmem>>, %arg5: memref<1000x256xf32, #tpu.memory_space<vmem>>, %arg6: memref<1000x256xf32, #tpu.memory_space<vmem>>) attributes {dimension_semantics = [#tpu.dimension_semantics<arbitrary>], iteration_bounds = array<i64: 10>, scalar_prefetch = 0 : i64, scratch_operands = 0 : i64, tpu.core_type = #tpu.core_type<tc>, window_params = [{transform_indices = @transform_0, window_bounds = array<i64: 1000, 128>}, {transform_indices = @transform_1, window_bounds = array<i64: 1000, 96>}, {transform_indices = @transform_2, window_bounds = array<i64: 1000, 3>}, {pipeline_mode = #tpu.pipeline_mode<synchronous>, transform_indices = @transform_3, window_bounds = array<i64: 32, 32>}, {transform_indices = @transform_4, window_bounds = array<i64: 1000, 256>}, {transform_indices = @transform_5, window_bounds = array<i64: 1000, 256>}]} {
    %get3A = arith.constant 0 : index
    %get3A_0 = arith.constant 0 : index
    %get3A_1 = vector.load %arg1[%get3A, %get3A_0] : memref<1000x128xf32, #tpu.memory_space<vmem>>, vector<1000x128xf32>
    %get3A_2 = arith.constant 0 : index
    %get3A_3 = arith.constant 0 : index
    %get3A_4 = vector.load %arg2[%get3A_2, %get3A_3] : memref<1000x96xf32, #tpu.memory_space<vmem>>, vector<1000x96xf32>
    %get3A_5 = arith.constant 0 : index
    %get3A_6 = arith.constant 0 : index
    %get3A_7 = vector.load %arg3[%get3A_5, %get3A_6] : memref<1000x3xf32, #tpu.memory_space<vmem>>, vector<1000x3xf32>
    %get3A_8 = arith.constant 0 : index
    %get3A_9 = arith.constant 0 : index
    %get3A_10 = vector.load %arg4[%get3A_8, %get3A_9] : memref<32x32xf32, #tpu.memory_space<vmem>>, vector<32x32xf32>
    %slice3A = vector.extract_strided_slice %get3A_4 {offsets = [0, 0], sizes = [1000, 32], strides = [1, 1]} : vector<1000x96xf32> to vector<1000x32xf32>
    %dot_general3A = arith.constant dense<0.000000e+00> : vector<1000x32xf32>
    %dot_general3A_11 = tpu.matmul %slice3A, %get3A_10, %dot_general3A {dimension_numbers = #tpu.dot_dimension_numbers<[1], [0], [0], [1], [0, 0, 1, 1], [], []>, transpose_lhs_hint = false} : vector<1000x32xf32>, vector<32x32xf32>, vector<1000x32xf32> -> vector<1000x32xf32>
    %slice3A_12 = vector.extract_strided_slice %get3A_4 {offsets = [0, 32], sizes = [1000, 32], strides = [1, 1]} : vector<1000x96xf32> to vector<1000x32xf32>
    %dot_general3A_13 = arith.constant dense<0.000000e+00> : vector<1000x32xf32>
    %dot_general3A_14 = tpu.matmul %slice3A_12, %get3A_10, %dot_general3A_13 {dimension_numbers = #tpu.dot_dimension_numbers<[1], [0], [0], [1], [0, 0, 1, 1], [], []>, transpose_lhs_hint = false} : vector<1000x32xf32>, vector<32x32xf32>, vector<1000x32xf32> -> vector<1000x32xf32>
    %slice3A_15 = vector.extract_strided_slice %get3A_4 {offsets = [0, 64], sizes = [1000, 32], strides = [1, 1]} : vector<1000x96xf32> to vector<1000x32xf32>
    %dot_general3A_16 = arith.constant dense<0.000000e+00> : vector<1000x32xf32>
    %dot_general3A_17 = tpu.matmul %slice3A_15, %get3A_10, %dot_general3A_16 {dimension_numbers = #tpu.dot_dimension_numbers<[1], [0], [0], [1], [0, 0, 1, 1], [], []>, transpose_lhs_hint = false} : vector<1000x32xf32>, vector<32x32xf32>, vector<1000x32xf32> -> vector<1000x32xf32>
    %broadcast_in_dim3A = arith.constant 0.000000e+00 : f32
    %broadcast_in_dim3A_18 = vector.broadcast %broadcast_in_dim3A : f32 to vector<1000x125xf32>
    %broadcast_in_dim3A_19 = arith.constant 0.000000e+00 : f32
    %broadcast_in_dim3A_20 = vector.broadcast %broadcast_in_dim3A_19 : f32 to vector<1000x29xf32>
    %concatenate3A = tpu.concatenate %get3A_1, %get3A_7, %broadcast_in_dim3A_18 in 1 : vector<1000x128xf32>, vector<1000x3xf32>, vector<1000x125xf32> -> vector<1000x256xf32>
    %swap3A = arith.constant 0 : index
    %swap3A_21 = arith.constant 0 : index
    %swap3A_22 = vector.load %arg5[%swap3A, %swap3A_21] : memref<1000x256xf32, #tpu.memory_space<vmem>>, vector<1000x256xf32>
    tpu.vector_store %arg5[%swap3A, %swap3A_21], %concatenate3A {strides = array<i32>} : memref<1000x256xf32, #tpu.memory_space<vmem>>, vector<1000x256xf32>,
    %concatenate3A_23 = tpu.concatenate %get3A_1, %dot_general3A_11, %dot_general3A_14, %dot_general3A_17, %get3A_7, %broadcast_in_dim3A_20 in 1 : vector<1000x128xf32>, vector<1000x32xf32>, vector<1000x32xf32>, vector<1000x32xf32>, vector<1000x3xf32>, vector<1000x29xf32> -> vector<1000x256xf32>
    %swap3A_24 = arith.constant 0 : index
    %swap3A_25 = arith.constant 0 : index
    %swap3A_26 = vector.load %arg6[%swap3A_24, %swap3A_25] : memref<1000x256xf32, #tpu.memory_space<vmem>>, vector<1000x256xf32>
    tpu.vector_store %arg6[%swap3A_24, %swap3A_25], %concatenate3A_23 {strides = array<i32>} : memref<1000x256xf32, #tpu.memory_space<vmem>>, vector<1000x256xf32>,
    return
  }
  func.func @transform_0(%arg0: i32) -> (i32, i32) {
    %c0_i32 = arith.constant 0 : i32
    %c0_i32_0 = arith.constant 0 : i32
    return %arg0, %c0_i32 : i32, i32
  }
  func.func @transform_1(%arg0: i32) -> (i32, i32) {
    %c0_i32 = arith.constant 0 : i32
    %c0_i32_0 = arith.constant 0 : i32
    return %arg0, %c0_i32 : i32, i32
  }
  func.func @transform_2(%arg0: i32) -> (i32, i32) {
    %c0_i32 = arith.constant 0 : i32
    %c0_i32_0 = arith.constant 0 : i32
    return %arg0, %c0_i32 : i32, i32
  }
  func.func @transform_3(%arg0: i32) -> (i32, i32) {
    %c0_i32 = arith.constant 0 : i32
    %c0_i32_0 = arith.constant 0 : i32
    %c0_i32_1 = arith.constant 0 : i32
    return %c0_i32, %c0_i32_0 : i32, i32
  }
  func.func @transform_4(%arg0: i32) -> (i32, i32) {
    %c0_i32 = arith.constant 0 : i32
    %c0_i32_0 = arith.constant 0 : i32
    return %arg0, %c0_i32 : i32, i32
  }
  func.func @transform_5(%arg0: i32) -> (i32, i32) {
    %c0_i32 = arith.constant 0 : i32
    %c0_i32_0 = arith.constant 0 : i32
    return %arg0, %c0_i32 : i32, i32
  }
}

module attributes {stable_mosaic.version = 14 : i64} {
  func.func @_edge_body(%arg0: i32, %arg1: memref<1280x256xf32, #tpu.memory_space<vmem>>, %arg2: memref<1280x256xf32, #tpu.memory_space<vmem>>, %arg3: memref<276x128xf32, #tpu.memory_space<vmem>>, %arg4: memref<1x128xf32, #tpu.memory_space<vmem>>, %arg5: memref<128x128xf32, #tpu.memory_space<vmem>>, %arg6: memref<1x128xf32, #tpu.memory_space<vmem>>, %arg7: memref<384x128xf32, #tpu.memory_space<vmem>>, %arg8: memref<3x128xf32, #tpu.memory_space<vmem>>, %arg9: memref<4x128xf32, #tpu.memory_space<vmem>>, %arg10: memref<4x128xf32, #tpu.memory_space<vmem>>, %arg11: memref<4x128xf32, #tpu.memory_space<vmem>>, %arg12: memref<1280x128xf32, #tpu.memory_space<vmem>>, %arg13: memref<1280x128xf32, #tpu.memory_space<vmem>>) attributes {dimension_semantics = [#tpu.dimension_semantics<arbitrary>], iteration_bounds = array<i64: 250>, scalar_prefetch = 0 : i64, scratch_operands = 0 : i64, tpu.core_type = #tpu.core_type<tc>, window_params = [{transform_indices = @transform_0, window_bounds = array<i64: 1280, 256>}, {transform_indices = @transform_1, window_bounds = array<i64: 1280, 256>}, {pipeline_mode = #tpu.pipeline_mode<synchronous>, transform_indices = @transform_2, window_bounds = array<i64: 276, 128>}, {pipeline_mode = #tpu.pipeline_mode<synchronous>, transform_indices = @transform_3, window_bounds = array<i64: 1, 128>}, {pipeline_mode = #tpu.pipeline_mode<synchronous>, transform_indices = @transform_4, window_bounds = array<i64: 128, 128>}, {pipeline_mode = #tpu.pipeline_mode<synchronous>, transform_indices = @transform_5, window_bounds = array<i64: 1, 128>}, {pipeline_mode = #tpu.pipeline_mode<synchronous>, transform_indices = @transform_6, window_bounds = array<i64: 384, 128>}, {pipeline_mode = #tpu.pipeline_mode<synchronous>, transform_indices = @transform_7, window_bounds = array<i64: 3, 128>}, {pipeline_mode = #tpu.pipeline_mode<synchronous>, transform_indices = @transform_8, window_bounds = array<i64: 4, 128>}, {pipeline_mode = #tpu.pipeline_mode<synchronous>, transform_indices = @transform_9, window_bounds = array<i64: 4, 128>}, {pipeline_mode = #tpu.pipeline_mode<synchronous>, transform_indices = @transform_10, window_bounds = array<i64: 4, 128>}, {transform_indices = @transform_11, window_bounds = array<i64: 1280, 128>}, {transform_indices = @transform_12, window_bounds = array<i64: 1280, 128>}]} {
    %get3A = arith.constant 0 : index
    %get3A_0 = arith.constant 0 : index
    %get3A_1 = vector.load %arg1[%get3A, %get3A_0] : memref<1280x256xf32, #tpu.memory_space<vmem>>, vector<1280x256xf32>
    %get3A_2 = arith.constant 0 : index
    %get3A_3 = arith.constant 0 : index
    %get3A_4 = vector.load %arg2[%get3A_2, %get3A_3] : memref<1280x256xf32, #tpu.memory_space<vmem>>, vector<1280x256xf32>
    %slice3A = vector.extract_strided_slice %get3A_4 {offsets = [0, 0], sizes = [1280, 128], strides = [1, 1]} : vector<1280x256xf32> to vector<1280x128xf32>
    %slice3A_5 = vector.extract_strided_slice %get3A_1 {offsets = [0, 0], sizes = [1280, 128], strides = [1, 1]} : vector<1280x256xf32> to vector<1280x128xf32>
    %slice3A_6 = vector.extract_strided_slice %get3A_1 {offsets = [0, 128], sizes = [1280, 3], strides = [1, 1]} : vector<1280x256xf32> to vector<1280x3xf32>
    %slice3A_7 = vector.extract_strided_slice %get3A_4 {offsets = [0, 224], sizes = [1280, 3], strides = [1, 1]} : vector<1280x256xf32> to vector<1280x3xf32>
    %sub3A = arith.subf %slice3A_6, %slice3A_7 : vector<1280x3xf32>
    %mul3A = arith.mulf %sub3A, %sub3A : vector<1280x3xf32>
    %reduce_sum3A = arith.constant dense<0.000000e+00> : vector<1280xf32>
    %reduce_sum3A_8 = vector.multi_reduction <add>, %mul3A, %reduce_sum3A [1] : vector<1280x3xf32> to vector<1280xf32>
    %broadcast_in_dim3A = vector.shape_cast %reduce_sum3A_8 : vector<1280xf32> to vector<1280x1xf32>
    %add3A = arith.constant 9.99999996E-13 : f32
    %add3A_9 = vector.broadcast %add3A : f32 to vector<1280x1xf32>
    %add3A_10 = arith.addf %broadcast_in_dim3A, %add3A_9 : vector<1280x1xf32>
    %sqrt3A = math.sqrt %add3A_10 : vector<1280x1xf32>
    %div3A = arith.constant 1.000000e+00 : f32
    %div3A_11 = vector.broadcast %div3A : f32 to vector<1280x1xf32>
    %div3A_12 = arith.divf %div3A_11, %sqrt3A : vector<1280x1xf32>
    %mul3A_13 = vector.broadcast %div3A_12 : vector<1280x1xf32> to vector<1280x3xf32>
    %mul3A_14 = arith.mulf %sub3A, %mul3A_13 : vector<1280x3xf32>
    %iota3A = tpu.iota {dimensions = array<i32: 1>} : vector<1x20xi32>
    %convert_element_type3A = arith.sitofp %iota3A : vector<1x20xi32> to vector<1x20xf32>
    %add3A_15 = arith.constant 1.000000e+00 : f32
    %add3A_16 = vector.broadcast %add3A_15 : f32 to vector<1x20xf32>
    %add3A_17 = arith.addf %convert_element_type3A, %add3A_16 : vector<1x20xf32>
    %mul3A_18 = arith.constant 2.000000e-01 : f32
    %mul3A_19 = vector.broadcast %mul3A_18 : f32 to vector<1280x1xf32>
    %mul3A_20 = arith.mulf %sqrt3A, %mul3A_19 : vector<1280x1xf32>
    %mul3A_21 = vector.broadcast %mul3A_20 : vector<1280x1xf32> to vector<1280x20xf32>
    %mul3A_22 = vector.broadcast %add3A_17 : vector<1x20xf32> to vector<1280x20xf32>
    %mul3A_23 = arith.mulf %mul3A_21, %mul3A_22 : vector<1280x20xf32>
    %round3A = math.roundeven %mul3A_23 : vector<1280x20xf32>
    %sub3A_24 = arith.subf %mul3A_23, %round3A : vector<1280x20xf32>
    %mul3A_25 = arith.constant 5.000000e-01 : f32
    %mul3A_26 = vector.broadcast %mul3A_25 : f32 to vector<1280x20xf32>
    %mul3A_27 = arith.mulf %round3A, %mul3A_26 : vector<1280x20xf32>
    %floor3A = math.floor %mul3A_27 : vector<1280x20xf32>
    %sub3A_28 = arith.subf %mul3A_27, %floor3A : vector<1280x20xf32>
    %mul3A_29 = arith.constant 4.000000e+00 : f32
    %mul3A_30 = vector.broadcast %mul3A_29 : f32 to vector<1280x20xf32>
    %mul3A_31 = arith.mulf %mul3A_30, %sub3A_28 : vector<1280x20xf32>
    %sub3A_32 = arith.constant 1.000000e+00 : f32
    %sub3A_33 = vector.broadcast %sub3A_32 : f32 to vector<1280x20xf32>
    %sub3A_34 = arith.subf %sub3A_33, %mul3A_31 : vector<1280x20xf32>
    %mul3A_35 = arith.constant 3.14159274 : f32
    %mul3A_36 = vector.broadcast %mul3A_35 : f32 to vector<1280x20xf32>
    %mul3A_37 = arith.mulf %mul3A_36, %sub3A_24 : vector<1280x20xf32>
    %mul3A_38 = arith.mulf %mul3A_37, %mul3A_37 : vector<1280x20xf32>
    %mul3A_39 = arith.constant 2.75573188E-6 : f32
    %mul3A_40 = vector.broadcast %mul3A_39 : f32 to vector<1280x20xf32>
    %mul3A_41 = arith.mulf %mul3A_38, %mul3A_40 : vector<1280x20xf32>
    %add3A_42 = arith.constant -1.98412701E-4 : f32
    %add3A_43 = vector.broadcast %add3A_42 : f32 to vector<1280x20xf32>
    %add3A_44 = arith.addf %add3A_43, %mul3A_41 : vector<1280x20xf32>
    %mul3A_45 = arith.mulf %mul3A_38, %add3A_44 : vector<1280x20xf32>
    %add3A_46 = arith.constant 0.00833333377 : f32
    %add3A_47 = vector.broadcast %add3A_46 : f32 to vector<1280x20xf32>
    %add3A_48 = arith.addf %add3A_47, %mul3A_45 : vector<1280x20xf32>
    %mul3A_49 = arith.mulf %mul3A_38, %add3A_48 : vector<1280x20xf32>
    %add3A_50 = arith.constant -0.166666672 : f32
    %add3A_51 = vector.broadcast %add3A_50 : f32 to vector<1280x20xf32>
    %add3A_52 = arith.addf %add3A_51, %mul3A_49 : vector<1280x20xf32>
    %mul3A_53 = arith.mulf %mul3A_38, %add3A_52 : vector<1280x20xf32>
    %add3A_54 = arith.constant 1.000000e+00 : f32
    %add3A_55 = vector.broadcast %add3A_54 : f32 to vector<1280x20xf32>
    %add3A_56 = arith.addf %add3A_55, %mul3A_53 : vector<1280x20xf32>
    %mul3A_57 = arith.mulf %mul3A_37, %add3A_56 : vector<1280x20xf32>
    %mul3A_58 = arith.mulf %sub3A_34, %mul3A_57 : vector<1280x20xf32>
    %mul3A_59 = vector.broadcast %div3A_12 : vector<1280x1xf32> to vector<1280x20xf32>
    %mul3A_60 = arith.mulf %mul3A_58, %mul3A_59 : vector<1280x20xf32>
    %mul3A_61 = arith.constant 0.632455527 : f32
    %mul3A_62 = vector.broadcast %mul3A_61 : f32 to vector<1280x20xf32>
    %mul3A_63 = arith.mulf %mul3A_60, %mul3A_62 : vector<1280x20xf32>
    %mul3A_64 = arith.constant 2.000000e-01 : f32
    %mul3A_65 = vector.broadcast %mul3A_64 : f32 to vector<1280x1xf32>
    %mul3A_66 = arith.mulf %sqrt3A, %mul3A_65 : vector<1280x1xf32>
    %mul3A_67 = arith.mulf %mul3A_66, %mul3A_66 : vector<1280x1xf32>
    %mul3A_68 = arith.mulf %mul3A_67, %mul3A_66 : vector<1280x1xf32>
    %mul3A_69 = arith.mulf %mul3A_68, %mul3A_68 : vector<1280x1xf32>
    %mul3A_70 = arith.mulf %mul3A_69, %mul3A_66 : vector<1280x1xf32>
    %mul3A_71 = arith.mulf %mul3A_70, %mul3A_66 : vector<1280x1xf32>
    %mul3A_72 = arith.constant 2.800000e+01 : f32
    %mul3A_73 = vector.broadcast %mul3A_72 : f32 to vector<1280x1xf32>
    %mul3A_74 = arith.mulf %mul3A_73, %mul3A_69 : vector<1280x1xf32>
    %sub3A_75 = arith.constant 1.000000e+00 : f32
    %sub3A_76 = vector.broadcast %sub3A_75 : f32 to vector<1280x1xf32>
    %sub3A_77 = arith.subf %sub3A_76, %mul3A_74 : vector<1280x1xf32>
    %mul3A_78 = arith.constant 4.800000e+01 : f32
    %mul3A_79 = vector.broadcast %mul3A_78 : f32 to vector<1280x1xf32>
    %mul3A_80 = arith.mulf %mul3A_79, %mul3A_70 : vector<1280x1xf32>
    %add3A_81 = arith.addf %sub3A_77, %mul3A_80 : vector<1280x1xf32>
    %mul3A_82 = arith.constant 2.100000e+01 : f32
    %mul3A_83 = vector.broadcast %mul3A_82 : f32 to vector<1280x1xf32>
    %mul3A_84 = arith.mulf %mul3A_83, %mul3A_71 : vector<1280x1xf32>
    %sub3A_85 = arith.subf %add3A_81, %mul3A_84 : vector<1280x1xf32>
    %lt3A = arith.constant 1.000000e+00 : f32
    %lt3A_86 = vector.broadcast %lt3A : f32 to vector<1280x1xf32>
    %lt3A_87 = arith.cmpf olt, %mul3A_66, %lt3A_86 : vector<1280x1xf32>
    %convert_element_type3A_88 = arith.extui %lt3A_87 : vector<1280x1xi1> to vector<1280x1xi32>
    %convert_element_type3A_89 = arith.sitofp %convert_element_type3A_88 : vector<1280x1xi32> to vector<1280x1xf32>
    %mul3A_90 = arith.mulf %sub3A_85, %convert_element_type3A_89 : vector<1280x1xf32>
    %mul3A_91 = vector.broadcast %mul3A_90 : vector<1280x1xf32> to vector<1280x20xf32>
    %mul3A_92 = arith.mulf %mul3A_63, %mul3A_91 : vector<1280x20xf32>
    %get3A_93 = arith.constant 0 : index
    %get3A_94 = arith.constant 0 : index
    %get3A_95 = vector.load %arg3[%get3A_93, %get3A_94] : memref<276x128xf32, #tpu.memory_space<vmem>>, vector<276x128xf32>
    %slice3A_96 = vector.extract_strided_slice %get3A_95 {offsets = [0, 0], sizes = [128, 128], strides = [1, 1]} : vector<276x128xf32> to vector<128x128xf32>
    %dot_general3A = arith.constant dense<0.000000e+00> : vector<1280x128xf32>
    %dot_general3A_97 = tpu.matmul %slice3A_5, %slice3A_96, %dot_general3A {dimension_numbers = #tpu.dot_dimension_numbers<[1], [0], [0], [1], [0, 0, 1, 1], [], []>, transpose_lhs_hint = false} : vector<1280x128xf32>, vector<128x128xf32>, vector<1280x128xf32> -> vector<1280x128xf32>
    %slice3A_98 = vector.extract_strided_slice %get3A_95 {offsets = [128, 0], sizes = [128, 128], strides = [1, 1]} : vector<276x128xf32> to vector<128x128xf32>
    %dot_general3A_99 = arith.constant dense<0.000000e+00> : vector<1280x128xf32>
    %dot_general3A_100 = tpu.matmul %slice3A, %slice3A_98, %dot_general3A_99 {dimension_numbers = #tpu.dot_dimension_numbers<[1], [0], [0], [1], [0, 0, 1, 1], [], []>, transpose_lhs_hint = false} : vector<1280x128xf32>, vector<128x128xf32>, vector<1280x128xf32> -> vector<1280x128xf32>
    %add3A_101 = arith.addf %dot_general3A_97, %dot_general3A_100 : vector<1280x128xf32>
    %slice3A_102 = vector.extract_strided_slice %get3A_95 {offsets = [256, 0], sizes = [20, 128], strides = [1, 1]} : vector<276x128xf32> to vector<20x128xf32>
    %dot_general3A_103 = arith.constant dense<0.000000e+00> : vector<1280x128xf32>
    %dot_general3A_104 = tpu.matmul %mul3A_92, %slice3A_102, %dot_general3A_103 {dimension_numbers = #tpu.dot_dimension_numbers<[1], [0], [0], [1], [0, 0, 1, 1], [], []>, transpose_lhs_hint = false} : vector<1280x20xf32>, vector<20x128xf32>, vector<1280x128xf32> -> vector<1280x128xf32>
    %add3A_105 = arith.addf %add3A_101, %dot_general3A_104 : vector<1280x128xf32>
    %get3A_106 = arith.constant 0 : index
    %get3A_107 = arith.constant 0 : index
    %get3A_108 = vector.load %arg4[%get3A_106, %get3A_107] : memref<1x128xf32, #tpu.memory_space<vmem>>, vector<1x128xf32>
    %add3A_109 = vector.broadcast %get3A_108 : vector<1x128xf32> to vector<1280x128xf32>
    %add3A_110 = arith.addf %add3A_105, %add3A_109 : vector<1280x128xf32>
    %logistic3A = arith.negf %add3A_110 : vector<1280x128xf32>
    %logistic3A_111 = math.exp %logistic3A : vector<1280x128xf32>
    %logistic3A_112 = arith.constant 1.000000e+00 : f32
    %logistic3A_113 = vector.broadcast %logistic3A_112 : f32 to vector<1280x128xf32>
    %logistic3A_114 = arith.addf %logistic3A_113, %logistic3A_111 : vector<1280x128xf32>
    %logistic3A_115 = arith.divf %logistic3A_113, %logistic3A_114 : vector<1280x128xf32>
    %mul3A_116 = arith.mulf %add3A_110, %logistic3A_115 : vector<1280x128xf32>
    %get3A_117 = arith.constant 0 : index
    %get3A_118 = arith.constant 0 : index
    %get3A_119 = vector.load %arg5[%get3A_117, %get3A_118] : memref<128x128xf32, #tpu.memory_space<vmem>>, vector<128x128xf32>
    %dot_general3A_120 = arith.constant dense<0.000000e+00> : vector<1280x128xf32>
    %dot_general3A_121 = tpu.matmul %mul3A_116, %get3A_119, %dot_general3A_120 {dimension_numbers = #tpu.dot_dimension_numbers<[1], [0], [0], [1], [0, 0, 1, 1], [], []>, transpose_lhs_hint = false} : vector<1280x128xf32>, vector<128x128xf32>, vector<1280x128xf32> -> vector<1280x128xf32>
    %get3A_122 = arith.constant 0 : index
    %get3A_123 = arith.constant 0 : index
    %get3A_124 = vector.load %arg6[%get3A_122, %get3A_123] : memref<1x128xf32, #tpu.memory_space<vmem>>, vector<1x128xf32>
    %add3A_125 = vector.broadcast %get3A_124 : vector<1x128xf32> to vector<1280x128xf32>
    %add3A_126 = arith.addf %dot_general3A_121, %add3A_125 : vector<1280x128xf32>
    %mul3A_127 = arith.mulf %add3A_126, %slice3A : vector<1280x128xf32>
    %swap3A = arith.constant 0 : index
    %swap3A_128 = arith.constant 0 : index
    %swap3A_129 = vector.load %arg12[%swap3A, %swap3A_128] : memref<1280x128xf32, #tpu.memory_space<vmem>>, vector<1280x128xf32>
    tpu.vector_store %arg12[%swap3A, %swap3A_128], %mul3A_127 {strides = array<i32>} : memref<1280x128xf32, #tpu.memory_space<vmem>>, vector<1280x128xf32>,
    %get3A_130 = arith.constant 0 : index
    %get3A_131 = arith.constant 0 : index
    %get3A_132 = vector.load %arg7[%get3A_130, %get3A_131] : memref<384x128xf32, #tpu.memory_space<vmem>>, vector<384x128xf32>
    %slice3A_133 = vector.extract_strided_slice %get3A_132 {offsets = [0, 0], sizes = [128, 128], strides = [1, 1]} : vector<384x128xf32> to vector<128x128xf32>
    %dot_general3A_134 = arith.constant dense<0.000000e+00> : vector<1280x128xf32>
    %dot_general3A_135 = tpu.matmul %mul3A_116, %slice3A_133, %dot_general3A_134 {dimension_numbers = #tpu.dot_dimension_numbers<[1], [0], [0], [1], [0, 0, 1, 1], [], []>, transpose_lhs_hint = false} : vector<1280x128xf32>, vector<128x128xf32>, vector<1280x128xf32> -> vector<1280x128xf32>
    %get3A_136 = arith.constant 0 : index
    %get3A_137 = arith.constant 0 : index
    %get3A_138 = vector.load %arg8[%get3A_136, %get3A_137] : memref<3x128xf32, #tpu.memory_space<vmem>>, vector<1x128xf32>
    %add3A_139 = vector.broadcast %get3A_138 : vector<1x128xf32> to vector<1280x128xf32>
    %add3A_140 = arith.addf %dot_general3A_135, %add3A_139 : vector<1280x128xf32>
    %slice3A_141 = vector.extract_strided_slice %get3A_132 {offsets = [128, 0], sizes = [128, 128], strides = [1, 1]} : vector<384x128xf32> to vector<128x128xf32>
    %dot_general3A_142 = arith.constant dense<0.000000e+00> : vector<1280x128xf32>
    %dot_general3A_143 = tpu.matmul %mul3A_116, %slice3A_141, %dot_general3A_142 {dimension_numbers = #tpu.dot_dimension_numbers<[1], [0], [0], [1], [0, 0, 1, 1], [], []>, transpose_lhs_hint = false} : vector<1280x128xf32>, vector<128x128xf32>, vector<1280x128xf32> -> vector<1280x128xf32>
    %get3A_144 = arith.constant 1 : index
    %get3A_145 = arith.constant 0 : index
    %get3A_146 = vector.load %arg8[%get3A_144, %get3A_145] : memref<3x128xf32, #tpu.memory_space<vmem>>, vector<1x128xf32>
    %add3A_147 = vector.broadcast %get3A_146 : vector<1x128xf32> to vector<1280x128xf32>
    %add3A_148 = arith.addf %dot_general3A_143, %add3A_147 : vector<1280x128xf32>
    %slice3A_149 = vector.extract_strided_slice %get3A_132 {offsets = [256, 0], sizes = [128, 128], strides = [1, 1]} : vector<384x128xf32> to vector<128x128xf32>
    %dot_general3A_150 = arith.constant dense<0.000000e+00> : vector<1280x128xf32>
    %dot_general3A_151 = tpu.matmul %mul3A_116, %slice3A_149, %dot_general3A_150 {dimension_numbers = #tpu.dot_dimension_numbers<[1], [0], [0], [1], [0, 0, 1, 1], [], []>, transpose_lhs_hint = false} : vector<1280x128xf32>, vector<128x128xf32>, vector<1280x128xf32> -> vector<1280x128xf32>
    %get3A_152 = arith.constant 2 : index
    %get3A_153 = arith.constant 0 : index
    %get3A_154 = vector.load %arg8[%get3A_152, %get3A_153] : memref<3x128xf32, #tpu.memory_space<vmem>>, vector<1x128xf32>
    %add3A_155 = vector.broadcast %get3A_154 : vector<1x128xf32> to vector<1280x128xf32>
    %add3A_156 = arith.addf %dot_general3A_151, %add3A_155 : vector<1280x128xf32>
    %slice3A_157 = vector.extract_strided_slice %get3A_4 {offsets = [0, 128], sizes = [1280, 128], strides = [1, 1]} : vector<1280x256xf32> to vector<1280x128xf32>
    %iota3A_158 = tpu.iota {dimensions = array<i32: 1>} : vector<1x128xi32>
    %lt3A_159 = arith.constant 96 : i32
    %lt3A_160 = vector.broadcast %lt3A_159 : i32 to vector<1x128xi32>
    %lt3A_161 = arith.cmpi slt, %iota3A_158, %lt3A_160 : vector<1x128xi32>
    %convert_element_type3A_162 = arith.extui %lt3A_161 : vector<1x128xi1> to vector<1x128xi32>
    %convert_element_type3A_163 = arith.sitofp %convert_element_type3A_162 : vector<1x128xi32> to vector<1x128xf32>
    %mul3A_164 = vector.broadcast %convert_element_type3A_163 : vector<1x128xf32> to vector<1280x128xf32>
    %mul3A_165 = arith.mulf %slice3A_157, %mul3A_164 : vector<1280x128xf32>
    %roll3A = arith.constant 64 : i32
    %roll3A_166 = tpu.dynamic_rotate %mul3A_165 by %roll3A dim 1 : vector<1280x128xf32>, i32 -> vector<1280x128xf32>
    %lt3A_167 = arith.constant 64 : i32
    %lt3A_168 = vector.broadcast %lt3A_167 : i32 to vector<1x128xi32>
    %lt3A_169 = arith.cmpi slt, %iota3A_158, %lt3A_168 : vector<1x128xi32>
    %roll3A_170 = arith.constant 96 : i32
    %roll3A_171 = tpu.dynamic_rotate %mul3A_165 by %roll3A_170 dim 1 : vector<1280x128xf32>, i32 -> vector<1280x128xf32>
    %broadcast_in_dim3A_172 = vector.shape_cast %lt3A_169 : vector<1x128xi1> to vector<1x128xi1>
    %broadcast_in_dim3A_173 = vector.broadcast %broadcast_in_dim3A_172 : vector<1x128xi1> to vector<1280x128xi1>
    %select_n3A = arith.select %broadcast_in_dim3A_173, %roll3A_171, %roll3A_166 : vector<1280x128xi1>, vector<1280x128xf32>
    %lt3A_174 = arith.constant 32 : i32
    %lt3A_175 = vector.broadcast %lt3A_174 : i32 to vector<1x128xi32>
    %lt3A_176 = arith.cmpi slt, %iota3A_158, %lt3A_175 : vector<1x128xi32>
    %roll3A_177 = arith.constant 32 : i32
    %roll3A_178 = tpu.dynamic_rotate %mul3A_165 by %roll3A_177 dim 1 : vector<1280x128xf32>, i32 -> vector<1280x128xf32>
    %broadcast_in_dim3A_179 = vector.shape_cast %lt3A_176 : vector<1x128xi1> to vector<1x128xi1>
    %broadcast_in_dim3A_180 = vector.broadcast %broadcast_in_dim3A_179 : vector<1x128xi1> to vector<1280x128xi1>
    %select_n3A_181 = arith.select %broadcast_in_dim3A_180, %roll3A_166, %roll3A_178 : vector<1280x128xi1>, vector<1280x128xf32>
    %broadcast_in_dim3A_182 = arith.constant 1.000000e+00 : f32
    %broadcast_in_dim3A_183 = vector.broadcast %broadcast_in_dim3A_182 : f32 to vector<1280x1xf32>
    %concatenate3A = tpu.concatenate %mul3A_14, %broadcast_in_dim3A_183 in 1 : vector<1280x3xf32>, vector<1280x1xf32> -> vector<1280x4xf32>
    %get3A_184 = arith.constant 0 : index
    %get3A_185 = arith.constant 0 : index
    %get3A_186 = vector.load %arg9[%get3A_184, %get3A_185] : memref<4x128xf32, #tpu.memory_space<vmem>>, vector<4x128xf32>
    %dot_general3A_187 = arith.constant dense<0.000000e+00> : vector<1280x128xf32>
    %dot_general3A_188 = tpu.matmul %concatenate3A, %get3A_186, %dot_general3A_187 {dimension_numbers = #tpu.dot_dimension_numbers<[1], [0], [0], [1], [0, 0, 1, 1], [], []>, precision = #tpu.contract_precision<fp32>, transpose_lhs_hint = false} : vector<1280x4xf32>, vector<4x128xf32>, vector<1280x128xf32> -> vector<1280x128xf32>
    %get3A_189 = arith.constant 0 : index
    %get3A_190 = arith.constant 0 : index
    %get3A_191 = vector.load %arg10[%get3A_189, %get3A_190] : memref<4x128xf32, #tpu.memory_space<vmem>>, vector<4x128xf32>
    %dot_general3A_192 = arith.constant dense<0.000000e+00> : vector<1280x128xf32>
    %dot_general3A_193 = tpu.matmul %concatenate3A, %get3A_191, %dot_general3A_192 {dimension_numbers = #tpu.dot_dimension_numbers<[1], [0], [0], [1], [0, 0, 1, 1], [], []>, precision = #tpu.contract_precision<fp32>, transpose_lhs_hint = false} : vector<1280x4xf32>, vector<4x128xf32>, vector<1280x128xf32> -> vector<1280x128xf32>
    %get3A_194 = arith.constant 0 : index
    %get3A_195 = arith.constant 0 : index
    %get3A_196 = vector.load %arg11[%get3A_194, %get3A_195] : memref<4x128xf32, #tpu.memory_space<vmem>>, vector<4x128xf32>
    %dot_general3A_197 = arith.constant dense<0.000000e+00> : vector<1280x128xf32>
    %dot_general3A_198 = tpu.matmul %concatenate3A, %get3A_196, %dot_general3A_197 {dimension_numbers = #tpu.dot_dimension_numbers<[1], [0], [0], [1], [0, 0, 1, 1], [], []>, precision = #tpu.contract_precision<fp32>, transpose_lhs_hint = false} : vector<1280x4xf32>, vector<4x128xf32>, vector<1280x128xf32> -> vector<1280x128xf32>
    %mul3A_199 = arith.mulf %select_n3A, %dot_general3A_198 : vector<1280x128xf32>
    %mul3A_200 = arith.mulf %select_n3A_181, %dot_general3A_193 : vector<1280x128xf32>
    %sub3A_201 = arith.subf %mul3A_199, %mul3A_200 : vector<1280x128xf32>
    %mul3A_202 = arith.mulf %add3A_140, %mul3A_165 : vector<1280x128xf32>
    %mul3A_203 = arith.mulf %add3A_148, %dot_general3A_188 : vector<1280x128xf32>
    %add3A_204 = arith.addf %mul3A_202, %mul3A_203 : vector<1280x128xf32>
    %mul3A_205 = arith.mulf %add3A_156, %sub3A_201 : vector<1280x128xf32>
    %add3A_206 = arith.addf %add3A_204, %mul3A_205 : vector<1280x128xf32>
    %swap3A_207 = arith.constant 0 : index
    %swap3A_208 = arith.constant 0 : index
    %swap3A_209 = vector.load %arg13[%swap3A_207, %swap3A_208] : memref<1280x128xf32, #tpu.memory_space<vmem>>, vector<1280x128xf32>
    tpu.vector_store %arg13[%swap3A_207, %swap3A_208], %add3A_206 {strides = array<i32>} : memref<1280x128xf32, #tpu.memory_space<vmem>>, vector<1280x128xf32>,
    return
  }
  func.func @transform_0(%arg0: i32) -> (i32, i32) {
    %c0_i32 = arith.constant 0 : i32
    %c0_i32_0 = arith.constant 0 : i32
    return %arg0, %c0_i32 : i32, i32
  }
  func.func @transform_1(%arg0: i32) -> (i32, i32) {
    %c0_i32 = arith.constant 0 : i32
    %c0_i32_0 = arith.constant 0 : i32
    return %arg0, %c0_i32 : i32, i32
  }
  func.func @transform_2(%arg0: i32) -> (i32, i32) {
    %c0_i32 = arith.constant 0 : i32
    %c0_i32_0 = arith.constant 0 : i32
    %c0_i32_1 = arith.constant 0 : i32
    return %c0_i32, %c0_i32_0 : i32, i32
  }
  func.func @transform_3(%arg0: i32) -> (i32, i32) {
    %c0_i32 = arith.constant 0 : i32
    %c0_i32_0 = arith.constant 0 : i32
    %c0_i32_1 = arith.constant 0 : i32
    return %c0_i32, %c0_i32_0 : i32, i32
  }
  func.func @transform_4(%arg0: i32) -> (i32, i32) {
    %c0_i32 = arith.constant 0 : i32
    %c0_i32_0 = arith.constant 0 : i32
    %c0_i32_1 = arith.constant 0 : i32
    return %c0_i32, %c0_i32_0 : i32, i32
  }
  func.func @transform_5(%arg0: i32) -> (i32, i32) {
    %c0_i32 = arith.constant 0 : i32
    %c0_i32_0 = arith.constant 0 : i32
    %c0_i32_1 = arith.constant 0 : i32
    return %c0_i32, %c0_i32_0 : i32, i32
  }
  func.func @transform_6(%arg0: i32) -> (i32, i32) {
    %c0_i32 = arith.constant 0 : i32
    %c0_i32_0 = arith.constant 0 : i32
    %c0_i32_1 = arith.constant 0 : i32
    return %c0_i32, %c0_i32_0 : i32, i32
  }
  func.func @transform_7(%arg0: i32) -> (i32, i32) {
    %c0_i32 = arith.constant 0 : i32
    %c0_i32_0 = arith.constant 0 : i32
    %c0_i32_1 = arith.constant 0 : i32
    return %c0_i32, %c0_i32_0 : i32, i32
  }
  func.func @transform_8(%arg0: i32) -> (i32, i32) {
    %c0_i32 = arith.constant 0 : i32
    %c0_i32_0 = arith.constant 0 : i32
    %c0_i32_1 = arith.constant 0 : i32
    return %c0_i32, %c0_i32_0 : i32, i32
  }
  func.func @transform_9(%arg0: i32) -> (i32, i32) {
    %c0_i32 = arith.constant 0 : i32
    %c0_i32_0 = arith.constant 0 : i32
    %c0_i32_1 = arith.constant 0 : i32
    return %c0_i32, %c0_i32_0 : i32, i32
  }
  func.func @transform_10(%arg0: i32) -> (i32, i32) {
    %c0_i32 = arith.constant 0 : i32
    %c0_i32_0 = arith.constant 0 : i32
    %c0_i32_1 = arith.constant 0 : i32
    return %c0_i32, %c0_i32_0 : i32, i32
  }
  func.func @transform_11(%arg0: i32) -> (i32, i32) {
    %c0_i32 = arith.constant 0 : i32
    %c0_i32_0 = arith.constant 0 : i32
    return %arg0, %c0_i32 : i32, i32
  }
  func.func @transform_12(%arg0: i32) -> (i32, i32) {
    %c0_i32 = arith.constant 0 : i32
    %c0_i32_0 = arith.constant 0 : i32
    return %arg0, %c0_i32 : i32, i32
  }
}

module attributes {stable_mosaic.version = 14 : i64} {
  func.func @_node_body(%arg0: i32, %arg1: memref<1000x128xf32, #tpu.memory_space<vmem>>, %arg2: memref<1000x128xf32, #tpu.memory_space<vmem>>, %arg3: memref<1000x128xf32, #tpu.memory_space<vmem>>, %arg4: memref<1000x96xf32, #tpu.memory_space<vmem>>, %arg5: memref<32x64xf32, #tpu.memory_space<vmem>>, %arg6: memref<160x128xf32, #tpu.memory_space<vmem>>, %arg7: memref<1x128xf32, #tpu.memory_space<vmem>>, %arg8: memref<128x160xf32, #tpu.memory_space<vmem>>, %arg9: memref<1x160xf32, #tpu.memory_space<vmem>>, %arg10: memref<32x32xf32, #tpu.memory_space<vmem>>, %arg11: memref<1000x128xf32, #tpu.memory_space<vmem>>, %arg12: memref<1000x96xf32, #tpu.memory_space<vmem>>) attributes {dimension_semantics = [#tpu.dimension_semantics<arbitrary>], iteration_bounds = array<i64: 10>, scalar_prefetch = 0 : i64, scratch_operands = 0 : i64, tpu.core_type = #tpu.core_type<tc>, window_params = [{transform_indices = @transform_0, window_bounds = array<i64: 1000, 128>}, {transform_indices = @transform_1, window_bounds = array<i64: 1000, 128>}, {transform_indices = @transform_2, window_bounds = array<i64: 1000, 128>}, {transform_indices = @transform_3, window_bounds = array<i64: 1000, 96>}, {pipeline_mode = #tpu.pipeline_mode<synchronous>, transform_indices = @transform_4, window_bounds = array<i64: 32, 64>}, {pipeline_mode = #tpu.pipeline_mode<synchronous>, transform_indices = @transform_5, window_bounds = array<i64: 160, 128>}, {pipeline_mode = #tpu.pipeline_mode<synchronous>, transform_indices = @transform_6, window_bounds = array<i64: 1, 128>}, {pipeline_mode = #tpu.pipeline_mode<synchronous>, transform_indices = @transform_7, window_bounds = array<i64: 128, 160>}, {pipeline_mode = #tpu.pipeline_mode<synchronous>, transform_indices = @transform_8, window_bounds = array<i64: 1, 160>}, {pipeline_mode = #tpu.pipeline_mode<synchronous>, transform_indices = @transform_9, window_bounds = array<i64: 32, 32>}, {transform_indices = @transform_10, window_bounds = array<i64: 1000, 128>}, {transform_indices = @transform_11, window_bounds = array<i64: 1000, 96>}]} {
    %get3A = arith.constant 0 : index
    %get3A_0 = arith.constant 0 : index
    %get3A_1 = vector.load %arg1[%get3A, %get3A_0] : memref<1000x128xf32, #tpu.memory_space<vmem>>, vector<1000x128xf32>
    %get3A_2 = arith.constant 0 : index
    %get3A_3 = arith.constant 0 : index
    %get3A_4 = vector.load %arg2[%get3A_2, %get3A_3] : memref<1000x128xf32, #tpu.memory_space<vmem>>, vector<1000x128xf32>
    %get3A_5 = arith.constant 0 : index
    %get3A_6 = arith.constant 0 : index
    %get3A_7 = vector.load %arg3[%get3A_5, %get3A_6] : memref<1000x128xf32, #tpu.memory_space<vmem>>, vector<1000x128xf32>
    %get3A_8 = arith.constant 0 : index
    %get3A_9 = arith.constant 0 : index
    %get3A_10 = vector.load %arg4[%get3A_8, %get3A_9] : memref<1000x96xf32, #tpu.memory_space<vmem>>, vector<1000x96xf32>
    %slice3A = vector.extract_strided_slice %get3A_4 {offsets = [0, 96], sizes = [1000, 1], strides = [1, 1]} : vector<1000x128xf32> to vector<1000x1xf32>
    %max3A = arith.constant 1.000000e+00 : f32
    %max3A_11 = vector.broadcast %max3A : f32 to vector<1000x1xf32>
    %max3A_12 = arith.maximumf %slice3A, %max3A_11 : vector<1000x1xf32>
    %div3A = arith.constant 1.000000e+00 : f32
    %div3A_13 = vector.broadcast %div3A : f32 to vector<1000x1xf32>
    %div3A_14 = arith.divf %div3A_13, %max3A_12 : vector<1000x1xf32>
    %get3A_15 = arith.constant 0 : index
    %get3A_16 = arith.constant 0 : index
    %get3A_17 = vector.load %arg5[%get3A_15, %get3A_16] : memref<32x64xf32, #tpu.memory_space<vmem>>, vector<32x64xf32>
    %slice3A_18 = vector.extract_strided_slice %get3A_4 {offsets = [0, 0], sizes = [1000, 32], strides = [1, 1]} : vector<1000x128xf32> to vector<1000x32xf32>
    %mul3A = vector.broadcast %div3A_14 : vector<1000x1xf32> to vector<1000x32xf32>
    %mul3A_19 = arith.mulf %slice3A_18, %mul3A : vector<1000x32xf32>
    %dot_general3A = arith.constant dense<0.000000e+00> : vector<1000x64xf32>
    %dot_general3A_20 = tpu.matmul %mul3A_19, %get3A_17, %dot_general3A {dimension_numbers = #tpu.dot_dimension_numbers<[1], [0], [0], [1], [0, 0, 1, 1], [], []>, transpose_lhs_hint = false} : vector<1000x32xf32>, vector<32x64xf32>, vector<1000x64xf32> -> vector<1000x64xf32>
    %slice3A_21 = vector.extract_strided_slice %get3A_4 {offsets = [0, 32], sizes = [1000, 32], strides = [1, 1]} : vector<1000x128xf32> to vector<1000x32xf32>
    %mul3A_22 = vector.broadcast %div3A_14 : vector<1000x1xf32> to vector<1000x32xf32>
    %mul3A_23 = arith.mulf %slice3A_21, %mul3A_22 : vector<1000x32xf32>
    %dot_general3A_24 = arith.constant dense<0.000000e+00> : vector<1000x64xf32>
    %dot_general3A_25 = tpu.matmul %mul3A_23, %get3A_17, %dot_general3A_24 {dimension_numbers = #tpu.dot_dimension_numbers<[1], [0], [0], [1], [0, 0, 1, 1], [], []>, transpose_lhs_hint = false} : vector<1000x32xf32>, vector<32x64xf32>, vector<1000x64xf32> -> vector<1000x64xf32>
    %slice3A_26 = vector.extract_strided_slice %get3A_4 {offsets = [0, 64], sizes = [1000, 32], strides = [1, 1]} : vector<1000x128xf32> to vector<1000x32xf32>
    %mul3A_27 = vector.broadcast %div3A_14 : vector<1000x1xf32> to vector<1000x32xf32>
    %mul3A_28 = arith.mulf %slice3A_26, %mul3A_27 : vector<1000x32xf32>
    %dot_general3A_29 = arith.constant dense<0.000000e+00> : vector<1000x64xf32>
    %dot_general3A_30 = tpu.matmul %mul3A_28, %get3A_17, %dot_general3A_29 {dimension_numbers = #tpu.dot_dimension_numbers<[1], [0], [0], [1], [0, 0, 1, 1], [], []>, transpose_lhs_hint = false} : vector<1000x32xf32>, vector<32x64xf32>, vector<1000x64xf32> -> vector<1000x64xf32>
    %slice3A_31 = vector.extract_strided_slice %dot_general3A_20 {offsets = [0, 0], sizes = [1000, 32], strides = [1, 1]} : vector<1000x64xf32> to vector<1000x32xf32>
    %slice3A_32 = vector.extract_strided_slice %dot_general3A_20 {offsets = [0, 0], sizes = [1000, 32], strides = [1, 1]} : vector<1000x64xf32> to vector<1000x32xf32>
    %mul3A_33 = arith.mulf %slice3A_31, %slice3A_32 : vector<1000x32xf32>
    %add3A = arith.constant 0.000000e+00 : f32
    %add3A_34 = vector.broadcast %add3A : f32 to vector<1000x32xf32>
    %add3A_35 = arith.addf %add3A_34, %mul3A_33 : vector<1000x32xf32>
    %slice3A_36 = vector.extract_strided_slice %dot_general3A_25 {offsets = [0, 0], sizes = [1000, 32], strides = [1, 1]} : vector<1000x64xf32> to vector<1000x32xf32>
    %slice3A_37 = vector.extract_strided_slice %dot_general3A_25 {offsets = [0, 0], sizes = [1000, 32], strides = [1, 1]} : vector<1000x64xf32> to vector<1000x32xf32>
    %mul3A_38 = arith.mulf %slice3A_36, %slice3A_37 : vector<1000x32xf32>
    %add3A_39 = arith.addf %add3A_35, %mul3A_38 : vector<1000x32xf32>
    %slice3A_40 = vector.extract_strided_slice %dot_general3A_30 {offsets = [0, 0], sizes = [1000, 32], strides = [1, 1]} : vector<1000x64xf32> to vector<1000x32xf32>
    %slice3A_41 = vector.extract_strided_slice %dot_general3A_30 {offsets = [0, 0], sizes = [1000, 32], strides = [1, 1]} : vector<1000x64xf32> to vector<1000x32xf32>
    %mul3A_42 = arith.mulf %slice3A_40, %slice3A_41 : vector<1000x32xf32>
    %add3A_43 = arith.addf %add3A_39, %mul3A_42 : vector<1000x32xf32>
    %max3A_44 = arith.constant 9.99999997E-7 : f32
    %max3A_45 = vector.broadcast %max3A_44 : f32 to vector<1000x32xf32>
    %max3A_46 = arith.maximumf %add3A_43, %max3A_45 : vector<1000x32xf32>
    %sqrt3A = math.sqrt %max3A_46 : vector<1000x32xf32>
    %concatenate3A = tpu.concatenate %get3A_1, %sqrt3A in 1 : vector<1000x128xf32>, vector<1000x32xf32> -> vector<1000x160xf32>
    %get3A_47 = arith.constant 0 : index
    %get3A_48 = arith.constant 0 : index
    %get3A_49 = vector.load %arg6[%get3A_47, %get3A_48] : memref<160x128xf32, #tpu.memory_space<vmem>>, vector<160x128xf32>
    %dot_general3A_50 = arith.constant dense<0.000000e+00> : vector<1000x128xf32>
    %dot_general3A_51 = tpu.matmul %concatenate3A, %get3A_49, %dot_general3A_50 {dimension_numbers = #tpu.dot_dimension_numbers<[1], [0], [0], [1], [0, 0, 1, 1], [], []>, transpose_lhs_hint = false} : vector<1000x160xf32>, vector<160x128xf32>, vector<1000x128xf32> -> vector<1000x128xf32>
    %get3A_52 = arith.constant 0 : index
    %get3A_53 = arith.constant 0 : index
    %get3A_54 = vector.load %arg7[%get3A_52, %get3A_53] : memref<1x128xf32, #tpu.memory_space<vmem>>, vector<1x128xf32>
    %add3A_55 = vector.broadcast %get3A_54 : vector<1x128xf32> to vector<1000x128xf32>
    %add3A_56 = arith.addf %dot_general3A_51, %add3A_55 : vector<1000x128xf32>
    %logistic3A = arith.negf %add3A_56 : vector<1000x128xf32>
    %logistic3A_57 = math.exp %logistic3A : vector<1000x128xf32>
    %logistic3A_58 = arith.constant 1.000000e+00 : f32
    %logistic3A_59 = vector.broadcast %logistic3A_58 : f32 to vector<1000x128xf32>
    %logistic3A_60 = arith.addf %logistic3A_59, %logistic3A_57 : vector<1000x128xf32>
    %logistic3A_61 = arith.divf %logistic3A_59, %logistic3A_60 : vector<1000x128xf32>
    %mul3A_62 = arith.mulf %add3A_56, %logistic3A_61 : vector<1000x128xf32>
    %get3A_63 = arith.constant 0 : index
    %get3A_64 = arith.constant 0 : index
    %get3A_65 = vector.load %arg8[%get3A_63, %get3A_64] : memref<128x160xf32, #tpu.memory_space<vmem>>, vector<128x160xf32>
    %dot_general3A_66 = arith.constant dense<0.000000e+00> : vector<1000x160xf32>
    %dot_general3A_67 = tpu.matmul %mul3A_62, %get3A_65, %dot_general3A_66 {dimension_numbers = #tpu.dot_dimension_numbers<[1], [0], [0], [1], [0, 0, 1, 1], [], []>, transpose_lhs_hint = false} : vector<1000x128xf32>, vector<128x160xf32>, vector<1000x160xf32> -> vector<1000x160xf32>
    %get3A_68 = arith.constant 0 : index
    %get3A_69 = arith.constant 0 : index
    %get3A_70 = vector.load %arg9[%get3A_68, %get3A_69] : memref<1x160xf32, #tpu.memory_space<vmem>>, vector<1x160xf32>
    %add3A_71 = vector.broadcast %get3A_70 : vector<1x160xf32> to vector<1000x160xf32>
    %add3A_72 = arith.addf %dot_general3A_67, %add3A_71 : vector<1000x160xf32>
    %slice3A_73 = vector.extract_strided_slice %add3A_72 {offsets = [0, 0], sizes = [1000, 32], strides = [1, 1]} : vector<1000x160xf32> to vector<1000x32xf32>
    %slice3A_74 = vector.extract_strided_slice %add3A_72 {offsets = [0, 32], sizes = [1000, 128], strides = [1, 1]} : vector<1000x160xf32> to vector<1000x128xf32>
    %get3A_75 = arith.constant 0 : index
    %get3A_76 = arith.constant 0 : index
    %get3A_77 = vector.load %arg10[%get3A_75, %get3A_76] : memref<32x32xf32, #tpu.memory_space<vmem>>, vector<32x32xf32>
    %slice3A_78 = vector.extract_strided_slice %dot_general3A_20 {offsets = [0, 32], sizes = [1000, 32], strides = [1, 1]} : vector<1000x64xf32> to vector<1000x32xf32>
    %mul3A_79 = arith.mulf %slice3A_73, %slice3A_78 : vector<1000x32xf32>
    %dot_general3A_80 = arith.constant dense<0.000000e+00> : vector<1000x32xf32>
    %dot_general3A_81 = tpu.matmul %mul3A_79, %get3A_77, %dot_general3A_80 {dimension_numbers = #tpu.dot_dimension_numbers<[1], [0], [0], [1], [0, 0, 1, 1], [], []>, transpose_lhs_hint = false} : vector<1000x32xf32>, vector<32x32xf32>, vector<1000x32xf32> -> vector<1000x32xf32>
    %slice3A_82 = vector.extract_strided_slice %dot_general3A_25 {offsets = [0, 32], sizes = [1000, 32], strides = [1, 1]} : vector<1000x64xf32> to vector<1000x32xf32>
    %mul3A_83 = arith.mulf %slice3A_73, %slice3A_82 : vector<1000x32xf32>
    %dot_general3A_84 = arith.constant dense<0.000000e+00> : vector<1000x32xf32>
    %dot_general3A_85 = tpu.matmul %mul3A_83, %get3A_77, %dot_general3A_84 {dimension_numbers = #tpu.dot_dimension_numbers<[1], [0], [0], [1], [0, 0, 1, 1], [], []>, transpose_lhs_hint = false} : vector<1000x32xf32>, vector<32x32xf32>, vector<1000x32xf32> -> vector<1000x32xf32>
    %slice3A_86 = vector.extract_strided_slice %dot_general3A_30 {offsets = [0, 32], sizes = [1000, 32], strides = [1, 1]} : vector<1000x64xf32> to vector<1000x32xf32>
    %mul3A_87 = arith.mulf %slice3A_73, %slice3A_86 : vector<1000x32xf32>
    %dot_general3A_88 = arith.constant dense<0.000000e+00> : vector<1000x32xf32>
    %dot_general3A_89 = tpu.matmul %mul3A_87, %get3A_77, %dot_general3A_88 {dimension_numbers = #tpu.dot_dimension_numbers<[1], [0], [0], [1], [0, 0, 1, 1], [], []>, transpose_lhs_hint = false} : vector<1000x32xf32>, vector<32x32xf32>, vector<1000x32xf32> -> vector<1000x32xf32>
    %add3A_90 = arith.addf %get3A_7, %slice3A_74 : vector<1000x128xf32>
    %swap3A = arith.constant 0 : index
    %swap3A_91 = arith.constant 0 : index
    %swap3A_92 = vector.load %arg11[%swap3A, %swap3A_91] : memref<1000x128xf32, #tpu.memory_space<vmem>>, vector<1000x128xf32>
    tpu.vector_store %arg11[%swap3A, %swap3A_91], %add3A_90 {strides = array<i32>} : memref<1000x128xf32, #tpu.memory_space<vmem>>, vector<1000x128xf32>,
    %concatenate3A_93 = tpu.concatenate %dot_general3A_81, %dot_general3A_85, %dot_general3A_89 in 1 : vector<1000x32xf32>, vector<1000x32xf32>, vector<1000x32xf32> -> vector<1000x96xf32>
    %add3A_94 = arith.addf %get3A_10, %concatenate3A_93 : vector<1000x96xf32>
    %swap3A_95 = arith.constant 0 : index
    %swap3A_96 = arith.constant 0 : index
    %swap3A_97 = vector.load %arg12[%swap3A_95, %swap3A_96] : memref<1000x96xf32, #tpu.memory_space<vmem>>, vector<1000x96xf32>
    tpu.vector_store %arg12[%swap3A_95, %swap3A_96], %add3A_94 {strides = array<i32>} : memref<1000x96xf32, #tpu.memory_space<vmem>>, vector<1000x96xf32>,
    return
  }
  func.func @transform_0(%arg0: i32) -> (i32, i32) {
    %c0_i32 = arith.constant 0 : i32
    %c0_i32_0 = arith.constant 0 : i32
    return %arg0, %c0_i32 : i32, i32
  }
  func.func @transform_1(%arg0: i32) -> (i32, i32) {
    %c0_i32 = arith.constant 0 : i32
    %c0_i32_0 = arith.constant 0 : i32
    return %arg0, %c0_i32 : i32, i32
  }
  func.func @transform_2(%arg0: i32) -> (i32, i32) {
    %c0_i32 = arith.constant 0 : i32
    %c0_i32_0 = arith.constant 0 : i32
    return %arg0, %c0_i32 : i32, i32
  }
  func.func @transform_3(%arg0: i32) -> (i32, i32) {
    %c0_i32 = arith.constant 0 : i32
    %c0_i32_0 = arith.constant 0 : i32
    return %arg0, %c0_i32 : i32, i32
  }
  func.func @transform_4(%arg0: i32) -> (i32, i32) {
    %c0_i32 = arith.constant 0 : i32
    %c0_i32_0 = arith.constant 0 : i32
    %c0_i32_1 = arith.constant 0 : i32
    return %c0_i32, %c0_i32_0 : i32, i32
  }
  func.func @transform_5(%arg0: i32) -> (i32, i32) {
    %c0_i32 = arith.constant 0 : i32
    %c0_i32_0 = arith.constant 0 : i32
    %c0_i32_1 = arith.constant 0 : i32
    return %c0_i32, %c0_i32_0 : i32, i32
  }
  func.func @transform_6(%arg0: i32) -> (i32, i32) {
    %c0_i32 = arith.constant 0 : i32
    %c0_i32_0 = arith.constant 0 : i32
    %c0_i32_1 = arith.constant 0 : i32
    return %c0_i32, %c0_i32_0 : i32, i32
  }
  func.func @transform_7(%arg0: i32) -> (i32, i32) {
    %c0_i32 = arith.constant 0 : i32
    %c0_i32_0 = arith.constant 0 : i32
    %c0_i32_1 = arith.constant 0 : i32
    return %c0_i32, %c0_i32_0 : i32, i32
  }
  func.func @transform_8(%arg0: i32) -> (i32, i32) {
    %c0_i32 = arith.constant 0 : i32
    %c0_i32_0 = arith.constant 0 : i32
    %c0_i32_1 = arith.constant 0 : i32
    return %c0_i32, %c0_i32_0 : i32, i32
  }
  func.func @transform_9(%arg0: i32) -> (i32, i32) {
    %c0_i32 = arith.constant 0 : i32
    %c0_i32_0 = arith.constant 0 : i32
    %c0_i32_1 = arith.constant 0 : i32
    return %c0_i32, %c0_i32_0 : i32, i32
  }
  func.func @transform_10(%arg0: i32) -> (i32, i32) {
    %c0_i32 = arith.constant 0 : i32
    %c0_i32_0 = arith.constant 0 : i32
    return %arg0, %c0_i32 : i32, i32
  }
  func.func @transform_11(%arg0: i32) -> (i32, i32) {
    %c0_i32 = arith.constant 0 : i32
    %c0_i32_0 = arith.constant 0 : i32
    return %arg0, %c0_i32 : i32, i32
  }
}

</mosaic_0001>

<sc_bundles>
// kernel: kernel.10.cloned.1.call-start
scs
__scs_entry_jumppad:
0x0: {  	(pc) =	sbr.rel $0x88, $3  }
0x1: {  	(tag) =	ssettag $0x0;
	lr =	simm.s32 $0x1  }
0x2: {  	[smem:$0x3F92] =	sst lr;
	_ =	strace $0xD0000000  }
0x3: {  	_ = 	snop  }
0x4: {  	_ = 	snop  }
0x5: {  	_ = 	snop  }
0x6: {  	_ = 	snop  }
0x7: {  	_ = 	snop  }
__scs_overlays_trampoline_lowered:
0x8: {  	[smem:$0x3FA1] =	sst s0  }
0x9: {  	[smem:$0x3FA2] =	sst s1  }
0xa: {  	[smem:$0x3FA3] =	sst s2  }
0xb: {  	[smem:$0x3FA4] =	sst s3  }
0xc: {  	[smem:$0x3FA5] =	sst s4  }
0xd: {  	[smem:$0x3FA6] =	sst s5  }
0xe: {  	[smem:$0x3FA7] =	sst s6  }
0xf: {  	[smem:$0x3FA8] =	sst s7  }
0x10: {  	[smem:$0x3FA9] =	sst s8  }
0x11: {  	[smem:$0x3FAA] =	sst s9;
	s0 =	simm.s32 @!p0 $0x0  }
0x12: {  	s1 =	sld [smem:$0x3F90];
	s0 =	simm.s32 @p0 $0x1  }
0x13: {  	[smem:$0x3FAB] =	sst s0;
	s0 =	simm.s32 @!p1 $0x0  }
0x14: {  	s2 =	sld [smem:$0x3F8F];
	s0 =	simm.s32 @p1 $0x1  }
0x15: {  	[smem:$0x3FAC] =	sst s0;
	s0 =	simm.s32 @!p2 $0x0  }
0x16: {  	s3 =	sld [smem:$0x3FDB];
	s0 =	simm.s32 @p2 $0x1  }
0x17: {  	s4 =	simm.s32 $0x1BF5;
	[smem:$0x3FAE] =	sst s0  }
0x18: {  	s0 =	sld [smem:$0x3F91];
	_ =	swait.ge [sflag:s4], $0x0  }
0x19: {  	s7 =	sld [smem:$0x3F92]  }
0x1a: {  	s8 =	sadd.s32 $0xFFFFE003, lr  }
0x1b: {  	s9 =	sadd.s32 $0xFFFFFEF7, lr;
	s5 =	simm.s32 $0xFFFFFFFF;
	p2 =	slt.u32 s8, $0xFFFFF086  }
0x1c: {  	p1 =	slt.u32 s9, $0xF7A;
	s5 =	simm.s32 @!p2 $0x0  }
0x1d: {  	s5 =	simm.s32 @p1 $0x1;
	p0 =	seq.s32 s7, s2  }
0x1e: {  	s7 =	smul.u32 @!p0 $0xF7A, s2;
	p2 =	seq.s32 @!p0 s5, $0x0  }
0x1f: {  	s9 =	smul.u32 $0xF7A, s1;
	s8 =	simm.s32 @!p0 $0x1BF5;
	p2 =	por !p2, p0  }
0x20: {  	[sflag:s8] =	ssyncset.s32 @!p0 $0xFFFFF086;
	s6 =	sadd.s32 @!p0 s3, s7;
	s7 =	simm.s32 @!p0 $0x108  }
0x21: {  	s3 =	sadd.s32 s3, s9;
	s6 =	sadd.s32 @!p0 $0x88, s6;
	s7 =	simm.s32 @p2 $0x1082  }
0x22: {  	[simem:s7], [sflag:s8] =	dma.local @!p0 [hbm:s6], $0xF7A  }
0x23: {  	s9 =	sor.u32 $0xD0000000, s2;
	s6 =	simm.s32 $0x108;
	_ =	swait.ge @!p0 [sflag:s8], $0x0  }
0x24: {  	s3 =	sadd.s32 $0x88, s3;
	s6 =	simm.s32 @!p1 $0x1082;
	[sflag:s4] =	ssyncset.s32 $0xFFFFF086  }
0x25: {  	[simem:s6], [sflag:s4] =	dma.local [hbm:s3], $0xF7A  }
0x26: {  	[smem:$0x3F92] =	sst s1;
	(tag) =	ssettag s2;
	_ =	strace s9  }
0x27: {  	s1 =	sld [smem:$0x3FA2]  }
0x28: {  	s2 =	sld [smem:$0x3FA3]  }
0x29: {  	s4 =	sld [smem:$0x3FA5]  }
0x2a: {  	p0 =	seq.s32 s5, $0x0;
	s5 =	sld [smem:$0x3FA6]  }
0x2b: {  	s6 =	sld [smem:$0x3FA7]  }
0x2c: {  	s7 =	sld [smem:$0x3FA8]  }
0x2d: {  	s3 =	simm.s32 $0x108;
	s8 =	sld [smem:$0x3FA9]  }
0x2e: {  	s3 =	simm.s32 @!p0 $0x1082;
	s9 =	sld [smem:$0x3FAA]  }
0x2f: {  	lr =	sadd.s32 s0, s3;
	s0 =	sld [smem:$0x3FA1]  }
0x30: {  	s3 =	sld [smem:$0x3FA4]  }
0x31: {  	[smem:$0x3FAD] =	sst s10  }
0x32: {  	s10 =	sld [smem:$0x3FAB];
	_ =	sdelay $0x3  }
0x33: {  	p0 =	seq.s32 s10, $0x1;
	s10 =	sld [smem:$0x3FAD];
	_ =	sdelay $0x3  }
0x34: {  	[smem:$0x3FAD] =	sst s10  }
0x35: {  	s10 =	sld [smem:$0x3FAC];
	_ =	sdelay $0x3  }
0x36: {  	p1 =	seq.s32 s10, $0x1;
	s10 =	sld [smem:$0x3FAD];
	_ =	sdelay $0x3  }
0x37: {  	[smem:$0x3FAD] =	sst s10  }
0x38: {  	s10 =	sld [smem:$0x3FAE]  }
0x39: {  	_ = 	snop;
	(pc) =	sbr.ind lr, $3  }
0x3a: {  	_ = 	snop  }
0x3b: {  	_ = 	snop  }
0x3c: {  	p2 =	seq.s32 s10, $0x1;
	s10 =	sld [smem:$0x3FAD]  }
0x3d: {  	_ =	shalt  }
0x3e: {  	_ =	shalt  }
0x3f: {  	_ =	shalt  }
0x40: {  	_ =	shalt  }
0x41: {  	_ =	shalt  }
0x42: {  	_ =	shalt  }
0x43: {  	_ =	shalt  }
0x44: {  	_ =	shalt  }
0x45: {  	_ =	shalt  }
0x46: {  	_ =	shalt  }
0x47: {  	_ =	shalt  }
0x48: {  	_ =	shalt  }
0x49: {  	_ =	shalt  }
0x4a: {  	_ =	shalt  }
0x4b: {  	_ =	shalt  }
0x4c: {  	_ =	shalt  }
0x4d: {  	_ =	shalt  }
0x4e: {  	_ =	shalt  }
0x4f: {  	_ =	shalt  }
0x50: {  	_ =	shalt  }
0x51: {  	_ =	shalt  }
0x52: {  	_ =	shalt  }
0x53: {  	_ =	shalt  }
0x54: {  	_ =	shalt  }
0x55: {  	_ =	shalt  }
0x56: {  	_ =	shalt  }
0x57: {  	_ =	shalt  }
0x58: {  	_ =	shalt  }
0x59: {  	_ =	shalt  }
0x5a: {  	_ =	shalt  }
0x5b: {  	_ =	shalt  }
0x5c: {  	_ =	shalt  }
0x5d: {  	_ =	shalt  }
0x5e: {  	_ =	shalt  }
0x5f: {  	_ =	shalt  }
0x60: {  	_ =	shalt  }
0x61: {  	_ =	shalt  }
0x62: {  	_ =	shalt  }
0x63: {  	_ =	shalt  }
0x64: {  	_ =	shalt  }
0x65: {  	_ =	shalt  }
0x66: {  	_ =	shalt  }
0x67: {  	_ =	shalt  }
0x68: {  	_ =	shalt  }
0x69: {  	_ =	shalt  }
0x6a: {  	_ =	shalt  }
0x6b: {  	_ =	shalt  }
0x6c: {  	_ =	shalt  }
0x6d: {  	_ =	shalt  }
0x6e: {  	_ =	shalt  }
0x6f: {  	_ =	shalt  }
0x70: {  	_ =	shalt  }
0x71: {  	_ =	shalt  }
0x72: {  	_ =	shalt  }
0x73: {  	_ =	shalt  }
0x74: {  	_ =	shalt  }
0x75: {  	_ =	shalt  }
0x76: {  	_ =	shalt  }
0x77: {  	_ =	shalt  }
0x78: {  	_ =	shalt  }
0x79: {  	_ =	shalt  }
0x7a: {  	_ =	shalt  }
0x7b: {  	_ =	shalt  }
0x7c: {  	_ =	shalt  }
0x7d: {  	_ =	shalt  }
0x7e: {  	_ =	shalt  }
0x7f: {  	_ =	shalt  }
0x80: {  	_ =	shalt  }
0x81: {  	_ =	shalt  }
0x82: {  	_ =	shalt  }
0x83: {  	_ =	shalt  }
0x84: {  	_ =	shalt  }
0x85: {  	_ =	shalt  }
0x86: {  	_ =	shalt  }
0x87: {  	_ =	shalt  }
.Lfunc_end0:
.L_simem_size_0:
called_computation.1_lowered:
.L_overlay_start_0:
0x88: {  	s2 =	sld [smem:$0x3FD9]  }
0x89: {  	s3 =	sld [smem:$0x3FFE];
	_ =	sdelay $0x1  }
0x8a: {  	s1 =	srdreg.scid  }
0x8b: {  	s0 =	sand.u32 $0x1, s1  }
0x8c: {  	s14 =	sshll.u32 s0, $0xA;
	s2 =	sadd.s32 s3, s2  }
0x8d: {  	s2 =	sadd.s32 s2, s14  }
0x8e: {  	[smem:$0x3FB9] =	sst s2  }
0x8f: {  	_ = 	snop  }
0x90: {  	s2 =	sld [smem:$0x3FD0];
	_ =	sdelay $0x2  }
0x91: {  	s15 =	simm.s32 $0xA;
	s4 =	simm.s32 $0x10  }
0x92: {  	[smem:s4], [sflag:s15] =	dma.local [hbm:s2], $0x1  }
0x93: {  	_ =	swait.eq [sflag:s15], $0x1  }
0x94: {  	[sflag:s15] =	ssyncset.done $0x0  }
0x95: {  	s16 =	sld [smem:$0x10];
	[sflag:s15] =	ssyncadd.s32 $0xFFFFFFFF  }
0x96: {  	s17 =	sld [smem:$0x11];
	(tm) =	ssettm $0x1  }
0x97: {  	s18 =	sld [smem:$0x3FFB];
	_ =	sdelay $0x3  }
0x98: {  	_ =	strace s18  }
0x99: {  	s4 =	sld [smem:$0x3FFC];
	_ =	sdelay $0x3  }
0x9a: {  	_ =	strace s4  }
0x9b: {  	s4 =	sld [smem:$0x3FFD];
	_ =	sdelay $0x3  }
0x9c: {  	_ =	strace s4  }
0x9d: {  	_ =	strace $0x8FFFFFFF  }
0x9e: {  	s19 =	sld [smem:$0x3FDB];
	_ =	sdelay $0x1  }
0x9f: {  	s5 =	simm.s32 $_scs_section_size  }
0xa0: {  	s6 =	simm.s32 $_size__tile_overlayer_lowered;
	s7 =	simm.s32 $_tile_overlayer_lowered  }
0xa1: {  	s22 =	simm.s32 $0x1BFF;
	s21 =	sshll.u32 s7, $0x1;
	s4 =	sadd.s32 s5, s19  }
0xa2: {  	s8 =	simm.s32 $0x0;
	s20 =	sshll.u32 s6, $0x1;
	s6 =	sadd.s32 s21, s4  }
0xa3: {  	[timem:s8], [sflag:s22] =	dma.local [hbm:s6], s20  }
0xa4: {  	_ =	swait.ge [sflag:s22], s20  }
0xa5: {  	s5 =	ssub.s32 $0x0, s20;
	[sflag:s22] =	ssyncset.done $0x0  }
0xa6: {  	[sflag:s22] =	ssyncadd.s32 s5;
	_ =	sdelay $0x1  }
0xa7: {  	s23 =	simm.s32 $0x1B8B  }
0xa8: {  	_ =	swait.ge [sflag:s23], $0x1  }
0xa9: {  	[sflag:s23] =	ssyncset.done $0x0  }
0xaa: {  	s25 =	simm.s32 $0x1B8E;
	s24 =	sld [smem:$0x3FFE];
	[sflag:s23] =	ssyncadd.s32 $0xFFFFFFFF  }
0xab: {  	s26 =	simm.s32 $execute0_lowered;
	[smem:$0x3FD2] =	sst s25  }
0xac: {  	s6 =	sshll.u32 s26, $0x1;
	_ =	strace $0x80000049;
	[dreg:$0x1] =	wrdreg $0xFFFFFFFF  }
0xad: {  	s28 =	simm.s32 $_size_execute0_lowered;
	s4 =	sadd.s32 s4, s6;
	[dreg:$0x0] =	wrdreg $0x0  }
0xae: {  	s6 =	sshll.u32 s28, $0x1;
	[dreg:$0x2] =	wrdreg s4  }
0xaf: {  	[dreg:$0x3] =	wrdreg s6  }
0xb0: {  	[dreg:$0x4] =	wrdreg $0xC0  }
0xb1: {  	_ =	task [dreg:s8], $0x5FFFF  }
0xb2: {  	[dreg:$0x1] =	wrdreg $0xFFFFFFFF  }
0xb3: {  	[dreg:$0x0] =	wrdreg $0x60  }
0xb4: {  	[dreg:$0x2] =	wrdreg s24  }
0xb5: {  	[dreg:$0x3] =	wrdreg s17  }
0xb6: {  	[dreg:$0x4] =	wrdreg s16  }
0xb7: {  	[dreg:$0x5] =	wrdreg $0x51000  }
0xb8: {  	[dreg:$0x6] =	wrdreg $0x9  }
0xb9: {  	_ =	task.clear_ibuf [dreg:s8], $0x7FFFF;
	_ =	strace $0x90000049  }
0xba: {  	s29 =	simm.s32 $0x9;
	_ =	strace $0x8000004B  }
0xbb: {  	_ =	swait.ge [sflag:s29], $0x1  }
0xbc: {  	[sflag:s29] =	ssyncadd.s32 $0xFFFFFFFF  }
0xbd: {  	_ =	strace $0x9000004B  }
0xbe: {  	_ =	sfence  }
0xbf: {  	s30 =	sld [smem:$0x0];
	_ =	sdelay $0x2  }
0xc0: {  	s31 =	sshll.u32 s1, $0xD;
	s1 =	sshrl.u32 s1, $0x2  }
0xc1: {  	s3 =	sand.u32 $0x4000, s31;
	s1 =	sadd.s32 s1, s30  }
0xc2: {  	s0 =	sor.u32 s3, s0;
	s1 =	sshll.u32 s1, $0x11  }
0xc3: {  	s0 =	sor.u32 s1, s0  }
0xc4: {  	s0 =	sadd.s32 $0x8F2B, s0  }
0xc5: {  	[sflag:s0] =	ssyncadd.remote.s32 $0x1  }
0xc6: {  	_ =	sfence.sel $0xFFFF  }
0xc7: {  	[dreg:$0x0] =	wrdreg $0xFFFFFFFF;
	(pc) =	sbr.abs _section_cstart, $3  }
0xc8: {  	[dreg:$0x1] =	wrdreg $0xFFFFFFFF  }
0xc9: {  	_ =	task.clear_ibuf [dreg:s8], $0x2FFFF;
	_ =	strace $0x9FFFFFFF  }
0xca: {  	(tm) =	ssettm $0x7FFFFFFF  }
0xcb: {  	_ =	shalt  }
tec
execute0_lowered:
.L_overlay_start_1:
0x0: {  	(tag) =	ssettag $0x1  }
0x1: {  	s0 =	rddreg [dreg:$0x0]  }
0x2: {  	s10 =	rddreg [dreg:$0x1]  }
0x3: {  	s9 =	rddreg [dreg:$0x2]  }
0x4: {  	s1 =	rddreg [dreg:$0x3]  }
0x5: {  	s2 =	simm.s32 $0x0;
	s3 =	srdreg.scid;
	s25 =	stileid.u32  }
0x6: {  	s20 =	simm.s32 $0x5;
	s22 =	simm.s32 $0x80;
	s28 =	simm.s32 $0x3  }
0x7: {  	s29 =	simm.s32 $0x4;
	s30 =	simm.s32 $0x0;
	s6 =	smul.u32 $0x4E000, s25  }
0x8: {  	[smem:$0x7FF] =	sst s2;
	s18 =	sadd.s32 $0x144FC00, s0;
	s11 =	smul.u32 $0x2700, s25  }
0x9: {  	s16 =	sadd.s32 $0x1931C00, s0;
	s21 =	sand.u32 $0x1, s3;
	s13 =	smul.u32 $0x4E20, s25  }
0xa: {  	s23 =	sadd.s32 $0x2B800, s0;
	s4 =	sadd.s32 $0x52A00, s0;
	s17 =	smul.u32 $0x4E200, s25  }
0xb: {  	s7 =	sshll.u32 s25, $0x6;
	s8 =	sadd.s32 $0x138000, s1;
	s19 =	smul.u32 $0x9C4, s25  }
0xc: {  	p0 =	sne.s32 s25, $0x0;
	p2 =	seq.s32 s25, $0x0;
	s25 =	simm.s32 $0x50  }
0xd: {  	_ =	strace $0x8000004A;
	s5 =	ssub.s32 $0x2, s21;
	s7 =	sor.u32 $0x1C05, s7  }
0xe: {  	[dreg:$0x5] =	wrdreg s23;
	p1 =	seq.s32 s21, $0x0;
	s21 =	simm.s32 $0x100  }
0xf: {  	s24 =	sshrl.u32 s5, $0x1;
	s26 =	sshrl.u32 s6, $0x2;
	s6 =	sadd.s32 s9, s11  }
0x10: {  	s9 =	sadd.s32 $0x27000, s9;
	s12 =	sadd.s32 s4, s11;
	s3 =	sadd.s32 s23, s11  }
0x11: {  	s31 =	sadd.s32 $0x50, s13;
	s13 =	sshrl.u32 s13, $0x3;
	s14 =	sadd.s32 s16, s17  }
0x12: {  	s17 =	sadd.s32 s18, s17;
	s23 =	simm.s32 $0x2900;
	s0 =	ssub.s32 s5, s24  }
.Ltmp0:
0x13: {  	s5 =	sadd.s32 s26, s1;
	[dreg:$0x6] =	wrdreg s12;
	(pc) =	sbr.rel .LBB2_1-.Ltmp0, $4  }
0x14: {  	[dreg:$0x7] =	wrdreg s3;
	s13 =	sadd.s32 s10, s13;
	s15 =	sshrl.u32 s31, $0x3  }
0x15: {  	s24 =	simm.s32 $0x1;
	s26 =	simm.s32 $0x2;
	s12 =	smax.u32 s0, $0x1  }
0x16: {  	s15 =	sadd.s32 s10, s15;
	s0 =	sshll.u32 s31, $0x4;
	s10 =	sadd.s32 s19, s10  }
0x17: {  	s16 =	sadd.s32 s16, s0;
	s18 =	sadd.s32 s18, s0;
	s19 =	sadd.s32 $0x14, s10  }
.LBB2_8:
0x18: {  	s0 =	sadd.s32 $0x27000, s0;
	s3 =	sshrl.u32 s8, $0x3  }
0x19: {  	[hbm:s0], [sflag:s7] =	dma.local [spmem:s3], $0x100  }
0x1a: {  	_ =	swait.ge [sflag:s20], $0x100  }
0x1b: {  	[sflag:s20] =	ssyncset.done $0x0  }
0x1c: {  	[sflag:s20] =	ssyncadd.s32 $0xFFFFFF00  }
.LBB2_9:
0x1d: {  	s30 =	sadd.s32 $0x1, s30  }
0x1e: {  	p3 =	sne.s32 s30, s12  }
.Ltmp1:
0x1f: {  	_ = 	snop;
	(pc) =	sbr.rel @!p3 .LBB2_10-.Ltmp1, $1  }
0x20: {  	_ =	sdelay $0x3  }
.LBB2_1:
0x21: {  	s31 =	sshrl.u32 s5, $0x3  }
0x22: {  	[spmem:s31], [sflag:s7] =	dma.local [hbm:s6], $0x2700  }
0x23: {  	_ =	swait.ge [sflag:s20], $0x2700  }
0x24: {  	[sflag:s20] =	ssyncset.done $0x0  }
0x25: {  	s0 =	sshrl.u32 @!p0 s8, $0x3;
	[sflag:s20] =	ssyncadd.s32 $0xFFFFD900  }
0x26: {  	[spmem:s0], [sflag:s7] =	dma.local @!p0 [hbm:s9], $0x100  }
0x27: {  	s0 =	simm.s32 @!p0 $0x5  }
.Ltmp2:
0x28: {  	_ =	swait.ge @!p0 [sflag:s0], $0x100;
	(pc) =	sbr.rel @!p1 .LBB2_2-.Ltmp2, $4  }
0x29: {  	[sflag:s0] =	ssyncset.done @!p0 $0x0  }
0x2a: {  	[sflag:s0] =	ssyncadd.s32 @!p0 $0xFFFFFF00  }
0x2b: {  	[bflag:$0x0] =	sbarrier.arrive $0xFFFF  }
0x2c: {  	s0 =	simm.s32 $0x0  }
0x2d: {  	[tilespmem:s0], [sflag:$0x5] =	stream.linear.gather [hbm4b:s13+s0], $0x50, $0x38;
	[tilespmem:$0x18980] =	vst v63  }
0x2e: {  	_ =	swait.ge [sflag:s20], $0x50  }
0x2f: {  	[sflag:s20] =	ssyncset.done $0x0  }
0x30: {  	[sflag:s20] =	ssyncadd.s32 $0xFFFFFFB0  }
0x31: {  	[tilespmem:s21], [sflag:$0x1] =	stream.linear.gather [hbm4b:s17+s0], $0x2800, $0x38;
	[tilespmem:$0x18980] =	vst v63  }
0x32: {  	_ = 	snop  }
0x33: {  	[tilespmem:s22], [sflag:$0x5] =	stream.linear.gather [hbm4b:s15+s0], $0x50, $0x38;
	[tilespmem:$0x18980] =	vst v63  }
0x34: {  	_ =	swait.ge [sflag:s20], $0x50  }
0x35: {  	[sflag:s20] =	ssyncset.done $0x0  }
0x36: {  	[sflag:s20] =	ssyncadd.s32 $0xFFFFFFB0  }
0x37: {  	[tilespmem:s23], [sflag:$0x2] =	stream.linear.gather [hbm4b:s18+s0], $0x2800, $0x38;
	[tilespmem:$0x18980] =	vst v63  }
0x38: {  	_ =	swait.ge [sflag:s24], $0x2800  }
0x39: {  	[sflag:s24] =	ssyncset.done $0x0  }
0x3a: {  	[sflag:s24] =	ssyncadd.s32 $0xFFFFD800  }
0x3b: {  	[spmem:s1] =	stream.indirect.scatter.add.f32 [tilespmem:s21], [sflag:$0x3], $0x80, s0, s25, $0xb8;
	[tilespmem:$0x18980] =	vst v63  }
0x3c: {  	_ =	swait.ge [sflag:s26], $0x2800  }
0x3d: {  	[sflag:s26] =	ssyncset.done $0x0  }
0x3e: {  	[sflag:s26] =	ssyncadd.s32 $0xFFFFD800  }
0x3f: {  	[spmem:s1] =	stream.indirect.scatter.add.f32 [tilespmem:s23], [sflag:$0x4], $0x80, s22, s25, $0xb8;
	[tilespmem:$0x18980] =	vst v63  }
0x40: {  	_ =	swait.ge [sflag:s28], $0x2800  }
0x41: {  	[sflag:s28] =	ssyncset.done $0x0  }
0x42: {  	[sflag:s28] =	ssyncadd.s32 $0xFFFFD800  }
0x43: {  	[tilespmem:s2], [sflag:$0x5] =	stream.linear.gather [hbm4b:s19+s2], $0x50, $0x38;
	[tilespmem:$0x18980] =	vst v63  }
0x44: {  	_ =	swait.ge [sflag:s20], $0x50  }
0x45: {  	s3 =	sadd.s32 $0x0, s17;
	[sflag:s20] =	ssyncset.done $0x0  }
0x46: {  	s10 =	sadd.s32 $0xA00, s3;
	[sflag:s20] =	ssyncadd.s32 $0xFFFFFFB0  }
0x47: {  	[tilespmem:s21], [sflag:$0x1] =	stream.linear.gather [hbm4b:s10+s2], $0x2800, $0x38;
	[tilespmem:$0x18980] =	vst v63  }
0x48: {  	_ =	swait.ge [sflag:s29], $0x2800  }
0x49: {  	[sflag:s29] =	ssyncset.done $0x0  }
0x4a: {  	s11 =	sadd.s32 $0xA, s19;
	[sflag:s29] =	ssyncadd.s32 $0xFFFFD800  }
0x4b: {  	[tilespmem:s22], [sflag:$0x5] =	stream.linear.gather [hbm4b:s11+s2], $0x50, $0x38;
	[tilespmem:$0x18980] =	vst v63  }
0x4c: {  	_ =	swait.ge [sflag:s20], $0x50  }
0x4d: {  	[sflag:s20] =	ssyncset.done $0x0  }
0x4e: {  	s0 =	sadd.s32 $0xF00, s3;
	[sflag:s20] =	ssyncadd.s32 $0xFFFFFFB0  }
0x4f: {  	[tilespmem:s23], [sflag:$0x2] =	stream.linear.gather [hbm4b:s0+s2], $0x2800, $0x38;
	[tilespmem:$0x18980] =	vst v63  }
0x50: {  	_ =	swait.ge [sflag:s24], $0x2800  }
0x51: {  	[sflag:s24] =	ssyncset.done $0x0  }
0x52: {  	[sflag:s24] =	ssyncadd.s32 $0xFFFFD800  }
0x53: {  	[spmem:s1] =	stream.indirect.scatter.add.f32 [tilespmem:s21], [sflag:$0x3], $0x80, s2, s25, $0xb8;
	[tilespmem:$0x18980] =	vst v63  }
0x54: {  	_ =	swait.ge [sflag:s26], $0x2800  }
0x55: {  	[sflag:s26] =	ssyncset.done $0x0  }
0x56: {  	s10 =	sadd.s32 $0x14, s19;
	s0 =	simm.s32 $0xA00;
	[sflag:s26] =	ssyncadd.s32 $0xFFFFD800  }
.LBB2_6:
0x57: {  	[spmem:s1] =	stream.indirect.scatter.add.f32 [tilespmem:s23], [sflag:$0x4], $0x80, s22, s25, $0xb8;
	[tilespmem:$0x18980] =	vst v63  }
0x58: {  	s11 =	smov.u32 s0  }
0x59: {  	p3 =	sne.s32 s0, $0x4CE00;
	s0 =	sadd.s32 $0xA00, s0;
	_ =	swait.ge [sflag:s28], $0x2800  }
0x5a: {  	[sflag:s28] =	ssyncset.done $0x0  }
0x5b: {  	[sflag:s28] =	ssyncadd.s32 $0xFFFFD800  }
0x5c: {  	[tilespmem:s2], [sflag:$0x5] =	stream.linear.gather [hbm4b:s10+s2], $0x50, $0x38;
	[tilespmem:$0x18980] =	vst v63  }
0x5d: {  	_ =	swait.ge [sflag:s20], $0x50  }
0x5e: {  	s11 =	sadd.s32 s11, s17;
	[sflag:s20] =	ssyncset.done $0x0  }
0x5f: {  	s3 =	sadd.s32 $0xA00, s11;
	[sflag:s20] =	ssyncadd.s32 $0xFFFFFFB0  }
0x60: {  	[tilespmem:s21], [sflag:$0x1] =	stream.linear.gather [hbm4b:s3+s2], $0x2800, $0x38;
	[tilespmem:$0x18980] =	vst v63  }
0x61: {  	_ =	swait.ge [sflag:s29], $0x2800  }
0x62: {  	[sflag:s29] =	ssyncset.done $0x0  }
0x63: {  	s3 =	sadd.s32 $0xA, s10;
	[sflag:s29] =	ssyncadd.s32 $0xFFFFD800  }
0x64: {  	[tilespmem:s22], [sflag:$0x5] =	stream.linear.gather [hbm4b:s3+s2], $0x50, $0x38;
	[tilespmem:$0x18980] =	vst v63  }
0x65: {  	_ =	swait.ge [sflag:s20], $0x50  }
0x66: {  	[sflag:s20] =	ssyncset.done $0x0  }
0x67: {  	s3 =	sadd.s32 $0xF00, s11;
	[sflag:s20] =	ssyncadd.s32 $0xFFFFFFB0  }
0x68: {  	[tilespmem:s23], [sflag:$0x2] =	stream.linear.gather [hbm4b:s3+s2], $0x2800, $0x38;
	[tilespmem:$0x18980] =	vst v63  }
0x69: {  	_ =	swait.ge [sflag:s24], $0x2800  }
0x6a: {  	[sflag:s24] =	ssyncset.done $0x0  }
.Ltmp3:
0x6b: {  	[sflag:s24] =	ssyncadd.s32 $0xFFFFD800;
	(pc) =	sbr.rel @p3 .LBB2_6-.Ltmp3, $4  }
0x6c: {  	[spmem:s1] =	stream.indirect.scatter.add.f32 [tilespmem:s21], [sflag:$0x3], $0x80, s2, s25, $0xb8;
	[tilespmem:$0x18980] =	vst v63  }
0x6d: {  	_ =	swait.ge [sflag:s26], $0x2800  }
0x6e: {  	[sflag:s26] =	ssyncset.done $0x0  }
0x6f: {  	s10 =	sadd.s32 $0x14, s10;
	[sflag:s26] =	ssyncadd.s32 $0xFFFFD800  }
0x70: {  	[spmem:s1] =	stream.indirect.scatter.add.f32 [tilespmem:s23], [sflag:$0x4], $0x80, s22, s25, $0xb8;
	[tilespmem:$0x18980] =	vst v63  }
0x71: {  	_ =	swait.ge [sflag:s28], $0x2800  }
0x72: {  	[sflag:s28] =	ssyncset.done $0x0  }
0x73: {  	[sflag:s28] =	ssyncadd.s32 $0xFFFFD800  }
0x74: {  	_ =	swait.ge [sflag:s29], $0x2800  }
0x75: {  	[sflag:s29] =	ssyncset.done $0x0  }
0x76: {  	[sflag:s29] =	ssyncadd.s32 $0xFFFFD800  }
0x77: {  	[bflag:$0x0] =	sbarrier.arrive $0xFFFF  }
0x78: {  	s0 =	rddreg [dreg:$0x7]  }
0x79: {  	[hbm:s0], [sflag:s7] =	dma.local [spmem:s31], $0x2700  }
.Ltmp4:
0x7a: {  	_ = 	snop;
	(pc) =	sbr.rel @!p2 .LBB2_9-.Ltmp4, $4  }
.Ltmp5:
0x7b: {  	_ = 	snop;
	(pc) =	sbr.rel @p2 .LBB2_8-.Ltmp5, $4  }
0x7c: {  	_ =	swait.ge [sflag:s20], $0x2700  }
0x7d: {  	[sflag:s20] =	ssyncset.done $0x0  }
0x7e: {  	s0 =	rddreg [dreg:$0x5];
	[sflag:s20] =	ssyncadd.s32 $0xFFFFD900  }
0x7f: {  	_ = 	snop  }
.LBB2_2:
0x80: {  	[tilespmem:s0], [sflag:$0x5] =	stream.linear.gather [hbm4b:s13+s0], $0x50, $0x38;
	[tilespmem:$0x18980] =	vst v63  }
0x81: {  	_ =	swait.ge [sflag:s20], $0x50  }
0x82: {  	[sflag:s20] =	ssyncset.done $0x0  }
0x83: {  	[sflag:s20] =	ssyncadd.s32 $0xFFFFFFB0  }
0x84: {  	[tilespmem:s21], [sflag:$0x1] =	stream.linear.gather [hbm4b:s14+s0], $0x2800, $0x38;
	[tilespmem:$0x18980] =	vst v63  }
0x85: {  	_ = 	snop  }
0x86: {  	[tilespmem:s22], [sflag:$0x5] =	stream.linear.gather [hbm4b:s15+s0], $0x50, $0x38;
	[tilespmem:$0x18980] =	vst v63  }
0x87: {  	_ =	swait.ge [sflag:s20], $0x50  }
0x88: {  	[sflag:s20] =	ssyncset.done $0x0  }
0x89: {  	[sflag:s20] =	ssyncadd.s32 $0xFFFFFFB0  }
0x8a: {  	[tilespmem:s23], [sflag:$0x2] =	stream.linear.gather [hbm4b:s16+s0], $0x2800, $0x38;
	[tilespmem:$0x18980] =	vst v63  }
0x8b: {  	_ =	swait.ge [sflag:s24], $0x2800  }
0x8c: {  	[sflag:s24] =	ssyncset.done $0x0  }
0x8d: {  	[sflag:s24] =	ssyncadd.s32 $0xFFFFD800  }
0x8e: {  	[spmem:s1] =	stream.indirect.scatter.add.f32 [tilespmem:s21], [sflag:$0x3], $0x80, s0, s25, $0xb8;
	[tilespmem:$0x18980] =	vst v63  }
0x8f: {  	_ =	swait.ge [sflag:s26], $0x2800  }
0x90: {  	[sflag:s26] =	ssyncset.done $0x0  }
0x91: {  	[sflag:s26] =	ssyncadd.s32 $0xFFFFD800  }
0x92: {  	[spmem:s1] =	stream.indirect.scatter.add.f32 [tilespmem:s23], [sflag:$0x4], $0x80, s22, s25, $0xb8;
	[tilespmem:$0x18980] =	vst v63  }
0x93: {  	_ =	swait.ge [sflag:s28], $0x2800  }
0x94: {  	[sflag:s28] =	ssyncset.done $0x0  }
0x95: {  	[sflag:s28] =	ssyncadd.s32 $0xFFFFD800  }
0x96: {  	[tilespmem:s2], [sflag:$0x5] =	stream.linear.gather [hbm4b:s19+s2], $0x50, $0x38;
	[tilespmem:$0x18980] =	vst v63  }
0x97: {  	_ =	swait.ge [sflag:s20], $0x50  }
0x98: {  	s10 =	sadd.s32 $0x0, s14;
	[sflag:s20] =	ssyncset.done $0x0  }
0x99: {  	s3 =	sadd.s32 $0xA00, s10;
	[sflag:s20] =	ssyncadd.s32 $0xFFFFFFB0  }
0x9a: {  	[tilespmem:s21], [sflag:$0x1] =	stream.linear.gather [hbm4b:s3+s2], $0x2800, $0x38;
	[tilespmem:$0x18980] =	vst v63  }
0x9b: {  	_ =	swait.ge [sflag:s29], $0x2800  }
0x9c: {  	[sflag:s29] =	ssyncset.done $0x0  }
0x9d: {  	s11 =	sadd.s32 $0xA, s19;
	[sflag:s29] =	ssyncadd.s32 $0xFFFFD800  }
0x9e: {  	[tilespmem:s22], [sflag:$0x5] =	stream.linear.gather [hbm4b:s11+s2], $0x50, $0x38;
	[tilespmem:$0x18980] =	vst v63  }
0x9f: {  	_ =	swait.ge [sflag:s20], $0x50  }
0xa0: {  	[sflag:s20] =	ssyncset.done $0x0  }
0xa1: {  	s0 =	sadd.s32 $0xF00, s10;
	[sflag:s20] =	ssyncadd.s32 $0xFFFFFFB0  }
0xa2: {  	[tilespmem:s23], [sflag:$0x2] =	stream.linear.gather [hbm4b:s0+s2], $0x2800, $0x38;
	[tilespmem:$0x18980] =	vst v63  }
0xa3: {  	_ =	swait.ge [sflag:s24], $0x2800  }
0xa4: {  	[sflag:s24] =	ssyncset.done $0x0  }
0xa5: {  	[sflag:s24] =	ssyncadd.s32 $0xFFFFD800  }
0xa6: {  	[spmem:s1] =	stream.indirect.scatter.add.f32 [tilespmem:s21], [sflag:$0x3], $0x80, s2, s25, $0xb8;
	[tilespmem:$0x18980] =	vst v63  }
0xa7: {  	_ =	swait.ge [sflag:s26], $0x2800  }
0xa8: {  	[sflag:s26] =	ssyncset.done $0x0  }
0xa9: {  	s10 =	sadd.s32 $0x14, s19;
	s0 =	simm.s32 $0xA00;
	[sflag:s26] =	ssyncadd.s32 $0xFFFFD800  }
.LBB2_3:
0xaa: {  	[spmem:s1] =	stream.indirect.scatter.add.f32 [tilespmem:s23], [sflag:$0x4], $0x80, s22, s25, $0xb8;
	[tilespmem:$0x18980] =	vst v63  }
0xab: {  	s3 =	smov.u32 s0  }
0xac: {  	p3 =	sne.s32 s0, $0x4CE00;
	s0 =	sadd.s32 $0xA00, s0;
	_ =	swait.ge [sflag:s28], $0x2800  }
0xad: {  	[sflag:s28] =	ssyncset.done $0x0  }
0xae: {  	[sflag:s28] =	ssyncadd.s32 $0xFFFFD800  }
0xaf: {  	[tilespmem:s2], [sflag:$0x5] =	stream.linear.gather [hbm4b:s10+s2], $0x50, $0x38;
	[tilespmem:$0x18980] =	vst v63  }
0xb0: {  	_ =	swait.ge [sflag:s20], $0x50  }
0xb1: {  	s3 =	sadd.s32 s3, s14;
	[sflag:s20] =	ssyncset.done $0x0  }
0xb2: {  	s11 =	sadd.s32 $0xA00, s3;
	[sflag:s20] =	ssyncadd.s32 $0xFFFFFFB0  }
0xb3: {  	[tilespmem:s21], [sflag:$0x1] =	stream.linear.gather [hbm4b:s11+s2], $0x2800, $0x38;
	[tilespmem:$0x18980] =	vst v63  }
0xb4: {  	_ =	swait.ge [sflag:s29], $0x2800  }
0xb5: {  	[sflag:s29] =	ssyncset.done $0x0  }
0xb6: {  	s11 =	sadd.s32 $0xA, s10;
	[sflag:s29] =	ssyncadd.s32 $0xFFFFD800  }
0xb7: {  	[tilespmem:s22], [sflag:$0x5] =	stream.linear.gather [hbm4b:s11+s2], $0x50, $0x38;
	[tilespmem:$0x18980] =	vst v63  }
0xb8: {  	_ =	swait.ge [sflag:s20], $0x50  }
0xb9: {  	[sflag:s20] =	ssyncset.done $0x0  }
0xba: {  	s3 =	sadd.s32 $0xF00, s3;
	[sflag:s20] =	ssyncadd.s32 $0xFFFFFFB0  }
0xbb: {  	[tilespmem:s23], [sflag:$0x2] =	stream.linear.gather [hbm4b:s3+s2], $0x2800, $0x38;
	[tilespmem:$0x18980] =	vst v63  }
0xbc: {  	_ =	swait.ge [sflag:s24], $0x2800  }
0xbd: {  	[sflag:s24] =	ssyncset.done $0x0  }
.Ltmp6:
0xbe: {  	[sflag:s24] =	ssyncadd.s32 $0xFFFFD800;
	(pc) =	sbr.rel @p3 .LBB2_3-.Ltmp6, $4  }
0xbf: {  	[spmem:s1] =	stream.indirect.scatter.add.f32 [tilespmem:s21], [sflag:$0x3], $0x80, s2, s25, $0xb8;
	[tilespmem:$0x18980] =	vst v63  }
0xc0: {  	_ =	swait.ge [sflag:s26], $0x2800  }
0xc1: {  	[sflag:s26] =	ssyncset.done $0x0  }
0xc2: {  	s10 =	sadd.s32 $0x14, s10;
	[sflag:s26] =	ssyncadd.s32 $0xFFFFD800  }
0xc3: {  	[spmem:s1] =	stream.indirect.scatter.add.f32 [tilespmem:s23], [sflag:$0x4], $0x80, s22, s25, $0xb8;
	[tilespmem:$0x18980] =	vst v63  }
0xc4: {  	_ =	swait.ge [sflag:s28], $0x2800  }
0xc5: {  	[sflag:s28] =	ssyncset.done $0x0  }
0xc6: {  	[sflag:s28] =	ssyncadd.s32 $0xFFFFD800  }
0xc7: {  	_ =	swait.ge [sflag:s29], $0x2800  }
0xc8: {  	[sflag:s29] =	ssyncset.done $0x0  }
0xc9: {  	[sflag:s29] =	ssyncadd.s32 $0xFFFFD800  }
0xca: {  	[bflag:$0x0] =	sbarrier.arrive $0xFFFF  }
0xcb: {  	s0 =	rddreg [dreg:$0x6]  }
0xcc: {  	[hbm:s0], [sflag:s7] =	dma.local [spmem:s31], $0x2700  }
.Ltmp7:
0xcd: {  	_ = 	snop;
	(pc) =	sbr.rel @p0 .LBB2_9-.Ltmp7, $4  }
.Ltmp8:
0xce: {  	_ = 	snop;
	(pc) =	sbr.rel @!p0 .LBB2_8-.Ltmp8, $4  }
0xcf: {  	_ =	swait.ge [sflag:s20], $0x2700  }
0xd0: {  	[sflag:s20] =	ssyncset.done $0x0  }
0xd1: {  	s0 =	smov.u32 s4;
	[sflag:s20] =	ssyncadd.s32 $0xFFFFD900  }
0xd2: {  	_ = 	snop  }
.LBB2_10:
0xd3: {  	_ =	sfence.sel $0x180000  }
0xd4: {  	[bflag:$0x0] =	sbarrier.arrive $0xFFFF  }
0xd5: {  	_ =	strace $0x9000004A  }
0xd6: {  	[bflag:$0x2] =	sbarrier.arrive $0xFFFF  }
0xd7: {  	s0 =	rddreg [dreg:$0x4]  }
0xd8: {  	s0 =	sadd.s32 @!p0 $0x100000, s0  }
0xd9: {  	[sflag:s0] =	ssyncadd.tile.s32 @!p0 $0x1;
	_ =	shalt  }
.Lfunc_end2:
_tile_overlayer_lowered:
.L_overlay_start_2:
0xda: {  	(tag) =	ssettag $0x2  }
0xdb: {  	s0 =	rddreg [dreg:$0x0];
	s2 =	stileid.u32  }
0xdc: {  	s1 =	rddreg [dreg:$0x1];
	p0 =	sne.s32 s2, $0x0  }
0xdd: {  	s3 =	rddreg [dreg:$0x2];
	[bflag:$0x3] =	sbarrier.arrive $0xFFFF;
	s2 =	simm.s32 @!p0 $0x1C05  }
0xde: {  	[timem:s3], [sflag:s2] =	dma.local @!p0 [hbm:s0], s1  }
0xdf: {  	s0 =	simm.s32 @!p0 $0x5  }
0xe0: {  	_ =	swait.ge @!p0 [sflag:s0], s1  }
0xe1: {  	s1 =	ssub.s32 @!p0 $0x0, s1;
	[sflag:s0] =	ssyncset.done @!p0 $0x0  }
0xe2: {  	[sflag:s0] =	ssyncadd.s32 @!p0 s1  }
0xe3: {  	[bflag:$0x3] =	sbarrier.arrive $0xFFFF  }
0xe4: {  	_ =	shalt  }

// kernel: kernel.7.cloned.1.call-start
scs
__scs_entry_jumppad:
0x0: {  	(pc) =	sbr.rel $0x88, $3  }
0x1: {  	(tag) =	ssettag $0x0;
	lr =	simm.s32 $0x1  }
0x2: {  	[smem:$0x3F92] =	sst lr;
	_ =	strace $0xD0000000  }
0x3: {  	_ = 	snop  }
0x4: {  	_ = 	snop  }
0x5: {  	_ = 	snop  }
0x6: {  	_ = 	snop  }
0x7: {  	_ = 	snop  }
__scs_overlays_trampoline_lowered:
0x8: {  	[smem:$0x3FA1] =	sst s0  }
0x9: {  	[smem:$0x3FA2] =	sst s1  }
0xa: {  	[smem:$0x3FA3] =	sst s2  }
0xb: {  	[smem:$0x3FA4] =	sst s3  }
0xc: {  	[smem:$0x3FA5] =	sst s4  }
0xd: {  	[smem:$0x3FA6] =	sst s5  }
0xe: {  	[smem:$0x3FA7] =	sst s6  }
0xf: {  	[smem:$0x3FA8] =	sst s7  }
0x10: {  	[smem:$0x3FA9] =	sst s8  }
0x11: {  	[smem:$0x3FAA] =	sst s9;
	s0 =	simm.s32 @!p0 $0x0  }
0x12: {  	s1 =	sld [smem:$0x3F90];
	s0 =	simm.s32 @p0 $0x1  }
0x13: {  	[smem:$0x3FAB] =	sst s0;
	s0 =	simm.s32 @!p1 $0x0  }
0x14: {  	s2 =	sld [smem:$0x3F8F];
	s0 =	simm.s32 @p1 $0x1  }
0x15: {  	[smem:$0x3FAC] =	sst s0;
	s0 =	simm.s32 @!p2 $0x0  }
0x16: {  	s3 =	sld [smem:$0x3FDB];
	s0 =	simm.s32 @p2 $0x1  }
0x17: {  	s4 =	simm.s32 $0x1BF5;
	[smem:$0x3FAE] =	sst s0  }
0x18: {  	s0 =	sld [smem:$0x3F91];
	_ =	swait.ge [sflag:s4], $0x0  }
0x19: {  	s7 =	sld [smem:$0x3F92]  }
0x1a: {  	s8 =	sadd.s32 $0xFFFFE003, lr  }
0x1b: {  	s9 =	sadd.s32 $0xFFFFFEF7, lr;
	s5 =	simm.s32 $0xFFFFFFFF;
	p2 =	slt.u32 s8, $0xFFFFF086  }
0x1c: {  	p1 =	slt.u32 s9, $0xF7A;
	s5 =	simm.s32 @!p2 $0x0  }
0x1d: {  	s5 =	simm.s32 @p1 $0x1;
	p0 =	seq.s32 s7, s2  }
0x1e: {  	s7 =	smul.u32 @!p0 $0xF7A, s2;
	p2 =	seq.s32 @!p0 s5, $0x0  }
0x1f: {  	s9 =	smul.u32 $0xF7A, s1;
	s8 =	simm.s32 @!p0 $0x1BF5;
	p2 =	por !p2, p0  }
0x20: {  	[sflag:s8] =	ssyncset.s32 @!p0 $0xFFFFF086;
	s6 =	sadd.s32 @!p0 s3, s7;
	s7 =	simm.s32 @!p0 $0x108  }
0x21: {  	s3 =	sadd.s32 s3, s9;
	s6 =	sadd.s32 @!p0 $0x88, s6;
	s7 =	simm.s32 @p2 $0x1082  }
0x22: {  	[simem:s7], [sflag:s8] =	dma.local @!p0 [hbm:s6], $0xF7A  }
0x23: {  	s9 =	sor.u32 $0xD0000000, s2;
	s6 =	simm.s32 $0x108;
	_ =	swait.ge @!p0 [sflag:s8], $0x0  }
0x24: {  	s3 =	sadd.s32 $0x88, s3;
	s6 =	simm.s32 @!p1 $0x1082;
	[sflag:s4] =	ssyncset.s32 $0xFFFFF086  }
0x25: {  	[simem:s6], [sflag:s4] =	dma.local [hbm:s3], $0xF7A  }
0x26: {  	[smem:$0x3F92] =	sst s1;
	(tag) =	ssettag s2;
	_ =	strace s9  }
0x27: {  	s1 =	sld [smem:$0x3FA2]  }
0x28: {  	s2 =	sld [smem:$0x3FA3]  }
0x29: {  	s4 =	sld [smem:$0x3FA5]  }
0x2a: {  	p0 =	seq.s32 s5, $0x0;
	s5 =	sld [smem:$0x3FA6]  }
0x2b: {  	s6 =	sld [smem:$0x3FA7]  }
0x2c: {  	s7 =	sld [smem:$0x3FA8]  }
0x2d: {  	s3 =	simm.s32 $0x108;
	s8 =	sld [smem:$0x3FA9]  }
0x2e: {  	s3 =	simm.s32 @!p0 $0x1082;
	s9 =	sld [smem:$0x3FAA]  }
0x2f: {  	lr =	sadd.s32 s0, s3;
	s0 =	sld [smem:$0x3FA1]  }
0x30: {  	s3 =	sld [smem:$0x3FA4]  }
0x31: {  	[smem:$0x3FAD] =	sst s10  }
0x32: {  	s10 =	sld [smem:$0x3FAB];
	_ =	sdelay $0x3  }
0x33: {  	p0 =	seq.s32 s10, $0x1;
	s10 =	sld [smem:$0x3FAD];
	_ =	sdelay $0x3  }
0x34: {  	[smem:$0x3FAD] =	sst s10  }
0x35: {  	s10 =	sld [smem:$0x3FAC];
	_ =	sdelay $0x3  }
0x36: {  	p1 =	seq.s32 s10, $0x1;
	s10 =	sld [smem:$0x3FAD];
	_ =	sdelay $0x3  }
0x37: {  	[smem:$0x3FAD] =	sst s10  }
0x38: {  	s10 =	sld [smem:$0x3FAE]  }
0x39: {  	_ = 	snop;
	(pc) =	sbr.ind lr, $3  }
0x3a: {  	_ = 	snop  }
0x3b: {  	_ = 	snop  }
0x3c: {  	p2 =	seq.s32 s10, $0x1;
	s10 =	sld [smem:$0x3FAD]  }
0x3d: {  	_ =	shalt  }
0x3e: {  	_ =	shalt  }
0x3f: {  	_ =	shalt  }
0x40: {  	_ =	shalt  }
0x41: {  	_ =	shalt  }
0x42: {  	_ =	shalt  }
0x43: {  	_ =	shalt  }
0x44: {  	_ =	shalt  }
0x45: {  	_ =	shalt  }
0x46: {  	_ =	shalt  }
0x47: {  	_ =	shalt  }
0x48: {  	_ =	shalt  }
0x49: {  	_ =	shalt  }
0x4a: {  	_ =	shalt  }
0x4b: {  	_ =	shalt  }
0x4c: {  	_ =	shalt  }
0x4d: {  	_ =	shalt  }
0x4e: {  	_ =	shalt  }
0x4f: {  	_ =	shalt  }
0x50: {  	_ =	shalt  }
0x51: {  	_ =	shalt  }
0x52: {  	_ =	shalt  }
0x53: {  	_ =	shalt  }
0x54: {  	_ =	shalt  }
0x55: {  	_ =	shalt  }
0x56: {  	_ =	shalt  }
0x57: {  	_ =	shalt  }
0x58: {  	_ =	shalt  }
0x59: {  	_ =	shalt  }
0x5a: {  	_ =	shalt  }
0x5b: {  	_ =	shalt  }
0x5c: {  	_ =	shalt  }
0x5d: {  	_ =	shalt  }
0x5e: {  	_ =	shalt  }
0x5f: {  	_ =	shalt  }
0x60: {  	_ =	shalt  }
0x61: {  	_ =	shalt  }
0x62: {  	_ =	shalt  }
0x63: {  	_ =	shalt  }
0x64: {  	_ =	shalt  }
0x65: {  	_ =	shalt  }
0x66: {  	_ =	shalt  }
0x67: {  	_ =	shalt  }
0x68: {  	_ =	shalt  }
0x69: {  	_ =	shalt  }
0x6a: {  	_ =	shalt  }
0x6b: {  	_ =	shalt  }
0x6c: {  	_ =	shalt  }
0x6d: {  	_ =	shalt  }
0x6e: {  	_ =	shalt  }
0x6f: {  	_ =	shalt  }
0x70: {  	_ =	shalt  }
0x71: {  	_ =	shalt  }
0x72: {  	_ =	shalt  }
0x73: {  	_ =	shalt  }
0x74: {  	_ =	shalt  }
0x75: {  	_ =	shalt  }
0x76: {  	_ =	shalt  }
0x77: {  	_ =	shalt  }
0x78: {  	_ =	shalt  }
0x79: {  	_ =	shalt  }
0x7a: {  	_ =	shalt  }
0x7b: {  	_ =	shalt  }
0x7c: {  	_ =	shalt  }
0x7d: {  	_ =	shalt  }
0x7e: {  	_ =	shalt  }
0x7f: {  	_ =	shalt  }
0x80: {  	_ =	shalt  }
0x81: {  	_ =	shalt  }
0x82: {  	_ =	shalt  }
0x83: {  	_ =	shalt  }
0x84: {  	_ =	shalt  }
0x85: {  	_ =	shalt  }
0x86: {  	_ =	shalt  }
0x87: {  	_ =	shalt  }
.Lfunc_end0:
.L_simem_size_0:
called_computation_lowered:
.L_overlay_start_0:
0x88: {  	s2 =	sld [smem:$0x3FD9]  }
0x89: {  	s3 =	sld [smem:$0x3FFE];
	_ =	sdelay $0x1  }
0x8a: {  	s1 =	srdreg.scid  }
0x8b: {  	s0 =	sand.u32 $0x1, s1  }
0x8c: {  	s14 =	sshll.u32 s0, $0xA;
	s2 =	sadd.s32 s3, s2  }
0x8d: {  	s2 =	sadd.s32 s2, s14  }
0x8e: {  	[smem:$0x3FB9] =	sst s2  }
0x8f: {  	_ = 	snop  }
0x90: {  	s2 =	sld [smem:$0x3FD0];
	_ =	sdelay $0x2  }
0x91: {  	s15 =	simm.s32 $0xA;
	s4 =	simm.s32 $0x10  }
0x92: {  	[smem:s4], [sflag:s15] =	dma.local [hbm:s2], $0x1  }
0x93: {  	_ =	swait.eq [sflag:s15], $0x1  }
0x94: {  	[sflag:s15] =	ssyncset.done $0x0  }
0x95: {  	s16 =	sld [smem:$0x10];
	[sflag:s15] =	ssyncadd.s32 $0xFFFFFFFF  }
0x96: {  	s17 =	sld [smem:$0x11];
	(tm) =	ssettm $0x1  }
0x97: {  	s18 =	sld [smem:$0x3FFB];
	_ =	sdelay $0x3  }
0x98: {  	_ =	strace s18  }
0x99: {  	s4 =	sld [smem:$0x3FFC];
	_ =	sdelay $0x3  }
0x9a: {  	_ =	strace s4  }
0x9b: {  	s4 =	sld [smem:$0x3FFD];
	_ =	sdelay $0x3  }
0x9c: {  	_ =	strace s4  }
0x9d: {  	_ =	strace $0x8FFFFFFF  }
0x9e: {  	s19 =	sld [smem:$0x3FDB];
	_ =	sdelay $0x1  }
0x9f: {  	s5 =	simm.s32 $_scs_section_size  }
0xa0: {  	s6 =	simm.s32 $_size__tile_overlayer_lowered;
	s7 =	simm.s32 $_tile_overlayer_lowered  }
0xa1: {  	s22 =	simm.s32 $0x1BFF;
	s21 =	sshll.u32 s7, $0x1;
	s4 =	sadd.s32 s5, s19  }
0xa2: {  	s8 =	simm.s32 $0x0;
	s20 =	sshll.u32 s6, $0x1;
	s6 =	sadd.s32 s21, s4  }
0xa3: {  	[timem:s8], [sflag:s22] =	dma.local [hbm:s6], s20  }
0xa4: {  	_ =	swait.ge [sflag:s22], s20  }
0xa5: {  	s5 =	ssub.s32 $0x0, s20;
	[sflag:s22] =	ssyncset.done $0x0  }
0xa6: {  	[sflag:s22] =	ssyncadd.s32 s5;
	_ =	sdelay $0x1  }
0xa7: {  	s23 =	simm.s32 $0x1B8B  }
0xa8: {  	_ =	swait.ge [sflag:s23], $0x1  }
0xa9: {  	[sflag:s23] =	ssyncset.done $0x0  }
0xaa: {  	s25 =	simm.s32 $0x1B8E;
	s24 =	sld [smem:$0x3FFE];
	[sflag:s23] =	ssyncadd.s32 $0xFFFFFFFF  }
0xab: {  	s26 =	simm.s32 $execute0_lowered;
	[smem:$0x3FD2] =	sst s25  }
0xac: {  	s6 =	sshll.u32 s26, $0x1;
	_ =	strace $0x80000046;
	[dreg:$0x1] =	wrdreg $0xFFFFFFFF  }
0xad: {  	s28 =	simm.s32 $_size_execute0_lowered;
	s4 =	sadd.s32 s4, s6;
	[dreg:$0x0] =	wrdreg $0x0  }
0xae: {  	s6 =	sshll.u32 s28, $0x1;
	[dreg:$0x2] =	wrdreg s4  }
0xaf: {  	[dreg:$0x3] =	wrdreg s6  }
0xb0: {  	[dreg:$0x4] =	wrdreg $0xC0  }
0xb1: {  	_ =	task [dreg:s8], $0x5FFFF  }
0xb2: {  	[dreg:$0x1] =	wrdreg $0xFFFFFFFF  }
0xb3: {  	[dreg:$0x0] =	wrdreg $0x60  }
0xb4: {  	[dreg:$0x2] =	wrdreg s24  }
0xb5: {  	[dreg:$0x3] =	wrdreg s16  }
0xb6: {  	[dreg:$0x4] =	wrdreg s17  }
0xb7: {  	[dreg:$0x5] =	wrdreg $0x9  }
0xb8: {  	_ =	task.clear_ibuf [dreg:s8], $0x6FFFF;
	_ =	strace $0x90000046  }
0xb9: {  	s29 =	simm.s32 $0x9;
	_ =	strace $0x80000048  }
0xba: {  	_ =	swait.ge [sflag:s29], $0x1  }
0xbb: {  	[sflag:s29] =	ssyncadd.s32 $0xFFFFFFFF  }
0xbc: {  	_ =	strace $0x90000048  }
0xbd: {  	_ =	sfence  }
0xbe: {  	s30 =	sld [smem:$0x0];
	_ =	sdelay $0x2  }
0xbf: {  	s31 =	sshll.u32 s1, $0xD;
	s1 =	sshrl.u32 s1, $0x2  }
0xc0: {  	s3 =	sand.u32 $0x4000, s31;
	s1 =	sadd.s32 s1, s30  }
0xc1: {  	s0 =	sor.u32 s3, s0;
	s1 =	sshll.u32 s1, $0x11  }
0xc2: {  	s0 =	sor.u32 s1, s0  }
0xc3: {  	s0 =	sadd.s32 $0x8F2B, s0  }
0xc4: {  	[sflag:s0] =	ssyncadd.remote.s32 $0x1  }
0xc5: {  	_ =	sfence.sel $0xFFFF  }
0xc6: {  	[dreg:$0x0] =	wrdreg $0xFFFFFFFF;
	(pc) =	sbr.abs _section_cstart, $3  }
0xc7: {  	[dreg:$0x1] =	wrdreg $0xFFFFFFFF  }
0xc8: {  	_ =	task.clear_ibuf [dreg:s8], $0x2FFFF;
	_ =	strace $0x9FFFFFFF  }
0xc9: {  	(tm) =	ssettm $0x7FFFFFFF  }
tec
execute0_lowered:
.L_overlay_start_1:
0x0: {  	(tag) =	ssettag $0x1  }
0x1: {  	s0 =	rddreg [dreg:$0x0]  }
0x2: {  	s12 =	rddreg [dreg:$0x1]  }
0x3: {  	s14 =	rddreg [dreg:$0x2]  }
0x4: {  	s4 =	simm.s32 $0x0;
	s1 =	srdreg.scid;
	s13 =	stileid.u32  }
0x5: {  	s24 =	simm.s32 $0x80;
	s25 =	simm.s32 $0x180;
	s26 =	simm.s32 $0xAA00  }
0x6: {  	s15 =	simm.s32 $0xE200;
	s16 =	simm.s32 $0xEA00;
	s17 =	simm.s32 $0xFA00  }
0x7: {  	s20 =	simm.s32 $0x100;
	s18 =	simm.s32 $0x10200;
	s19 =	simm.s32 $0x10A00  }
0x8: {  	s21 =	simm.s32 $0x11200;
	s28 =	simm.s32 $0x3200;
	[smem:$0x7FF] =	sst s4  }
0x9: {  	s29 =	simm.s32 $0x3A00;
	_ =	strace $0x80000047;
	[dreg:$0x6] =	wrdreg s24  }
0xa: {  	s30 =	simm.s32 $0x4200;
	s31 =	simm.s32 $0x4A00;
	[dreg:$0x7] =	wrdreg s25  }
0xb: {  	s1 =	sand.u32 $0x1, s1;
	s2 =	sshll.u32 s13, $0x1;
	[dreg:$0x8] =	wrdreg s26  }
0xc: {  	s5 =	sadd.s32 $0x2B800, s0;
	s6 =	sadd.s32 $0x79A00, s0;
	[dreg:$0xf] =	wrdreg s15  }
0xd: {  	s3 =	sadd.s32 $0xC7C00, s0;
	s8 =	smul.u32 $0x9C400, s13;
	[dreg:$0x10] =	wrdreg s16  }
0xe: {  	s0 =	sadd.s32 $0xA8BC00, s0;
	s2 =	sor.u32 s1, s2;
	[dreg:$0x11] =	wrdreg s17  }
0xf: {  	s7 =	ssub.s32 $0x2, s1;
	s10 =	smul.u32 $0x4E200, s1;
	[dreg:$0x12] =	wrdreg s18  }
0x10: {  	s1 =	smul.u32 $0x2710, s1;
	s16 =	simm.s32 $0x200;
	[dreg:$0x13] =	wrdreg s19  }
0x11: {  	[dreg:$0x14] =	wrdreg s21;
	s24 =	simm.s32 $0x12A00;
	s25 =	simm.s32 $0x13200  }
0x12: {  	s26 =	simm.s32 $0x13A00;
	s21 =	simm.s32 $0xA00;
	[dreg:$0x17] =	wrdreg s24  }
0x13: {  	s2 =	smul.u32 $0x2710, s2;
	s9 =	sshrl.u32 s7, $0x1;
	[dreg:$0x18] =	wrdreg s25  }
0x14: {  	s22 =	sadd.s32 s8, s3;
	s8 =	sadd.s32 s8, s0;
	[dreg:$0x19] =	wrdreg s26  }
0x15: {  	s26 =	simm.s32 $0x5200;
	s24 =	simm.s32 $0x2200;
	s25 =	simm.s32 $0x2A00  }
0x16: {  	s7 =	ssub.s32 s7, s9;
	s9 =	sadd.s32 s10, s22;
	s8 =	sadd.s32 s10, s8  }
0x17: {  	s10 =	simm.s32 $0xC200;
	s22 =	simm.s32 $0x11A00;
	[dreg:$0x4] =	wrdreg s9  }
0x18: {  	s2 =	sadd.s32 $0x26C0, s2;
	[dreg:$0x5] =	wrdreg s8;
	s8 =	smul.u32 $0x4E20, s13  }
0x19: {  	s9 =	simm.s32 $0xBA00;
	[dreg:$0xb] =	wrdreg s10;
	s13 =	simm.s32 $0xD200  }
0x1a: {  	[dreg:$0x15] =	wrdreg s22;
	s10 =	simm.s32 $0x1;
	s22 =	simm.s32 $0x1200  }
0x1b: {  	s11 =	sshrl.u32 s2, $0x3;
	s2 =	sshll.u32 s2, $0x5;
	[dreg:$0xa] =	wrdreg s9  }
0x1c: {  	[dreg:$0xd] =	wrdreg s13;
	s9 =	simm.s32 $0xF200;
	s14 =	sadd.s32 s14, s11  }
0x1d: {  	s23 =	sadd.s32 s12, s11;
	s3 =	sadd.s32 s3, s2;
	[dreg:$0x1a] =	wrdreg s14  }
0x1e: {  	s0 =	sadd.s32 s0, s2;
	s11 =	smax.u32 s7, $0x1;
	[dreg:$0x1b] =	wrdreg s23  }
0x1f: {  	s12 =	simm.s32 $0xCA00;
	s1 =	sadd.s32 s1, s8;
	[dreg:$0x1c] =	wrdreg s3  }
0x20: {  	s8 =	simm.s32 $0xA200;
	s2 =	simm.s32 $0x6200;
	[dreg:$0x1d] =	wrdreg s0  }
0x21: {  	s7 =	simm.s32 $0x7A00;
	s3 =	simm.s32 $0xB200;
	[dreg:$0x1e] =	wrdreg s11  }
0x22: {  	[dreg:$0xc] =	wrdreg s12;
	s12 =	sshrl.u32 s1, $0x3;
	s14 =	simm.s32 $0xDA00  }
0x23: {  	s1 =	sadd.s32 $0x50, s1;
	s23 =	simm.s32 $0x12200;
	[dreg:$0x9] =	wrdreg s3  }
0x24: {  	v2 =	vlaneseq.u32;
	s11 =	simm.s32 $0x2;
	s0 =	simm.s32 $0x0;
	[dreg:$0xe] =	wrdreg s14  }
0x25: {  	vm0 =	vmmov $0xffff;
	v1 =	vshrl.u32 v2, $0x3;
	s13 =	sshrl.u32 s1, $0x3;
	s14 =	simm.s32 $0x5;
	[dreg:$0x16] =	wrdreg s23  }
0x26: {  	v0 =	vand.u32 $0x7, v2;
	v2 =	vor.u32 $0x8, v2;
	v1 =	vmul.u32 $0x8, v1;
	s23 =	simm.s32 $0x1A00;
	s1 =	simm.s32 $0x6A00;
	s3 =	simm.s32 $0x7200  }
.LBB2_1:
0x27: {  	[dreg:$0x1f] =	wrdreg s0  }
0x28: {  	s15 =	rddreg [dreg:$0x2]  }
0x29: {  	s0 =	simm.s32 $0x5A00;
	s17 =	rddreg [dreg:$0x1];
	s18 =	simm.s32 $0x0  }
.LBB2_2:
0x2a: {  	p0 =	seq.s32 s18, $0x0  }
0x2b: {  	s19 =	simm.s32 @!p0 $0x3  }
0x2c: {  	_ =	swait.ge @!p0 [sflag:s19], $0x5000  }
0x2d: {  	[sflag:s19] =	ssyncset.done @!p0 $0x0  }
0x2e: {  	[sflag:s19] =	ssyncadd.s32 @!p0 $0xFFFFB000  }
0x2f: {  	_ =	swait.ge @!p0 [sflag:s19], $0x5000  }
0x30: {  	[sflag:s19] =	ssyncset.done @!p0 $0x0  }
0x31: {  	[sflag:s19] =	ssyncadd.s32 @!p0 $0xFFFFB000;
	s19 =	sadd.s32 s15, s12  }
0x32: {  	[tilespmem:s4], [sflag:$0x5] =	stream.linear.gather [hbm4b:s19+s4], $0x50, $0x38;
	[tilespmem:$0x14200] =	vst v63  }
0x33: {  	_ =	swait.ge [sflag:s14], $0x50  }
0x34: {  	[sflag:s14] =	ssyncset.done $0x0  }
0x35: {  	s19 =	sadd.s32 s17, s12;
	[sflag:s14] =	ssyncadd.s32 $0xFFFFFFB0  }
0x36: {  	[tilespmem:s20], [sflag:$0x5] =	stream.linear.gather [hbm4b:s19+s4], $0x50, $0x38;
	[tilespmem:$0x14200] =	vst v63  }
0x37: {  	_ =	swait.ge [sflag:s14], $0x50  }
0x38: {  	[sflag:s14] =	ssyncset.done $0x0  }
0x39: {  	[sflag:s14] =	ssyncadd.s32 $0xFFFFFFB0  }
0x3a: {  	v3 =	vld [tilespmem:$0x0];
	_ =	sdelay $0x4  }
0x3b: {  	v4 =	vshll.u32 v3, $0x1  }
0x3c: {  	v3 =	vand.u32 $0x7, v3;
	v4 =	vand.u32 $0xFFFFFFF0, v4  }
0x3d: {  	v3 =	vor.u32 v3, v4  }
0x3e: {  	v4 =	vperm.xlane v3, v0;
	_ =	sdelay $0x1  }
0x3f: {  	v3 =	vperm.xlane v3, v2;
	v4 =	vadd.s32 v1, v4;
	_ =	sdelay $0x1  }
0x40: {  	v3 =	vadd.s32 v1, v3;
	_ =	sdelay $0x2  }
0x41: {  	[tilespmem:s16], [sflag:$0x1] =	stream.indirect_vreg.gather [hbm4b:s5+s4], $0x80, v4, vm0, $0xb8;
	[tilespmem:$0x14200] =	vst v63  }
0x42: {  	_ = 	snop  }
0x43: {  	[tilespmem:s21], [sflag:$0x1] =	stream.indirect_vreg.gather [hbm4b:s5+s4], $0x80, v3, vm0, $0xb8;
	[tilespmem:$0x14200] =	vst v63  }
0x44: {  	v3 =	vld [tilespmem:$0x10];
	_ =	sdelay $0x4  }
0x45: {  	v45 =	vshll.u32 v3, $0x1  }
0x46: {  	v3 =	vand.u32 $0x7, v3;
	v4 =	vand.u32 $0xFFFFFFF0, v45  }
0x47: {  	v3 =	vor.u32 v3, v4  }
0x48: {  	v4 =	vperm.xlane v3, v0;
	_ =	sdelay $0x1  }
0x49: {  	v3 =	vperm.xlane v3, v2;
	v4 =	vadd.s32 v1, v4;
	_ =	sdelay $0x1  }
0x4a: {  	v3 =	vadd.s32 v1, v3;
	_ =	sdelay $0x2  }
0x4b: {  	[tilespmem:s22], [sflag:$0x1] =	stream.indirect_vreg.gather [hbm4b:s5+s4], $0x80, v4, vm0, $0xb8;
	[tilespmem:$0x14200] =	vst v63  }
0x4c: {  	_ = 	snop  }
0x4d: {  	[tilespmem:s23], [sflag:$0x1] =	stream.indirect_vreg.gather [hbm4b:s5+s4], $0x80, v3, vm0, $0xb8;
	[tilespmem:$0x14200] =	vst v63  }
0x4e: {  	v3 =	vld [tilespmem:$0x20];
	_ =	sdelay $0x4  }
0x4f: {  	v46 =	vshll.u32 v3, $0x1  }
0x50: {  	v3 =	vand.u32 $0x7, v3;
	v4 =	vand.u32 $0xFFFFFFF0, v46  }
0x51: {  	v3 =	vor.u32 v3, v4  }
0x52: {  	v4 =	vperm.xlane v3, v0;
	_ =	sdelay $0x1  }
0x53: {  	v3 =	vperm.xlane v3, v2;
	v4 =	vadd.s32 v1, v4;
	_ =	sdelay $0x1  }
0x54: {  	v3 =	vadd.s32 v1, v3;
	_ =	sdelay $0x2  }
0x55: {  	[tilespmem:s24], [sflag:$0x1] =	stream.indirect_vreg.gather [hbm4b:s5+s4], $0x80, v4, vm0, $0xb8;
	[tilespmem:$0x14200] =	vst v63  }
0x56: {  	_ = 	snop  }
0x57: {  	[tilespmem:s25], [sflag:$0x1] =	stream.indirect_vreg.gather [hbm4b:s5+s4], $0x80, v3, vm0, $0xb8;
	[tilespmem:$0x14200] =	vst v63  }
0x58: {  	v3 =	vld [tilespmem:$0x30];
	_ =	sdelay $0x4  }
0x59: {  	v47 =	vshll.u32 v3, $0x1  }
0x5a: {  	v3 =	vand.u32 $0x7, v3;
	v4 =	vand.u32 $0xFFFFFFF0, v47  }
0x5b: {  	v3 =	vor.u32 v3, v4  }
0x5c: {  	v4 =	vperm.xlane v3, v0;
	_ =	sdelay $0x1  }
0x5d: {  	v3 =	vperm.xlane v3, v2;
	v4 =	vadd.s32 v1, v4;
	_ =	sdelay $0x1  }
0x5e: {  	v3 =	vadd.s32 v1, v3;
	_ =	sdelay $0x2  }
0x5f: {  	[tilespmem:s28], [sflag:$0x1] =	stream.indirect_vreg.gather [hbm4b:s5+s4], $0x80, v4, vm0, $0xb8;
	[tilespmem:$0x14200] =	vst v63  }
0x60: {  	_ = 	snop  }
0x61: {  	[tilespmem:s29], [sflag:$0x1] =	stream.indirect_vreg.gather [hbm4b:s5+s4], $0x80, v3, vm0, $0xb8;
	[tilespmem:$0x14200] =	vst v63  }
0x62: {  	v3 =	vld [tilespmem:$0x40];
	_ =	sdelay $0x4  }
0x63: {  	v48 =	vshll.u32 v3, $0x1  }
0x64: {  	v3 =	vand.u32 $0x7, v3;
	v4 =	vand.u32 $0xFFFFFFF0, v48  }
0x65: {  	v3 =	vor.u32 v3, v4  }
0x66: {  	v4 =	vperm.xlane v3, v0;
	_ =	sdelay $0x1  }
0x67: {  	v3 =	vperm.xlane v3, v2;
	v4 =	vadd.s32 v1, v4;
	_ =	sdelay $0x1  }
0x68: {  	v3 =	vadd.s32 v1, v3;
	_ =	sdelay $0x2  }
0x69: {  	[tilespmem:s30], [sflag:$0x1] =	stream.indirect_vreg.gather [hbm4b:s5+s4], $0x80, v4, vm0, $0xb8;
	[tilespmem:$0x14200] =	vst v63  }
0x6a: {  	_ = 	snop  }
0x6b: {  	[tilespmem:s31], [sflag:$0x1] =	stream.indirect_vreg.gather [hbm4b:s5+s4], $0x80, v3, vm0, $0xb8;
	[tilespmem:$0x14200] =	vst v63  }
0x6c: {  	v3 =	vld [tilespmem:$0x100];
	_ =	sdelay $0x4  }
0x6d: {  	v49 =	vshll.u32 v3, $0x1  }
0x6e: {  	v3 =	vand.u32 $0x7, v3;
	v4 =	vand.u32 $0xFFFFFFF0, v49  }
0x6f: {  	v3 =	vor.u32 v3, v4  }
0x70: {  	v4 =	vperm.xlane v3, v0;
	_ =	sdelay $0x1  }
0x71: {  	v3 =	vperm.xlane v3, v2;
	v4 =	vadd.s32 v1, v4;
	_ =	sdelay $0x1  }
0x72: {  	v3 =	vadd.s32 v1, v3;
	_ =	sdelay $0x2  }
0x73: {  	[tilespmem:s26], [sflag:$0x1] =	stream.indirect_vreg.gather [hbm4b:s6+s4], $0x80, v4, vm0, $0xb8;
	[tilespmem:$0x14200] =	vst v63  }
0x74: {  	_ = 	snop  }
0x75: {  	[tilespmem:s0], [sflag:$0x1] =	stream.indirect_vreg.gather [hbm4b:s6+s4], $0x80, v3, vm0, $0xb8;
	[tilespmem:$0x14200] =	vst v63  }
0x76: {  	v3 =	vld [tilespmem:$0x110];
	_ =	sdelay $0x4  }
0x77: {  	v50 =	vshll.u32 v3, $0x1  }
0x78: {  	v3 =	vand.u32 $0x7, v3;
	v4 =	vand.u32 $0xFFFFFFF0, v50  }
0x79: {  	v3 =	vor.u32 v3, v4  }
0x7a: {  	v4 =	vperm.xlane v3, v0;
	_ =	sdelay $0x1  }
0x7b: {  	v3 =	vperm.xlane v3, v2;
	v4 =	vadd.s32 v1, v4;
	_ =	sdelay $0x1  }
0x7c: {  	v3 =	vadd.s32 v1, v3;
	_ =	sdelay $0x2  }
0x7d: {  	[tilespmem:s2], [sflag:$0x1] =	stream.indirect_vreg.gather [hbm4b:s6+s4], $0x80, v4, vm0, $0xb8;
	[tilespmem:$0x14200] =	vst v63  }
0x7e: {  	_ = 	snop  }
0x7f: {  	[tilespmem:s1], [sflag:$0x1] =	stream.indirect_vreg.gather [hbm4b:s6+s4], $0x80, v3, vm0, $0xb8;
	[tilespmem:$0x14200] =	vst v63  }
0x80: {  	v3 =	vld [tilespmem:$0x120];
	_ =	sdelay $0x4  }
0x81: {  	v51 =	vshll.u32 v3, $0x1  }
0x82: {  	v3 =	vand.u32 $0x7, v3;
	v4 =	vand.u32 $0xFFFFFFF0, v51  }
0x83: {  	v3 =	vor.u32 v3, v4  }
0x84: {  	v4 =	vperm.xlane v3, v0;
	_ =	sdelay $0x1  }
0x85: {  	v3 =	vperm.xlane v3, v2;
	v4 =	vadd.s32 v1, v4;
	_ =	sdelay $0x1  }
0x86: {  	v3 =	vadd.s32 v1, v3;
	_ =	sdelay $0x2  }
0x87: {  	[tilespmem:s3], [sflag:$0x1] =	stream.indirect_vreg.gather [hbm4b:s6+s4], $0x80, v4, vm0, $0xb8;
	[tilespmem:$0x14200] =	vst v63  }
0x88: {  	_ = 	snop  }
0x89: {  	[tilespmem:s7], [sflag:$0x1] =	stream.indirect_vreg.gather [hbm4b:s6+s4], $0x80, v3, vm0, $0xb8;
	[tilespmem:$0x14200] =	vst v63  }
0x8a: {  	v3 =	vld [tilespmem:$0x130];
	_ =	sdelay $0x4  }
0x8b: {  	v52 =	vshll.u32 v3, $0x1  }
0x8c: {  	v3 =	vand.u32 $0x7, v3;
	v4 =	vand.u32 $0xFFFFFFF0, v52  }
0x8d: {  	v3 =	vor.u32 v3, v4  }
0x8e: {  	v4 =	vperm.xlane v3, v0;
	_ =	sdelay $0x1  }
0x8f: {  	v3 =	vperm.xlane v3, v2;
	v4 =	vadd.s32 v1, v4;
	_ =	sdelay $0x1  }
0x90: {  	v3 =	vadd.s32 v1, v3;
	_ =	sdelay $0x1  }
0x91: {  	s20 =	simm.s32 $0x8200  }
0x92: {  	[tilespmem:s20], [sflag:$0x1] =	stream.indirect_vreg.gather [hbm4b:s6+s4], $0x80, v4, vm0, $0xb8;
	[tilespmem:$0x14200] =	vst v63  }
0x93: {  	s20 =	simm.s32 $0x8A00  }
0x94: {  	[tilespmem:s20], [sflag:$0x1] =	stream.indirect_vreg.gather [hbm4b:s6+s4], $0x80, v3, vm0, $0xb8;
	[tilespmem:$0x14200] =	vst v63  }
0x95: {  	v3 =	vld [tilespmem:$0x140];
	_ =	sdelay $0x4  }
0x96: {  	v53 =	vshll.u32 v3, $0x1  }
0x97: {  	v3 =	vand.u32 $0x7, v3;
	v4 =	vand.u32 $0xFFFFFFF0, v53  }
0x98: {  	v3 =	vor.u32 v3, v4  }
0x99: {  	v4 =	vperm.xlane v3, v0;
	_ =	sdelay $0x1  }
0x9a: {  	v3 =	vperm.xlane v3, v2;
	v4 =	vadd.s32 v1, v4;
	_ =	sdelay $0x1  }
0x9b: {  	v3 =	vadd.s32 v1, v3;
	_ =	sdelay $0x1  }
0x9c: {  	s20 =	simm.s32 $0x9200  }
0x9d: {  	[tilespmem:s20], [sflag:$0x1] =	stream.indirect_vreg.gather [hbm4b:s6+s4], $0x80, v4, vm0, $0xb8;
	[tilespmem:$0x14200] =	vst v63  }
0x9e: {  	s19 =	simm.s32 @!p0 $0x4;
	s20 =	simm.s32 $0x9A00  }
0x9f: {  	[tilespmem:s20], [sflag:$0x1] =	stream.indirect_vreg.gather [hbm4b:s6+s4], $0x80, v3, vm0, $0xb8;
	[tilespmem:$0x14200] =	vst v63  }
0xa0: {  	_ =	swait.ge @!p0 [sflag:s19], $0x5000  }
0xa1: {  	[sflag:s19] =	ssyncset.done @!p0 $0x0  }
0xa2: {  	[sflag:s19] =	ssyncadd.s32 @!p0 $0xFFFFB000  }
0xa3: {  	_ =	swait.ge @!p0 [sflag:s19], $0x5000  }
0xa4: {  	[sflag:s19] =	ssyncset.done @!p0 $0x0  }
0xa5: {  	s20 =	rddreg [dreg:$0x6];
	[sflag:s19] =	ssyncadd.s32 @!p0 $0xFFFFB000;
	s19 =	sadd.s32 s15, s13  }
0xa6: {  	[tilespmem:s20], [sflag:$0x5] =	stream.linear.gather [hbm4b:s19+s4], $0x50, $0x38;
	[tilespmem:$0x14200] =	vst v63  }
0xa7: {  	_ =	swait.ge [sflag:s14], $0x50  }
0xa8: {  	[sflag:s14] =	ssyncset.done $0x0  }
0xa9: {  	s20 =	sadd.s32 s17, s13;
	s19 =	rddreg [dreg:$0x7];
	[sflag:s14] =	ssyncadd.s32 $0xFFFFFFB0  }
0xaa: {  	[tilespmem:s19], [sflag:$0x5] =	stream.linear.gather [hbm4b:s20+s4], $0x50, $0x38;
	[tilespmem:$0x14200] =	vst v63  }
0xab: {  	_ =	swait.ge [sflag:s14], $0x50  }
0xac: {  	[sflag:s14] =	ssyncset.done $0x0  }
0xad: {  	[sflag:s14] =	ssyncadd.s32 $0xFFFFFFB0  }
0xae: {  	v3 =	vld [tilespmem:$0x80];
	_ =	sdelay $0x4  }
0xaf: {  	v54 =	vshll.u32 v3, $0x1  }
0xb0: {  	v3 =	vand.u32 $0x7, v3;
	v4 =	vand.u32 $0xFFFFFFF0, v54  }
0xb1: {  	v3 =	vor.u32 v3, v4  }
0xb2: {  	v4 =	vperm.xlane v3, v0;
	_ =	sdelay $0x1  }
0xb3: {  	v3 =	vperm.xlane v3, v2;
	v4 =	vadd.s32 v1, v4;
	_ =	sdelay $0x1  }
0xb4: {  	v3 =	vadd.s32 v1, v3;
	_ =	sdelay $0x2  }
0xb5: {  	[tilespmem:s8], [sflag:$0x2] =	stream.indirect_vreg.gather [hbm4b:s5+s4], $0x80, v4, vm0, $0xb8;
	[tilespmem:$0x14200] =	vst v63  }
0xb6: {  	s20 =	rddreg [dreg:$0x8]  }
0xb7: {  	[tilespmem:s20], [sflag:$0x2] =	stream.indirect_vreg.gather [hbm4b:s5+s4], $0x80, v3, vm0, $0xb8;
	[tilespmem:$0x14200] =	vst v63  }
0xb8: {  	v3 =	vld [tilespmem:$0x90];
	_ =	sdelay $0x4  }
0xb9: {  	v55 =	vshll.u32 v3, $0x1  }
0xba: {  	v3 =	vand.u32 $0x7, v3;
	v4 =	vand.u32 $0xFFFFFFF0, v55  }
0xbb: {  	v3 =	vor.u32 v3, v4  }
0xbc: {  	v4 =	vperm.xlane v3, v0;
	_ =	sdelay $0x1  }
0xbd: {  	v3 =	vperm.xlane v3, v2;
	v4 =	vadd.s32 v1, v4;
	_ =	sdelay $0x1  }
0xbe: {  	v3 =	vadd.s32 v1, v3;
	_ =	sdelay $0x1  }
0xbf: {  	s19 =	rddreg [dreg:$0x9]  }
0xc0: {  	[tilespmem:s19], [sflag:$0x2] =	stream.indirect_vreg.gather [hbm4b:s5+s4], $0x80, v4, vm0, $0xb8;
	[tilespmem:$0x14200] =	vst v63  }
0xc1: {  	s20 =	rddreg [dreg:$0xa]  }
0xc2: {  	[tilespmem:s20], [sflag:$0x2] =	stream.indirect_vreg.gather [hbm4b:s5+s4], $0x80, v3, vm0, $0xb8;
	[tilespmem:$0x14200] =	vst v63  }
0xc3: {  	v3 =	vld [tilespmem:$0xA0];
	_ =	sdelay $0x4  }
0xc4: {  	v56 =	vshll.u32 v3, $0x1  }
0xc5: {  	v3 =	vand.u32 $0x7, v3;
	v4 =	vand.u32 $0xFFFFFFF0, v56  }
0xc6: {  	v3 =	vor.u32 v3, v4  }
0xc7: {  	v4 =	vperm.xlane v3, v0;
	_ =	sdelay $0x1  }
0xc8: {  	v3 =	vperm.xlane v3, v2;
	v4 =	vadd.s32 v1, v4;
	_ =	sdelay $0x1  }
0xc9: {  	v3 =	vadd.s32 v1, v3;
	_ =	sdelay $0x1  }
0xca: {  	s19 =	rddreg [dreg:$0xb]  }
0xcb: {  	[tilespmem:s19], [sflag:$0x2] =	stream.indirect_vreg.gather [hbm4b:s5+s4], $0x80, v4, vm0, $0xb8;
	[tilespmem:$0x14200] =	vst v63  }
0xcc: {  	s20 =	rddreg [dreg:$0xc]  }
0xcd: {  	[tilespmem:s20], [sflag:$0x2] =	stream.indirect_vreg.gather [hbm4b:s5+s4], $0x80, v3, vm0, $0xb8;
	[tilespmem:$0x14200] =	vst v63  }
0xce: {  	v3 =	vld [tilespmem:$0xB0];
	_ =	sdelay $0x4  }
0xcf: {  	v57 =	vshll.u32 v3, $0x1  }
0xd0: {  	v3 =	vand.u32 $0x7, v3;
	v4 =	vand.u32 $0xFFFFFFF0, v57  }
0xd1: {  	v3 =	vor.u32 v3, v4  }
0xd2: {  	v4 =	vperm.xlane v3, v0;
	_ =	sdelay $0x1  }
0xd3: {  	v3 =	vperm.xlane v3, v2;
	v4 =	vadd.s32 v1, v4;
	_ =	sdelay $0x1  }
0xd4: {  	v3 =	vadd.s32 v1, v3;
	_ =	sdelay $0x1  }
0xd5: {  	s19 =	rddreg [dreg:$0xd]  }
0xd6: {  	[tilespmem:s19], [sflag:$0x2] =	stream.indirect_vreg.gather [hbm4b:s5+s4], $0x80, v4, vm0, $0xb8;
	[tilespmem:$0x14200] =	vst v63  }
0xd7: {  	s20 =	rddreg [dreg:$0xe]  }
0xd8: {  	[tilespmem:s20], [sflag:$0x2] =	stream.indirect_vreg.gather [hbm4b:s5+s4], $0x80, v3, vm0, $0xb8;
	[tilespmem:$0x14200] =	vst v63  }
0xd9: {  	v3 =	vld [tilespmem:$0xC0];
	_ =	sdelay $0x4  }
0xda: {  	v58 =	vshll.u32 v3, $0x1  }
0xdb: {  	v3 =	vand.u32 $0x7, v3;
	v4 =	vand.u32 $0xFFFFFFF0, v58  }
0xdc: {  	v3 =	vor.u32 v3, v4  }
0xdd: {  	v4 =	vperm.xlane v3, v0;
	_ =	sdelay $0x1  }
0xde: {  	v3 =	vperm.xlane v3, v2;
	v4 =	vadd.s32 v1, v4;
	_ =	sdelay $0x1  }
0xdf: {  	v3 =	vadd.s32 v1, v3;
	_ =	sdelay $0x1  }
0xe0: {  	s19 =	rddreg [dreg:$0xf]  }
0xe1: {  	[tilespmem:s19], [sflag:$0x2] =	stream.indirect_vreg.gather [hbm4b:s5+s4], $0x80, v4, vm0, $0xb8;
	[tilespmem:$0x14200] =	vst v63  }
0xe2: {  	s20 =	rddreg [dreg:$0x10]  }
0xe3: {  	[tilespmem:s20], [sflag:$0x2] =	stream.indirect_vreg.gather [hbm4b:s5+s4], $0x80, v3, vm0, $0xb8;
	[tilespmem:$0x14200] =	vst v63  }
0xe4: {  	v3 =	vld [tilespmem:$0x180];
	_ =	sdelay $0x4  }
0xe5: {  	v59 =	vshll.u32 v3, $0x1  }
0xe6: {  	v3 =	vand.u32 $0x7, v3;
	v4 =	vand.u32 $0xFFFFFFF0, v59  }
0xe7: {  	v3 =	vor.u32 v3, v4  }
0xe8: {  	v4 =	vperm.xlane v3, v0;
	_ =	sdelay $0x1  }
0xe9: {  	v3 =	vperm.xlane v3, v2;
	v4 =	vadd.s32 v1, v4;
	_ =	sdelay $0x1  }
0xea: {  	v3 =	vadd.s32 v1, v3;
	_ =	sdelay $0x2  }
0xeb: {  	[tilespmem:s9], [sflag:$0x2] =	stream.indirect_vreg.gather [hbm4b:s6+s4], $0x80, v4, vm0, $0xb8;
	[tilespmem:$0x14200] =	vst v63  }
0xec: {  	s20 =	rddreg [dreg:$0x11]  }
0xed: {  	[tilespmem:s20], [sflag:$0x2] =	stream.indirect_vreg.gather [hbm4b:s6+s4], $0x80, v3, vm0, $0xb8;
	[tilespmem:$0x14200] =	vst v63  }
0xee: {  	v3 =	vld [tilespmem:$0x190];
	_ =	sdelay $0x4  }
0xef: {  	v60 =	vshll.u32 v3, $0x1  }
0xf0: {  	v3 =	vand.u32 $0x7, v3;
	v4 =	vand.u32 $0xFFFFFFF0, v60  }
0xf1: {  	v3 =	vor.u32 v3, v4  }
0xf2: {  	v4 =	vperm.xlane v3, v0;
	_ =	sdelay $0x1  }
0xf3: {  	v3 =	vperm.xlane v3, v2;
	v4 =	vadd.s32 v1, v4;
	_ =	sdelay $0x1  }
0xf4: {  	v3 =	vadd.s32 v1, v3;
	_ =	sdelay $0x1  }
0xf5: {  	s19 =	rddreg [dreg:$0x12]  }
0xf6: {  	[tilespmem:s19], [sflag:$0x2] =	stream.indirect_vreg.gather [hbm4b:s6+s4], $0x80, v4, vm0, $0xb8;
	[tilespmem:$0x14200] =	vst v63  }
0xf7: {  	s20 =	rddreg [dreg:$0x13]  }
0xf8: {  	[tilespmem:s20], [sflag:$0x2] =	stream.indirect_vreg.gather [hbm4b:s6+s4], $0x80, v3, vm0, $0xb8;
	[tilespmem:$0x14200] =	vst v63  }
0xf9: {  	v3 =	vld [tilespmem:$0x1A0];
	_ =	sdelay $0x4  }
0xfa: {  	v61 =	vshll.u32 v3, $0x1  }
0xfb: {  	v3 =	vand.u32 $0x7, v3;
	v4 =	vand.u32 $0xFFFFFFF0, v61  }
0xfc: {  	v3 =	vor.u32 v3, v4  }
0xfd: {  	v4 =	vperm.xlane v3, v0;
	_ =	sdelay $0x1  }
0xfe: {  	v3 =	vperm.xlane v3, v2;
	v4 =	vadd.s32 v1, v4;
	_ =	sdelay $0x1  }
0xff: {  	v3 =	vadd.s32 v1, v3;
	_ =	sdelay $0x1  }
0x100: {  	s19 =	rddreg [dreg:$0x14]  }
0x101: {  	[tilespmem:s19], [sflag:$0x2] =	stream.indirect_vreg.gather [hbm4b:s6+s4], $0x80, v4, vm0, $0xb8;
	[tilespmem:$0x14200] =	vst v63  }
0x102: {  	s20 =	rddreg [dreg:$0x15]  }
0x103: {  	[tilespmem:s20], [sflag:$0x2] =	stream.indirect_vreg.gather [hbm4b:s6+s4], $0x80, v3, vm0, $0xb8;
	[tilespmem:$0x14200] =	vst v63  }
0x104: {  	v3 =	vld [tilespmem:$0x1B0];
	_ =	sdelay $0x4  }
0x105: {  	v62 =	vshll.u32 v3, $0x1  }
0x106: {  	v3 =	vand.u32 $0x7, v3;
	v4 =	vand.u32 $0xFFFFFFF0, v62  }
0x107: {  	v3 =	vor.u32 v3, v4  }
0x108: {  	v4 =	vperm.xlane v3, v0;
	_ =	sdelay $0x1  }
0x109: {  	v3 =	vperm.xlane v3, v2;
	v4 =	vadd.s32 v1, v4;
	_ =	sdelay $0x1  }
0x10a: {  	v3 =	vadd.s32 v1, v3;
	_ =	sdelay $0x1  }
0x10b: {  	s19 =	rddreg [dreg:$0x16]  }
0x10c: {  	[tilespmem:s19], [sflag:$0x2] =	stream.indirect_vreg.gather [hbm4b:s6+s4], $0x80, v4, vm0, $0xb8;
	[tilespmem:$0x14200] =	vst v63  }
0x10d: {  	s20 =	rddreg [dreg:$0x17]  }
0x10e: {  	[tilespmem:s20], [sflag:$0x2] =	stream.indirect_vreg.gather [hbm4b:s6+s4], $0x80, v3, vm0, $0xb8;
	[tilespmem:$0x14200] =	vst v63  }
0x10f: {  	v3 =	vld [tilespmem:$0x1C0];
	_ =	sdelay $0x4  }
0x110: {  	v63 =	vshll.u32 v3, $0x1  }
0x111: {  	v3 =	vand.u32 $0x7, v3;
	v4 =	vand.u32 $0xFFFFFFF0, v63  }
0x112: {  	v3 =	vor.u32 v3, v4  }
0x113: {  	v4 =	vperm.xlane v3, v0;
	_ =	sdelay $0x1  }
0x114: {  	v3 =	vperm.xlane v3, v2;
	v4 =	vadd.s32 v1, v4;
	_ =	sdelay $0x1  }
0x115: {  	v3 =	vadd.s32 v1, v3;
	_ =	sdelay $0x1  }
0x116: {  	s19 =	rddreg [dreg:$0x18]  }
0x117: {  	[tilespmem:s19], [sflag:$0x2] =	stream.indirect_vreg.gather [hbm4b:s6+s4], $0x80, v4, vm0, $0xb8;
	[tilespmem:$0x14200] =	vst v63  }
0x118: {  	s20 =	rddreg [dreg:$0x19]  }
0x119: {  	[tilespmem:s20], [sflag:$0x2] =	stream.indirect_vreg.gather [hbm4b:s6+s4], $0x80, v3, vm0, $0xb8;
	[tilespmem:$0x14200] =	vst v63  }
0x11a: {  	_ =	swait.ge [sflag:s10], $0x5000  }
0x11b: {  	[sflag:s10] =	ssyncset.done $0x0  }
0x11c: {  	[sflag:s10] =	ssyncadd.s32 $0xFFFFB000  }
0x11d: {  	_ =	swait.ge [sflag:s10], $0x5000  }
0x11e: {  	s19 =	rddreg [dreg:$0x4];
	[sflag:s10] =	ssyncset.done $0x0  }
0x11f: {  	s20 =	rddreg [dreg:$0x5];
	[sflag:s10] =	ssyncadd.s32 $0xFFFFB000;
	s19 =	sadd.s32 s18, s19  }
0x120: {  	[hbm4b:s19+s4] =	stream.linear.scatter [tilespmem:s16], [sflag:$0x3], $0x5000, $0x38;
	[tilespmem:$0x14200] =	vst v63  }
0x121: {  	s20 =	sadd.s32 s18, s20  }
0x122: {  	[hbm4b:s20+s4] =	stream.linear.scatter [tilespmem:s26], [sflag:$0x3], $0x5000, $0x38;
	[tilespmem:$0x14200] =	vst v63  }
0x123: {  	_ =	swait.ge [sflag:s11], $0x5000  }
0x124: {  	[sflag:s11] =	ssyncset.done $0x0  }
0x125: {  	s18 =	sadd.s32 $0x1400, s18;
	[sflag:s11] =	ssyncadd.s32 $0xFFFFB000  }
0x126: {  	p0 =	sne.s32 s18, $0x4D800;
	_ =	swait.ge [sflag:s11], $0x5000  }
.Ltmp0:
0x127: {  	[sflag:s11] =	ssyncset.done $0x0;
	(pc) =	sbr.rel @p0 .LBB2_2-.Ltmp0, $4  }
0x128: {  	s15 =	sadd.s32 $0x14, s15;
	s19 =	sadd.s32 $0xA00, s19;
	[sflag:s11] =	ssyncadd.s32 $0xFFFFB000  }
0x129: {  	[hbm4b:s19+s4] =	stream.linear.scatter [tilespmem:s8], [sflag:$0x4], $0x5000, $0x38;
	[tilespmem:$0x14200] =	vst v63  }
0x12a: {  	s17 =	sadd.s32 $0x14, s17;
	s19 =	sadd.s32 $0xA00, s20;
	s20 =	simm.s32 $0x100  }
0x12b: {  	[hbm4b:s19+s4] =	stream.linear.scatter [tilespmem:s9], [sflag:$0x4], $0x5000, $0x38;
	[tilespmem:$0x14200] =	vst v63  }
0x12c: {  	s15 =	simm.s32 $0x3  }
0x12d: {  	_ =	swait.ge [sflag:s15], $0x5000  }
0x12e: {  	[sflag:s15] =	ssyncset.done $0x0  }
0x12f: {  	[sflag:s15] =	ssyncadd.s32 $0xFFFFB000  }
0x130: {  	_ =	swait.ge [sflag:s15], $0x5000  }
0x131: {  	[sflag:s15] =	ssyncset.done $0x0  }
0x132: {  	s17 =	simm.s32 $0x4;
	[sflag:s15] =	ssyncadd.s32 $0xFFFFB000  }
0x133: {  	_ =	swait.ge [sflag:s17], $0x5000  }
0x134: {  	[sflag:s17] =	ssyncset.done $0x0  }
0x135: {  	[sflag:s17] =	ssyncadd.s32 $0xFFFFB000  }
0x136: {  	_ =	swait.ge [sflag:s17], $0x5000  }
0x137: {  	[sflag:s17] =	ssyncset.done $0x0  }
0x138: {  	s18 =	rddreg [dreg:$0x1a];
	[sflag:s17] =	ssyncadd.s32 $0xFFFFB000  }
0x139: {  	[tilespmem:s4], [sflag:$0x5] =	stream.linear.gather [hbm4b:s18+s4], $0x50, $0x38;
	[tilespmem:$0x14200] =	vst v63  }
0x13a: {  	_ =	swait.ge [sflag:s14], $0x50  }
0x13b: {  	[sflag:s14] =	ssyncset.done $0x0  }
0x13c: {  	s19 =	rddreg [dreg:$0x1b];
	[sflag:s14] =	ssyncadd.s32 $0xFFFFFFB0  }
0x13d: {  	[tilespmem:s20], [sflag:$0x5] =	stream.linear.gather [hbm4b:s19+s4], $0x50, $0x38;
	[tilespmem:$0x14200] =	vst v63  }
0x13e: {  	_ =	swait.ge [sflag:s14], $0x50  }
0x13f: {  	[sflag:s14] =	ssyncset.done $0x0  }
0x140: {  	[sflag:s14] =	ssyncadd.s32 $0xFFFFFFB0  }
0x141: {  	v3 =	vld [tilespmem:$0x0];
	_ =	sdelay $0x4  }
0x142: {  	v4 =	vshll.u32 v3, $0x1  }
0x143: {  	v3 =	vand.u32 $0x7, v3;
	v4 =	vand.u32 $0xFFFFFFF0, v4  }
0x144: {  	v3 =	vor.u32 v3, v4  }
0x145: {  	v4 =	vperm.xlane v3, v0;
	_ =	sdelay $0x1  }
0x146: {  	v3 =	vperm.xlane v3, v2;
	v4 =	vadd.s32 v1, v4;
	_ =	sdelay $0x1  }
0x147: {  	v3 =	vadd.s32 v1, v3;
	_ =	sdelay $0x2  }
0x148: {  	[tilespmem:s16], [sflag:$0x1] =	stream.indirect_vreg.gather [hbm4b:s5+s4], $0x80, v4, vm0, $0xb8;
	[tilespmem:$0x14200] =	vst v63  }
0x149: {  	_ = 	snop  }
0x14a: {  	[tilespmem:s21], [sflag:$0x1] =	stream.indirect_vreg.gather [hbm4b:s5+s4], $0x80, v3, vm0, $0xb8;
	[tilespmem:$0x14200] =	vst v63  }
0x14b: {  	v3 =	vld [tilespmem:$0x10];
	_ =	sdelay $0x4  }
0x14c: {  	v55 =	vshll.u32 v3, $0x1  }
0x14d: {  	v3 =	vand.u32 $0x7, v3;
	v4 =	vand.u32 $0xFFFFFFF0, v55  }
0x14e: {  	v3 =	vor.u32 v3, v4  }
0x14f: {  	v4 =	vperm.xlane v3, v0;
	_ =	sdelay $0x1  }
0x150: {  	v3 =	vperm.xlane v3, v2;
	v4 =	vadd.s32 v1, v4;
	_ =	sdelay $0x1  }
0x151: {  	v3 =	vadd.s32 v1, v3;
	_ =	sdelay $0x2  }
0x152: {  	[tilespmem:s22], [sflag:$0x1] =	stream.indirect_vreg.gather [hbm4b:s5+s4], $0x80, v4, vm0, $0xb8;
	[tilespmem:$0x14200] =	vst v63  }
0x153: {  	_ = 	snop  }
0x154: {  	[tilespmem:s23], [sflag:$0x1] =	stream.indirect_vreg.gather [hbm4b:s5+s4], $0x80, v3, vm0, $0xb8;
	[tilespmem:$0x14200] =	vst v63  }
0x155: {  	v3 =	vld [tilespmem:$0x20];
	_ =	sdelay $0x4  }
0x156: {  	v56 =	vshll.u32 v3, $0x1  }
0x157: {  	v3 =	vand.u32 $0x7, v3;
	v4 =	vand.u32 $0xFFFFFFF0, v56  }
0x158: {  	v3 =	vor.u32 v3, v4  }
0x159: {  	v4 =	vperm.xlane v3, v0;
	_ =	sdelay $0x1  }
0x15a: {  	v3 =	vperm.xlane v3, v2;
	v4 =	vadd.s32 v1, v4;
	_ =	sdelay $0x1  }
0x15b: {  	v3 =	vadd.s32 v1, v3;
	_ =	sdelay $0x2  }
0x15c: {  	[tilespmem:s24], [sflag:$0x1] =	stream.indirect_vreg.gather [hbm4b:s5+s4], $0x80, v4, vm0, $0xb8;
	[tilespmem:$0x14200] =	vst v63  }
0x15d: {  	_ = 	snop  }
0x15e: {  	[tilespmem:s25], [sflag:$0x1] =	stream.indirect_vreg.gather [hbm4b:s5+s4], $0x80, v3, vm0, $0xb8;
	[tilespmem:$0x14200] =	vst v63  }
0x15f: {  	v3 =	vld [tilespmem:$0x30];
	_ =	sdelay $0x4  }
0x160: {  	v57 =	vshll.u32 v3, $0x1  }
0x161: {  	v3 =	vand.u32 $0x7, v3;
	v4 =	vand.u32 $0xFFFFFFF0, v57  }
0x162: {  	v3 =	vor.u32 v3, v4  }
0x163: {  	v4 =	vperm.xlane v3, v0;
	_ =	sdelay $0x1  }
0x164: {  	v3 =	vperm.xlane v3, v2;
	v4 =	vadd.s32 v1, v4;
	_ =	sdelay $0x1  }
0x165: {  	v3 =	vadd.s32 v1, v3;
	_ =	sdelay $0x2  }
0x166: {  	[tilespmem:s28], [sflag:$0x1] =	stream.indirect_vreg.gather [hbm4b:s5+s4], $0x80, v4, vm0, $0xb8;
	[tilespmem:$0x14200] =	vst v63  }
0x167: {  	_ = 	snop  }
0x168: {  	[tilespmem:s29], [sflag:$0x1] =	stream.indirect_vreg.gather [hbm4b:s5+s4], $0x80, v3, vm0, $0xb8;
	[tilespmem:$0x14200] =	vst v63  }
0x169: {  	v3 =	vld [tilespmem:$0x40];
	_ =	sdelay $0x4  }
0x16a: {  	v58 =	vshll.u32 v3, $0x1  }
0x16b: {  	v3 =	vand.u32 $0x7, v3;
	v4 =	vand.u32 $0xFFFFFFF0, v58  }
0x16c: {  	v3 =	vor.u32 v3, v4  }
0x16d: {  	v4 =	vperm.xlane v3, v0;
	_ =	sdelay $0x1  }
0x16e: {  	v3 =	vperm.xlane v3, v2;
	v4 =	vadd.s32 v1, v4;
	_ =	sdelay $0x1  }
0x16f: {  	v3 =	vadd.s32 v1, v3;
	_ =	sdelay $0x2  }
0x170: {  	[tilespmem:s30], [sflag:$0x1] =	stream.indirect_vreg.gather [hbm4b:s5+s4], $0x80, v4, vm0, $0xb8;
	[tilespmem:$0x14200] =	vst v63  }
0x171: {  	_ = 	snop  }
0x172: {  	[tilespmem:s31], [sflag:$0x1] =	stream.indirect_vreg.gather [hbm4b:s5+s4], $0x80, v3, vm0, $0xb8;
	[tilespmem:$0x14200] =	vst v63  }
0x173: {  	v3 =	vld [tilespmem:$0x100];
	_ =	sdelay $0x4  }
0x174: {  	v59 =	vshll.u32 v3, $0x1  }
0x175: {  	v3 =	vand.u32 $0x7, v3;
	v4 =	vand.u32 $0xFFFFFFF0, v59  }
0x176: {  	v3 =	vor.u32 v3, v4  }
0x177: {  	v4 =	vperm.xlane v3, v0;
	_ =	sdelay $0x1  }
0x178: {  	v3 =	vperm.xlane v3, v2;
	v4 =	vadd.s32 v1, v4;
	_ =	sdelay $0x1  }
0x179: {  	v3 =	vadd.s32 v1, v3;
	_ =	sdelay $0x2  }
0x17a: {  	[tilespmem:s26], [sflag:$0x1] =	stream.indirect_vreg.gather [hbm4b:s6+s4], $0x80, v4, vm0, $0xb8;
	[tilespmem:$0x14200] =	vst v63  }
0x17b: {  	_ = 	snop  }
0x17c: {  	[tilespmem:s0], [sflag:$0x1] =	stream.indirect_vreg.gather [hbm4b:s6+s4], $0x80, v3, vm0, $0xb8;
	[tilespmem:$0x14200] =	vst v63  }
0x17d: {  	v3 =	vld [tilespmem:$0x110];
	_ =	sdelay $0x4  }
0x17e: {  	v60 =	vshll.u32 v3, $0x1  }
0x17f: {  	v3 =	vand.u32 $0x7, v3;
	v4 =	vand.u32 $0xFFFFFFF0, v60  }
0x180: {  	v3 =	vor.u32 v3, v4  }
0x181: {  	v4 =	vperm.xlane v3, v0;
	_ =	sdelay $0x1  }
0x182: {  	v3 =	vperm.xlane v3, v2;
	v4 =	vadd.s32 v1, v4;
	_ =	sdelay $0x1  }
0x183: {  	v3 =	vadd.s32 v1, v3;
	_ =	sdelay $0x2  }
0x184: {  	[tilespmem:s2], [sflag:$0x1] =	stream.indirect_vreg.gather [hbm4b:s6+s4], $0x80, v4, vm0, $0xb8;
	[tilespmem:$0x14200] =	vst v63  }
0x185: {  	_ = 	snop  }
0x186: {  	[tilespmem:s1], [sflag:$0x1] =	stream.indirect_vreg.gather [hbm4b:s6+s4], $0x80, v3, vm0, $0xb8;
	[tilespmem:$0x14200] =	vst v63  }
0x187: {  	v3 =	vld [tilespmem:$0x120];
	_ =	sdelay $0x4  }
0x188: {  	v61 =	vshll.u32 v3, $0x1  }
0x189: {  	v3 =	vand.u32 $0x7, v3;
	v4 =	vand.u32 $0xFFFFFFF0, v61  }
0x18a: {  	v3 =	vor.u32 v3, v4  }
0x18b: {  	v4 =	vperm.xlane v3, v0;
	_ =	sdelay $0x1  }
0x18c: {  	v3 =	vperm.xlane v3, v2;
	v4 =	vadd.s32 v1, v4;
	_ =	sdelay $0x1  }
0x18d: {  	v3 =	vadd.s32 v1, v3;
	_ =	sdelay $0x2  }
0x18e: {  	[tilespmem:s3], [sflag:$0x1] =	stream.indirect_vreg.gather [hbm4b:s6+s4], $0x80, v4, vm0, $0xb8;
	[tilespmem:$0x14200] =	vst v63  }
0x18f: {  	_ = 	snop  }
0x190: {  	[tilespmem:s7], [sflag:$0x1] =	stream.indirect_vreg.gather [hbm4b:s6+s4], $0x80, v3, vm0, $0xb8;
	[tilespmem:$0x14200] =	vst v63  }
0x191: {  	v3 =	vld [tilespmem:$0x130];
	_ =	sdelay $0x4  }
0x192: {  	v62 =	vshll.u32 v3, $0x1  }
0x193: {  	v3 =	vand.u32 $0x7, v3;
	v4 =	vand.u32 $0xFFFFFFF0, v62  }
0x194: {  	v3 =	vor.u32 v3, v4  }
0x195: {  	v4 =	vperm.xlane v3, v0;
	_ =	sdelay $0x1  }
0x196: {  	v3 =	vperm.xlane v3, v2;
	v4 =	vadd.s32 v1, v4;
	_ =	sdelay $0x1  }
0x197: {  	v3 =	vadd.s32 v1, v3;
	_ =	sdelay $0x1  }
0x198: {  	s15 =	simm.s32 $0x8200  }
0x199: {  	[tilespmem:s15], [sflag:$0x1] =	stream.indirect_vreg.gather [hbm4b:s6+s4], $0x80, v4, vm0, $0xb8;
	[tilespmem:$0x14200] =	vst v63  }
0x19a: {  	s17 =	simm.s32 $0x8A00  }
0x19b: {  	[tilespmem:s17], [sflag:$0x1] =	stream.indirect_vreg.gather [hbm4b:s6+s4], $0x80, v3, vm0, $0xb8;
	[tilespmem:$0x14200] =	vst v63  }
0x19c: {  	v3 =	vld [tilespmem:$0x140];
	_ =	sdelay $0x4  }
0x19d: {  	v63 =	vshll.u32 v3, $0x1  }
0x19e: {  	v3 =	vand.u32 $0x7, v3;
	v4 =	vand.u32 $0xFFFFFFF0, v63  }
0x19f: {  	v3 =	vor.u32 v3, v4  }
0x1a0: {  	v4 =	vperm.xlane v3, v0;
	_ =	sdelay $0x1  }
0x1a1: {  	v3 =	vperm.xlane v3, v2;
	v4 =	vadd.s32 v1, v4;
	_ =	sdelay $0x1  }
0x1a2: {  	v3 =	vadd.s32 v1, v3;
	_ =	sdelay $0x1  }
0x1a3: {  	s18 =	simm.s32 $0x9200  }
0x1a4: {  	[tilespmem:s18], [sflag:$0x1] =	stream.indirect_vreg.gather [hbm4b:s6+s4], $0x80, v4, vm0, $0xb8;
	[tilespmem:$0x14200] =	vst v63  }
0x1a5: {  	s19 =	simm.s32 $0x9A00  }
0x1a6: {  	[tilespmem:s19], [sflag:$0x1] =	stream.indirect_vreg.gather [hbm4b:s6+s4], $0x80, v3, vm0, $0xb8;
	[tilespmem:$0x14200] =	vst v63  }
0x1a7: {  	_ =	swait.ge [sflag:s10], $0x5000  }
0x1a8: {  	[sflag:s10] =	ssyncset.done $0x0  }
0x1a9: {  	[sflag:s10] =	ssyncadd.s32 $0xFFFFB000  }
0x1aa: {  	_ =	swait.ge [sflag:s10], $0x5000  }
0x1ab: {  	[sflag:s10] =	ssyncset.done $0x0  }
0x1ac: {  	s0 =	rddreg [dreg:$0x1c];
	[sflag:s10] =	ssyncadd.s32 $0xFFFFB000  }
0x1ad: {  	[hbm4b:s0+s4] =	stream.linear.scatter [tilespmem:s16], [sflag:$0x5], $0x5000, $0x38;
	[tilespmem:$0x14200] =	vst v63  }
0x1ae: {  	_ =	swait.ge [sflag:s14], $0x5000  }
0x1af: {  	[sflag:s14] =	ssyncset.done $0x0  }
0x1b0: {  	s17 =	rddreg [dreg:$0x1d];
	[sflag:s14] =	ssyncadd.s32 $0xFFFFB000  }
0x1b1: {  	[hbm4b:s17+s4] =	stream.linear.scatter [tilespmem:s26], [sflag:$0x5], $0x5000, $0x38;
	[tilespmem:$0x14200] =	vst v63  }
0x1b2: {  	_ =	swait.ge [sflag:s14], $0x5000  }
0x1b3: {  	s18 =	rddreg [dreg:$0x1f]  }
0x1b4: {  	s19 =	rddreg [dreg:$0x1e];
	s0 =	sadd.s32 $0x1, s18  }
0x1b5: {  	p0 =	sne.s32 s0, s19  }
.Ltmp1:
0x1b6: {  	_ = 	snop;
	(pc) =	sbr.rel @p0 .LBB2_1-.Ltmp1, $3  }
0x1b7: {  	_ =	sdelay $0x1  }
0x1b8: {  	[sflag:s14] =	ssyncset.done $0x0  }
0x1b9: {  	[sflag:s14] =	ssyncadd.s32 $0xFFFFB000  }
0x1ba: {  	_ =	sfence.sel $0x180000  }
0x1bb: {  	[bflag:$0x0] =	sbarrier.arrive $0xFFFF  }
0x1bc: {  	_ =	strace $0x90000047  }
0x1bd: {  	s0 =	stileid.u32;
	[bflag:$0x2] =	sbarrier.arrive $0xFFFF  }
0x1be: {  	p0 =	sne.s32 s0, $0x0;
	s0 =	rddreg [dreg:$0x3]  }
0x1bf: {  	s0 =	sadd.s32 @!p0 $0x100000, s0  }
0x1c0: {  	[sflag:s0] =	ssyncadd.tile.s32 @!p0 $0x1;
	_ =	shalt  }
.Lfunc_end2:
_tile_overlayer_lowered:
.L_overlay_start_2:
0x1c1: {  	(tag) =	ssettag $0x2  }
0x1c2: {  	s0 =	rddreg [dreg:$0x0];
	s2 =	stileid.u32  }
0x1c3: {  	s1 =	rddreg [dreg:$0x1];
	p0 =	sne.s32 s2, $0x0  }
0x1c4: {  	s3 =	rddreg [dreg:$0x2];
	[bflag:$0x3] =	sbarrier.arrive $0xFFFF;
	s2 =	simm.s32 @!p0 $0x1C05  }
0x1c5: {  	[timem:s3], [sflag:s2] =	dma.local @!p0 [hbm:s0], s1  }
0x1c6: {  	s0 =	simm.s32 @!p0 $0x5  }
0x1c7: {  	_ =	swait.ge @!p0 [sflag:s0], s1  }
0x1c8: {  	s1 =	ssub.s32 @!p0 $0x0, s1;
	[sflag:s0] =	ssyncset.done @!p0 $0x0  }
0x1c9: {  	[sflag:s0] =	ssyncadd.s32 @!p0 s1  }
0x1ca: {  	[bflag:$0x3] =	sbarrier.arrive $0xFFFF  }
0x1cb: {  	_ =	shalt  }

</sc_bundles>
